<compile_context>
chip_gen: v7x
topology: tpu7x:2x2x1
jax: 0.10.2.dev20260603
libtpu: 0.0.44.dev20260713+nightly
codegen_flags: <defaults>
</compile_context>

<pallas_src>
import functools

import jax
import jax.numpy as jnp
from jax import lax
from jax.experimental import pallas as pl
from jax.experimental.pallas import tpu as pltpu
from jax.experimental.pallas import tpu_sc as plsc

N = 10000
D = 128
G = 64
E = 320000
PN = 10240
DR = PN // D
CH = 64
NC = 2
NS = 16
NW = NC * NS
KCH = 164
TE = NW * KCH * CH
RPS = PN // NS
B1 = 1000
B3 = 1024


def _stage1_body(x_ref, w_ref, as_ref, ad_ref, xw_ref, sc_ref, dc_ref,
                 m_ref, mscr):
    i = pl.program_id(0)
    xw = jnp.dot(x_ref[...], w_ref[...], preferred_element_type=jnp.float32)
    xw_ref[...] = xw
    a_s = jnp.dot(xw, as_ref[...], preferred_element_type=jnp.float32)
    a_d = jnp.dot(xw, ad_ref[...], preferred_element_type=jnp.float32)
    sc_ref[...] = a_s
    dc_ref[...] = a_d

    @pl.when(i == 0)
    def _():
        mscr[0] = -jnp.inf
        mscr[1] = -jnp.inf

    mscr[0] = jnp.maximum(mscr[0], jnp.max(a_s))
    mscr[1] = jnp.maximum(mscr[1], jnp.max(a_d))

    @pl.when(i == pl.num_programs(0) - 1)
    def _():
        mr = mscr[0] + mscr[1]
        m_ref[0, 0] = jnp.where(mr >= 0, mr, 0.2 * mr)


_stage1 = pl.pallas_call(
    _stage1_body,
    grid=(N // B1,),
    in_specs=[
        pl.BlockSpec((B1, D), lambda i: (i, 0)),
        pl.BlockSpec((D, D), lambda i: (0, 0)),
        pl.BlockSpec((D, 8), lambda i: (0, 0)),
        pl.BlockSpec((D, 8), lambda i: (0, 0)),
    ],
    out_specs=[
        pl.BlockSpec((B1, D), lambda i: (i, 0)),
        pl.BlockSpec((B1, 8), lambda i: (i, 0)),
        pl.BlockSpec((B1, 8), lambda i: (i, 0)),
        pl.BlockSpec(memory_space=pltpu.SMEM),
    ],
    out_shape=[
        jax.ShapeDtypeStruct((N, D), jnp.float32),
        jax.ShapeDtypeStruct((N, 8), jnp.float32),
        jax.ShapeDtypeStruct((N, 8), jnp.float32),
        jax.ShapeDtypeStruct((1, 1), jnp.float32),
    ],
    scratch_shapes=[pltpu.SMEM((2,), jnp.float32)],
)


def _edge_body(xw_hbm, as_hbm, ad_hbm, src_hbm, dst_hbm, m_hbm,
               out_hbm, outd_hbm,
               acc, dsh, as_v, ad_v, src_c, dst_c, m_v, den_v, idx_v,
               rows, exb,
               gsem0, gsem1, ssem0, ssem1, isem0, isem1, isem2, isem3):
    c = lax.axis_index("c")
    s = lax.axis_index("s")
    wid = c * NS + s
    gsems = (gsem0, gsem1)
    ssems = (ssem0, ssem1)
    isems = (isem0, isem1, isem2, isem3)
    NQ = KCH // 4

    pltpu.sync_copy(as_hbm, as_v)
    pltpu.sync_copy(ad_hbm, ad_v)
    pltpu.sync_copy(m_hbm, m_v)

    iot = lax.broadcasted_iota(jnp.int32, (16,), 0)
    zv = jnp.zeros((16,), jnp.float32)

    def zrow(i, carry):
        for k in range(D // 16):
            rows[0, i, pl.ds(k * 16, 16)] = zv
        return carry

    lax.fori_loop(0, CH, zrow, 0)

    def zden(i, carry):
        for k in range(D // 16):
            den_v[i, pl.ds(k * 16, 16)] = zv
        return carry

    lax.fori_loop(0, DR, zden, 0)
    for k in range(DR // 16):
        idx_v[pl.ds(k * 16, 16)] = iot + (k * 16)

    for q in range(RPS // CH):
        pltpu.sync_copy(rows.at[0],
                        acc.at[pl.ds(s * RPS + q * CH, CH)])

    @pl.when(s == 0)
    def _():
        pltpu.sync_copy(rows.at[0], dsh.at[pl.ds(0, CH)])
        pltpu.sync_copy(rows.at[0, pl.ds(0, DR - CH)],
                        dsh.at[pl.ds(CH, DR - CH)])

    plsc.subcore_barrier()

    mvec = m_v[...]

    def idx_copies(jj, sl):
        return (pltpu.make_async_copy(src_hbm.at[wid, jj, 0],
                                      src_c.at[sl], isems[sl]),
                pltpu.make_async_copy(dst_hbm.at[wid, jj, 0],
                                      dst_c.at[sl], isems[sl]))

    def gat_copy(sl, rs):
        return pltpu.make_async_copy(xw_hbm.at[src_c.at[sl]],
                                     rows.at[rs], gsems[rs])

    def sct_copy(sl, rs):
        return pltpu.make_async_copy(rows.at[rs],
                                     acc.at[dst_c.at[sl]], ssems[rs])

    for d in idx_copies(0, 0):
        d.start()
    for d in idx_copies(1, 1):
        d.start()
    for d in idx_copies(0, 0):
        d.wait()
    gat_copy(0, 0).start()

    def quad(q, carry):
        for b in range(4):
            sl, rs = b, b & 1
            for k in range(CH // 16):
                dv = dst_c[sl, pl.ds(k * 16, 16)]
                e = (plsc.load_gather(as_v, [src_c[sl, pl.ds(k * 16, 16)]])
                     + plsc.load_gather(ad_v, [dv]))
                e = jnp.where(e >= 0, e, 0.2 * e) - mvec
                ex = jnp.exp(e)
                exb[pl.ds(k * 16, 16)] = ex
                plsc.addupdate_scatter(
                    den_v, [lax.shift_right_logical(dv, 7),
                            lax.bitwise_and(dv, 127)], ex)

            def w_prev():
                sct_copy((b - 1) % 4, (b - 1) % 2).wait()

            if b == 0:
                pl.when(q > 0)(w_prev)
            else:
                w_prev()

            def s_idx2():
                for d in idx_copies(4 * q + b + 2, (b + 2) % 4):
                    d.start()

            if b < 2:
                s_idx2()
            else:
                pl.when(q < NQ - 1)(s_idx2)

            def sg_next():
                for d in idx_copies(4 * q + b + 1, (b + 1) % 4):
                    d.wait()
                gat_copy((b + 1) % 4, (b + 1) % 2).start()

            if b < 3:
                sg_next()
            else:
                pl.when(q < NQ - 1)(sg_next)

            gat_copy(sl, rs).wait()

            def srow(i, carry2):
                bx = plsc.load_gather(exb, [jnp.full((16,), i, jnp.int32)])
                for k in range(D // 16):
                    rows[rs, i, pl.ds(k * 16, 16)] = (
                        rows[rs, i, pl.ds(k * 16, 16)] * bx)
                return carry2

            lax.fori_loop(0, CH, srow, 0)

            sct_copy(sl, rs).start(add=True)
        return carry

    lax.fori_loop(0, NQ, quad, 0)
    sct_copy(3, 1).wait()

    plsc.subcore_barrier()
    pltpu.sync_copy(den_v, dsh.at[idx_v], add=True)
    plsc.subcore_barrier()

    pltpu.sync_copy(acc.at[pl.ds(s * RPS, RPS)],
                    out_hbm.at[c, pl.ds(s * RPS, RPS)])

    @pl.when(s == 0)
    def _():
        pltpu.sync_copy(dsh, outd_hbm.at[c])


_edge_pass = functools.partial(
    pl.kernel,
    out_type=[jax.ShapeDtypeStruct((NC, PN, D), jnp.float32),
              jax.ShapeDtypeStruct((NC, DR, D), jnp.float32)],
    mesh=plsc.VectorSubcoreMesh(core_axis_name="c", subcore_axis_name="s"),
    compiler_params=pltpu.CompilerParams(needs_layout_passes=False),
    scratch_types=[
        pltpu.VMEM_SHARED((PN, D), jnp.float32),
        pltpu.VMEM_SHARED((DR, D), jnp.float32),
        pltpu.VMEM((PN,), jnp.float32),
        pltpu.VMEM((PN,), jnp.float32),
        pltpu.VMEM((4, CH), jnp.int32),
        pltpu.VMEM((4, CH), jnp.int32),
        pltpu.VMEM((16,), jnp.float32),
        pltpu.VMEM((DR, D), jnp.float32),
        pltpu.VMEM((DR,), jnp.int32),
        pltpu.VMEM((2, CH, D), jnp.float32),
        pltpu.VMEM((CH,), jnp.float32),
    ] + [pltpu.SemaphoreType.DMA] * 8,
)(_edge_body)


def _stage3_body(n0_ref, n1_ref, d0_ref, d1_ref, bt_ref, bg_ref, wl_ref,
                 bl_ref, out_ref, pool_acc, cnt_acc):
    i = pl.program_id(0)
    num = n0_ref[...] + n1_ref[...]
    den = d0_ref[...] + d1_ref[...]
    den = jnp.maximum(jnp.broadcast_to(den, (B3, D)), 1e-30)
    h = jnp.maximum(num / den + bg_ref[...], 0.0)
    bt = bt_ref[0, 0:1, :]
    gi = lax.broadcasted_iota(jnp.int32, (G, B3), 0)
    oh = (gi == bt).astype(jnp.float32)
    pc = jnp.dot(oh, h, preferred_element_type=jnp.float32)
    cc = jnp.sum(oh, axis=1, keepdims=True)

    @pl.when(i == 0)
    def _():
        pool_acc[...] = jnp.zeros((G, D), jnp.float32)
        cnt_acc[...] = jnp.zeros((G, D), jnp.float32)

    pool_acc[...] += pc
    cnt_acc[...] += jnp.broadcast_to(cc, (G, D))

    @pl.when(i == pl.num_programs(0) - 1)
    def _():
        pooled = pool_acc[...] / jnp.maximum(cnt_acc[...], 1.0)
        out_ref[...] = (jnp.dot(pooled, wl_ref[...],
                                preferred_element_type=jnp.float32)
                        + bl_ref[...])


_stage3 = pl.pallas_call(
    _stage3_body,
    grid=(PN // B3,),
    in_specs=[
        pl.BlockSpec((B3, D), lambda i: (i, 0)),
        pl.BlockSpec((B3, D), lambda i: (i, 0)),
        pl.BlockSpec((B3, 1), lambda i: (i, 0)),
        pl.BlockSpec((B3, 1), lambda i: (i, 0)),
        pl.BlockSpec((1, 8, B3), lambda i: (i, 0, 0)),
        pl.BlockSpec((1, D), lambda i: (0, 0)),
        pl.BlockSpec((D, D), lambda i: (0, 0)),
        pl.BlockSpec((1, D), lambda i: (0, 0)),
    ],
    out_specs=pl.BlockSpec((G, D), lambda i: (0, 0)),
    out_shape=jax.ShapeDtypeStruct((G, D), jnp.float32),
    scratch_shapes=[pltpu.VMEM((G, D), jnp.float32),
                    pltpu.VMEM((G, D), jnp.float32)],
)


def kernel(x, edge_index, edge_attr, batch, W_gat, att_src, att_dst, b_gat,
           W_lin, b_lin):
    del edge_attr
    att_s8 = jnp.broadcast_to(att_src[:, None], (D, 8))
    att_d8 = jnp.broadcast_to(att_dst[:, None], (D, 8))
    xw, as_col, ad_col, m = _stage1(x, W_gat, att_s8, att_d8)

    pad = jnp.zeros((PN - N,), jnp.float32)
    a_s = jnp.concatenate([as_col[:, 0], pad])
    a_d = jnp.concatenate([ad_col[:, 0], pad])
    m16 = jnp.full((16,), m[0, 0], jnp.float32)

    sl = jnp.arange(N, dtype=jnp.int32)
    npad = TE - (E + N)
    src = jnp.concatenate(
        [edge_index[0], sl,
         jnp.zeros((npad,), jnp.int32)]).reshape(NW, KCH, 1, CH)
    dst = jnp.concatenate(
        [edge_index[1], sl,
         jnp.full((npad,), N, jnp.int32)]).reshape(NW, KCH, 1, CH)
    src = jnp.pad(src, ((0, 0), (0, 0), (0, 7), (0, 0)))
    dst = jnp.pad(dst, ((0, 0), (0, 0), (0, 7), (0, 0)))

    parts, dparts = _edge_pass(xw, a_s, a_d, src, dst, m16)

    bt_pad = jnp.concatenate([batch, jnp.full((PN - N,), G, jnp.int32)])
    bt3 = jnp.broadcast_to(bt_pad.reshape(PN // B3, 1, B3),
                           (PN // B3, 8, B3))
    return _stage3(parts[0], parts[1],
                   dparts[0].reshape(PN, 1), dparts[1].reshape(PN, 1),
                   bt3, b_gat[None, :], W_lin, b_lin[None, :])

# --- scband reference (transcript-rebuilt; emitter-appended) ---
"""Pipeline reference for scband-gcn-13254269075791 (READ-ONLY COPY).

The authoritative reference and input builder live on the scoring server;
editing this copy changes nothing except your own understanding.
"""

import jax, jax.numpy as jnp
import numpy as np

N = 10000
E = 320000
D_IN = 128
D_OUT = 128
D_EDGE = 16
G = 64


def setup_inputs(seed: int = 0) -> dict:
    key = jax.random.key(seed)
    ks = jax.random.split(key, 10)
    x = jax.random.normal(ks[0], (N, D_IN), dtype=jnp.float32)
    edge_index = jax.random.randint(ks[1], (2, E), 0, N, dtype=jnp.int32)
    edge_attr = jax.random.normal(ks[2], (E, D_EDGE), dtype=jnp.float32)
    batch = jnp.sort(jax.random.randint(ks[3], (N,), 0, G, dtype=jnp.int32))
    W_gat = jax.random.normal(ks[4], (D_IN, D_OUT), dtype=jnp.float32) * (1.0 / np.sqrt(D_IN))
    att_src = jax.random.normal(ks[5], (D_OUT,), dtype=jnp.float32) * 0.1
    att_dst = jax.random.normal(ks[6], (D_OUT,), dtype=jnp.float32) * 0.1
    b_gat = jnp.zeros((D_OUT,), dtype=jnp.float32)
    W_lin = jax.random.normal(ks[7], (D_IN, D_OUT), dtype=jnp.float32) * (1.0 / np.sqrt(D_IN))
    b_lin = jnp.zeros((D_OUT,), dtype=jnp.float32)
    return {"x": x, "edge_index": edge_index, "edge_attr": edge_attr, "batch": batch,
            "W_gat": W_gat, "att_src": att_src, "att_dst": att_dst, "b_gat": b_gat,
            "W_lin": W_lin, "b_lin": b_lin}


def _gat_conv(x, W, att_s, att_d, bias, src, dst, n_nodes):
    # PyG GATConv, heads=1, concat=True, negative_slope=0.2, add_self_loops=True
    xw = x @ W                                   # [N, D_OUT]
    a_s = xw @ att_s                             # [N]
    a_d = xw @ att_d                             # [N]
    e = a_s[src] + a_d[dst]                      # [E+N]
    e = jax.nn.leaky_relu(e, negative_slope=0.2)
    m = jax.ops.segment_max(e, dst, num_segments=n_nodes)
    m = jnp.where(jnp.isfinite(m), m, 0.0)
    ex = jnp.exp(e - m[dst])
    denom = jax.ops.segment_sum(ex, dst, num_segments=n_nodes)
    alpha = ex / (denom[dst] + 1e-16)
    out = jax.ops.segment_sum(xw[src] * alpha[:, None], dst, num_segments=n_nodes)
    return out + bias


def reference(x, edge_index, edge_attr, batch, W_gat, att_src, att_dst, b_gat, W_lin, b_lin):
    # edge_attr is carried by the batch but GATConv(in, out) has edge_dim=None,
    # so edge features do not enter the computation.
    self_loop = jnp.arange(N, dtype=edge_index.dtype)
    src = jnp.concatenate([edge_index[0], self_loop])
    dst = jnp.concatenate([edge_index[1], self_loop])
    h = _gat_conv(x, W_gat, att_src, att_dst, b_gat, src, dst, N)
    h = jax.nn.relu(h)
    # global_mean_pool over graph ids in `batch`
    sums = jax.ops.segment_sum(h, batch, num_segments=G)
    cnt = jax.ops.segment_sum(jnp.ones((N,), dtype=h.dtype), batch, num_segments=G)
    pooled = sums / jnp.clip(cnt, 1.0)[:, None]
    # dropout is identity in eval mode
    out = pooled @ W_lin + b_lin
    return out

if __name__ == "__main__":
    import jax
    _d = setup_inputs()
    print(jax.jit(kernel)(*tuple(_d.values())))

</pallas_src>

<mosaic_0001>
#map = affine_map<(d0, d1) -> (0, 0)>
#map1 = affine_map<(d0, d1) -> (0)>
#map2 = affine_map<(d0, d1) -> (0, 0, 0, 0)>
#map3 = affine_map<(d0, d1) -> (0, 0, 0)>
module attributes {stable_mosaic.version = 14 : i64} {
  func.func @_edge_body(%arg0: i32, %arg1: i32, %arg2: memref<10000x128xf32, #tpu.memory_space<hbm>>, %arg3: memref<10240xf32, #tpu.memory_space<hbm>>, %arg4: memref<10240xf32, #tpu.memory_space<hbm>>, %arg5: memref<32x164x8x64xi32, #tpu.memory_space<hbm>>, %arg6: memref<32x164x8x64xi32, #tpu.memory_space<hbm>>, %arg7: memref<16xf32, #tpu.memory_space<hbm>>, %arg8: memref<2x10240x128xf32, #tpu.memory_space<hbm>>, %arg9: memref<2x80x128xf32, #tpu.memory_space<hbm>>, %arg10: memref<10240x128xf32, #tpu.memory_space<vmem_shared>>, %arg11: memref<80x128xf32, #tpu.memory_space<vmem_shared>>, %arg12: memref<10240xf32, #tpu.memory_space<vmem>>, %arg13: memref<10240xf32, #tpu.memory_space<vmem>>, %arg14: memref<4x64xi32, #tpu.memory_space<vmem>>, %arg15: memref<4x64xi32, #tpu.memory_space<vmem>>, %arg16: memref<16xf32, #tpu.memory_space<vmem>>, %arg17: memref<80x128xf32, #tpu.memory_space<vmem>>, %arg18: memref<80xi32, #tpu.memory_space<vmem>>, %arg19: memref<2x64x128xf32, #tpu.memory_space<vmem>>, %arg20: memref<64xf32, #tpu.memory_space<vmem>>, %arg21: memref<!tpu.dma_semaphore, #tpu.memory_space<semaphore_mem>>, %arg22: memref<!tpu.dma_semaphore, #tpu.memory_space<semaphore_mem>>, %arg23: memref<!tpu.dma_semaphore, #tpu.memory_space<semaphore_mem>>, %arg24: memref<!tpu.dma_semaphore, #tpu.memory_space<semaphore_mem>>, %arg25: memref<!tpu.dma_semaphore, #tpu.memory_space<semaphore_mem>>, %arg26: memref<!tpu.dma_semaphore, #tpu.memory_space<semaphore_mem>>, %arg27: memref<!tpu.dma_semaphore, #tpu.memory_space<semaphore_mem>>, %arg28: memref<!tpu.dma_semaphore, #tpu.memory_space<semaphore_mem>>) attributes {dimension_semantics = [#tpu.dimension_semantics<core_parallel>, #tpu.dimension_semantics<subcore_parallel>], iteration_bounds = array<i64: 2, 16>, scalar_prefetch = 0 : i64, scratch_operands = 19 : i64, tpu.core_type = #tpu.core_type<sc_vector_subcore>, window_params = [{transform_indices = #map}, {transform_indices = #map1}, {transform_indices = #map1}, {transform_indices = #map2}, {transform_indices = #map2}, {transform_indices = #map1}, {transform_indices = #map3}, {transform_indices = #map3}]} {
    %mul3A = arith.constant 16 : i32
    %mul3A_0 = arith.muli %arg0, %mul3A : i32
    %add3A = arith.addi %mul3A_0, %arg1 : i32
    "tpu.region"() ({
      %run_scoped3A_218 = tpu.sem_alloc : memref<!tpu.dma_semaphore, #tpu.memory_space<semaphore_mem>>
      tpu.enqueue_dma source(%arg3 : memref<10240xf32, #tpu.memory_space<hbm>>) target(%arg12 : memref<10240xf32, #tpu.memory_space<vmem>>) target_semaphore(%run_scoped3A_218 : memref<!tpu.dma_semaphore, #tpu.memory_space<semaphore_mem>>)
      tpu.wait_dma2 semaphore(%run_scoped3A_218 : memref<!tpu.dma_semaphore, #tpu.memory_space<semaphore_mem>>) src(%arg3 : memref<10240xf32, #tpu.memory_space<hbm>>) dst(%arg12 : memref<10240xf32, #tpu.memory_space<vmem>>)
      tpu.yield
    }) : () -> ()
    "tpu.region"() ({
      %run_scoped3A_218 = tpu.sem_alloc : memref<!tpu.dma_semaphore, #tpu.memory_space<semaphore_mem>>
      tpu.enqueue_dma source(%arg4 : memref<10240xf32, #tpu.memory_space<hbm>>) target(%arg13 : memref<10240xf32, #tpu.memory_space<vmem>>) target_semaphore(%run_scoped3A_218 : memref<!tpu.dma_semaphore, #tpu.memory_space<semaphore_mem>>)
      tpu.wait_dma2 semaphore(%run_scoped3A_218 : memref<!tpu.dma_semaphore, #tpu.memory_space<semaphore_mem>>) src(%arg4 : memref<10240xf32, #tpu.memory_space<hbm>>) dst(%arg13 : memref<10240xf32, #tpu.memory_space<vmem>>)
      tpu.yield
    }) : () -> ()
    "tpu.region"() ({
      %run_scoped3A_218 = tpu.sem_alloc : memref<!tpu.dma_semaphore, #tpu.memory_space<semaphore_mem>>
      tpu.enqueue_dma source(%arg7 : memref<16xf32, #tpu.memory_space<hbm>>) target(%arg16 : memref<16xf32, #tpu.memory_space<vmem>>) target_semaphore(%run_scoped3A_218 : memref<!tpu.dma_semaphore, #tpu.memory_space<semaphore_mem>>)
      tpu.wait_dma2 semaphore(%run_scoped3A_218 : memref<!tpu.dma_semaphore, #tpu.memory_space<semaphore_mem>>) src(%arg7 : memref<16xf32, #tpu.memory_space<hbm>>) dst(%arg16 : memref<16xf32, #tpu.memory_space<vmem>>)
      tpu.yield
    }) : () -> ()
    %iota3A = tpu.iota {dimensions = array<i32: 0>} : vector<16xi32>
    %broadcast_in_dim3A = arith.constant 0.000000e+00 : f32
    %broadcast_in_dim3A_1 = vector.broadcast %broadcast_in_dim3A : f32 to vector<16xf32>
    %scan3A = arith.constant 0 : i32
    %scan3A_2 = arith.constant 0 : i32
    %scan3A_3 = arith.constant 64 : i32
    %scan3A_4 = arith.addi %scan3A_2, %scan3A_3 : i32
    %scan3A_5 = arith.constant 1 : i32
    scf.for %scan3A_218 = %scan3A_2 to %scan3A_4 step %scan3A_5  : i32 {
      %swap3A_219 = arith.constant 0 : i32
      %swap3A_220 = arith.index_cast %swap3A_219 : i32 to index
      %swap3A_221 = arith.index_cast %scan3A_218 : i32 to index
      %swap3A_222 = arith.constant 0 : index
      %swap3A_223 = tpu.vector_load %arg19[%swap3A_220, %swap3A_221, %swap3A_222] {strides = array<i32>} : memref<2x64x128xf32, #tpu.memory_space<vmem>>, vector<16xf32>,
      tpu.vector_store %arg19[%swap3A_220, %swap3A_221, %swap3A_222], %broadcast_in_dim3A_1 {strides = array<i32>} : memref<2x64x128xf32, #tpu.memory_space<vmem>>, vector<16xf32>,
      %swap3A_224 = arith.constant 0 : i32
      %swap3A_225 = arith.index_cast %swap3A_224 : i32 to index
      %swap3A_226 = arith.index_cast %scan3A_218 : i32 to index
      %swap3A_227 = arith.constant 16 : index
      %swap3A_228 = tpu.vector_load %arg19[%swap3A_225, %swap3A_226, %swap3A_227] {strides = array<i32>} : memref<2x64x128xf32, #tpu.memory_space<vmem>>, vector<16xf32>,
      tpu.vector_store %arg19[%swap3A_225, %swap3A_226, %swap3A_227], %broadcast_in_dim3A_1 {strides = array<i32>} : memref<2x64x128xf32, #tpu.memory_space<vmem>>, vector<16xf32>,
      %swap3A_229 = arith.constant 0 : i32
      %swap3A_230 = arith.index_cast %swap3A_229 : i32 to index
      %swap3A_231 = arith.index_cast %scan3A_218 : i32 to index
      %swap3A_232 = arith.constant 32 : index
      %swap3A_233 = tpu.vector_load %arg19[%swap3A_230, %swap3A_231, %swap3A_232] {strides = array<i32>} : memref<2x64x128xf32, #tpu.memory_space<vmem>>, vector<16xf32>,
      tpu.vector_store %arg19[%swap3A_230, %swap3A_231, %swap3A_232], %broadcast_in_dim3A_1 {strides = array<i32>} : memref<2x64x128xf32, #tpu.memory_space<vmem>>, vector<16xf32>,
      %swap3A_234 = arith.constant 0 : i32
      %swap3A_235 = arith.index_cast %swap3A_234 : i32 to index
      %swap3A_236 = arith.index_cast %scan3A_218 : i32 to index
      %swap3A_237 = arith.constant 48 : index
      %swap3A_238 = tpu.vector_load %arg19[%swap3A_235, %swap3A_236, %swap3A_237] {strides = array<i32>} : memref<2x64x128xf32, #tpu.memory_space<vmem>>, vector<16xf32>,
      tpu.vector_store %arg19[%swap3A_235, %swap3A_236, %swap3A_237], %broadcast_in_dim3A_1 {strides = array<i32>} : memref<2x64x128xf32, #tpu.memory_space<vmem>>, vector<16xf32>,
      %swap3A_239 = arith.constant 0 : i32
      %swap3A_240 = arith.index_cast %swap3A_239 : i32 to index
      %swap3A_241 = arith.index_cast %scan3A_218 : i32 to index
      %swap3A_242 = arith.constant 64 : index
      %swap3A_243 = tpu.vector_load %arg19[%swap3A_240, %swap3A_241, %swap3A_242] {strides = array<i32>} : memref<2x64x128xf32, #tpu.memory_space<vmem>>, vector<16xf32>,
      tpu.vector_store %arg19[%swap3A_240, %swap3A_241, %swap3A_242], %broadcast_in_dim3A_1 {strides = array<i32>} : memref<2x64x128xf32, #tpu.memory_space<vmem>>, vector<16xf32>,
      %swap3A_244 = arith.constant 0 : i32
      %swap3A_245 = arith.index_cast %swap3A_244 : i32 to index
      %swap3A_246 = arith.index_cast %scan3A_218 : i32 to index
      %swap3A_247 = arith.constant 80 : index
      %swap3A_248 = tpu.vector_load %arg19[%swap3A_245, %swap3A_246, %swap3A_247] {strides = array<i32>} : memref<2x64x128xf32, #tpu.memory_space<vmem>>, vector<16xf32>,
      tpu.vector_store %arg19[%swap3A_245, %swap3A_246, %swap3A_247], %broadcast_in_dim3A_1 {strides = array<i32>} : memref<2x64x128xf32, #tpu.memory_space<vmem>>, vector<16xf32>,
      %swap3A_249 = arith.constant 0 : i32
      %swap3A_250 = arith.index_cast %swap3A_249 : i32 to index
      %swap3A_251 = arith.index_cast %scan3A_218 : i32 to index
      %swap3A_252 = arith.constant 96 : index
      %swap3A_253 = tpu.vector_load %arg19[%swap3A_250, %swap3A_251, %swap3A_252] {strides = array<i32>} : memref<2x64x128xf32, #tpu.memory_space<vmem>>, vector<16xf32>,
      tpu.vector_store %arg19[%swap3A_250, %swap3A_251, %swap3A_252], %broadcast_in_dim3A_1 {strides = array<i32>} : memref<2x64x128xf32, #tpu.memory_space<vmem>>, vector<16xf32>,
      %swap3A_254 = arith.constant 0 : i32
      %swap3A_255 = arith.index_cast %swap3A_254 : i32 to index
      %swap3A_256 = arith.index_cast %scan3A_218 : i32 to index
      %swap3A_257 = arith.constant 112 : index
      %swap3A_258 = tpu.vector_load %arg19[%swap3A_255, %swap3A_256, %swap3A_257] {strides = array<i32>} : memref<2x64x128xf32, #tpu.memory_space<vmem>>, vector<16xf32>,
      tpu.vector_store %arg19[%swap3A_255, %swap3A_256, %swap3A_257], %broadcast_in_dim3A_1 {strides = array<i32>} : memref<2x64x128xf32, #tpu.memory_space<vmem>>, vector<16xf32>,
    }
    %scan3A_6 = arith.constant 64 : i32
    %scan3A_7 = arith.constant 0 : i32
    %scan3A_8 = arith.constant 0 : i32
    %scan3A_9 = arith.constant 80 : i32
    %scan3A_10 = arith.addi %scan3A_8, %scan3A_9 : i32
    %scan3A_11 = arith.constant 1 : i32
    scf.for %scan3A_218 = %scan3A_8 to %scan3A_10 step %scan3A_11  : i32 {
      %swap3A_219 = arith.index_cast %scan3A_218 : i32 to index
      %swap3A_220 = arith.constant 0 : index
      %swap3A_221 = tpu.vector_load %arg17[%swap3A_219, %swap3A_220] {strides = array<i32>} : memref<80x128xf32, #tpu.memory_space<vmem>>, vector<16xf32>,
      tpu.vector_store %arg17[%swap3A_219, %swap3A_220], %broadcast_in_dim3A_1 {strides = array<i32>} : memref<80x128xf32, #tpu.memory_space<vmem>>, vector<16xf32>,
      %swap3A_222 = arith.index_cast %scan3A_218 : i32 to index
      %swap3A_223 = arith.constant 16 : index
      %swap3A_224 = tpu.vector_load %arg17[%swap3A_222, %swap3A_223] {strides = array<i32>} : memref<80x128xf32, #tpu.memory_space<vmem>>, vector<16xf32>,
      tpu.vector_store %arg17[%swap3A_222, %swap3A_223], %broadcast_in_dim3A_1 {strides = array<i32>} : memref<80x128xf32, #tpu.memory_space<vmem>>, vector<16xf32>,
      %swap3A_225 = arith.index_cast %scan3A_218 : i32 to index
      %swap3A_226 = arith.constant 32 : index
      %swap3A_227 = tpu.vector_load %arg17[%swap3A_225, %swap3A_226] {strides = array<i32>} : memref<80x128xf32, #tpu.memory_space<vmem>>, vector<16xf32>,
      tpu.vector_store %arg17[%swap3A_225, %swap3A_226], %broadcast_in_dim3A_1 {strides = array<i32>} : memref<80x128xf32, #tpu.memory_space<vmem>>, vector<16xf32>,
      %swap3A_228 = arith.index_cast %scan3A_218 : i32 to index
      %swap3A_229 = arith.constant 48 : index
      %swap3A_230 = tpu.vector_load %arg17[%swap3A_228, %swap3A_229] {strides = array<i32>} : memref<80x128xf32, #tpu.memory_space<vmem>>, vector<16xf32>,
      tpu.vector_store %arg17[%swap3A_228, %swap3A_229], %broadcast_in_dim3A_1 {strides = array<i32>} : memref<80x128xf32, #tpu.memory_space<vmem>>, vector<16xf32>,
      %swap3A_231 = arith.index_cast %scan3A_218 : i32 to index
      %swap3A_232 = arith.constant 64 : index
      %swap3A_233 = tpu.vector_load %arg17[%swap3A_231, %swap3A_232] {strides = array<i32>} : memref<80x128xf32, #tpu.memory_space<vmem>>, vector<16xf32>,
      tpu.vector_store %arg17[%swap3A_231, %swap3A_232], %broadcast_in_dim3A_1 {strides = array<i32>} : memref<80x128xf32, #tpu.memory_space<vmem>>, vector<16xf32>,
      %swap3A_234 = arith.index_cast %scan3A_218 : i32 to index
      %swap3A_235 = arith.constant 80 : index
      %swap3A_236 = tpu.vector_load %arg17[%swap3A_234, %swap3A_235] {strides = array<i32>} : memref<80x128xf32, #tpu.memory_space<vmem>>, vector<16xf32>,
      tpu.vector_store %arg17[%swap3A_234, %swap3A_235], %broadcast_in_dim3A_1 {strides = array<i32>} : memref<80x128xf32, #tpu.memory_space<vmem>>, vector<16xf32>,
      %swap3A_237 = arith.index_cast %scan3A_218 : i32 to index
      %swap3A_238 = arith.constant 96 : index
      %swap3A_239 = tpu.vector_load %arg17[%swap3A_237, %swap3A_238] {strides = array<i32>} : memref<80x128xf32, #tpu.memory_space<vmem>>, vector<16xf32>,
      tpu.vector_store %arg17[%swap3A_237, %swap3A_238], %broadcast_in_dim3A_1 {strides = array<i32>} : memref<80x128xf32, #tpu.memory_space<vmem>>, vector<16xf32>,
      %swap3A_240 = arith.index_cast %scan3A_218 : i32 to index
      %swap3A_241 = arith.constant 112 : index
      %swap3A_242 = tpu.vector_load %arg17[%swap3A_240, %swap3A_241] {strides = array<i32>} : memref<80x128xf32, #tpu.memory_space<vmem>>, vector<16xf32>,
      tpu.vector_store %arg17[%swap3A_240, %swap3A_241], %broadcast_in_dim3A_1 {strides = array<i32>} : memref<80x128xf32, #tpu.memory_space<vmem>>, vector<16xf32>,
    }
    %scan3A_12 = arith.constant 80 : i32
    %add3A_13 = arith.constant 0 : i32
    %add3A_14 = vector.broadcast %add3A_13 : i32 to vector<16xi32>
    %add3A_15 = arith.addi %iota3A, %add3A_14 : vector<16xi32>
    %swap3A = arith.constant 0 : index
    %swap3A_16 = tpu.vector_load %arg18[%swap3A] {strides = array<i32>} : memref<80xi32, #tpu.memory_space<vmem>>, vector<16xi32>,
    tpu.vector_store %arg18[%swap3A], %add3A_15 {strides = array<i32>} : memref<80xi32, #tpu.memory_space<vmem>>, vector<16xi32>,
    %add3A_17 = arith.constant 16 : i32
    %add3A_18 = vector.broadcast %add3A_17 : i32 to vector<16xi32>
    %add3A_19 = arith.addi %iota3A, %add3A_18 : vector<16xi32>
    %swap3A_20 = arith.constant 16 : index
    %swap3A_21 = tpu.vector_load %arg18[%swap3A_20] {strides = array<i32>} : memref<80xi32, #tpu.memory_space<vmem>>, vector<16xi32>,
    tpu.vector_store %arg18[%swap3A_20], %add3A_19 {strides = array<i32>} : memref<80xi32, #tpu.memory_space<vmem>>, vector<16xi32>,
    %add3A_22 = arith.constant 32 : i32
    %add3A_23 = vector.broadcast %add3A_22 : i32 to vector<16xi32>
    %add3A_24 = arith.addi %iota3A, %add3A_23 : vector<16xi32>
    %swap3A_25 = arith.constant 32 : index
    %swap3A_26 = tpu.vector_load %arg18[%swap3A_25] {strides = array<i32>} : memref<80xi32, #tpu.memory_space<vmem>>, vector<16xi32>,
    tpu.vector_store %arg18[%swap3A_25], %add3A_24 {strides = array<i32>} : memref<80xi32, #tpu.memory_space<vmem>>, vector<16xi32>,
    %add3A_27 = arith.constant 48 : i32
    %add3A_28 = vector.broadcast %add3A_27 : i32 to vector<16xi32>
    %add3A_29 = arith.addi %iota3A, %add3A_28 : vector<16xi32>
    %swap3A_30 = arith.constant 48 : index
    %swap3A_31 = tpu.vector_load %arg18[%swap3A_30] {strides = array<i32>} : memref<80xi32, #tpu.memory_space<vmem>>, vector<16xi32>,
    tpu.vector_store %arg18[%swap3A_30], %add3A_29 {strides = array<i32>} : memref<80xi32, #tpu.memory_space<vmem>>, vector<16xi32>,
    %add3A_32 = arith.constant 64 : i32
    %add3A_33 = vector.broadcast %add3A_32 : i32 to vector<16xi32>
    %add3A_34 = arith.addi %iota3A, %add3A_33 : vector<16xi32>
    %swap3A_35 = arith.constant 64 : index
    %swap3A_36 = tpu.vector_load %arg18[%swap3A_35] {strides = array<i32>} : memref<80xi32, #tpu.memory_space<vmem>>, vector<16xi32>,
    tpu.vector_store %arg18[%swap3A_35], %add3A_34 {strides = array<i32>} : memref<80xi32, #tpu.memory_space<vmem>>, vector<16xi32>,
    %mul3A_37 = arith.constant 640 : i32
    %mul3A_38 = arith.muli %arg1, %mul3A_37 : i32
    %add3A_39 = arith.constant 0 : i32
    %add3A_40 = arith.addi %mul3A_38, %add3A_39 : i32
    %run_scoped3A = arith.constant 0 : i32
    "tpu.region"() ({
      %run_scoped3A_218 = tpu.sem_alloc : memref<!tpu.dma_semaphore, #tpu.memory_space<semaphore_mem>>
      %dma_start3A_219 = arith.constant 0 : i32
      %dma_start3A_220 = arith.constant 0 : i32
      %dma_start3A_221 = tpu.memref_slice %arg19[%run_scoped3A, %dma_start3A_219, %dma_start3A_220] : memref<2x64x128xf32, #tpu.memory_space<vmem>> -> memref<1x64x128xf32, #tpu.memory_space<vmem>>
      %dma_start3A_222 = tpu.memref_squeeze %dma_start3A_221 : memref<1x64x128xf32, #tpu.memory_space<vmem>> -> memref<64x128xf32, #tpu.memory_space<vmem>>
      %dma_start3A_223 = arith.constant 0 : i32
      %dma_start3A_224 = tpu.memref_slice %arg10[%add3A_40, %dma_start3A_223] : memref<10240x128xf32, #tpu.memory_space<vmem_shared>> -> memref<64x128xf32, #tpu.memory_space<vmem_shared>>
      %dma_start3A_225 = arith.constant 0 : i32
      %dma_start3A_226 = tpu.memref_slice %arg10[%add3A_40, %dma_start3A_225] : memref<10240x128xf32, #tpu.memory_space<vmem_shared>> -> memref<64x128xf32, #tpu.memory_space<vmem_shared>>
      %dma_start3A_227 = arith.constant 0 : i32
      %dma_start3A_228 = arith.constant 0 : i32
      %dma_start3A_229 = tpu.memref_slice %arg19[%run_scoped3A, %dma_start3A_227, %dma_start3A_228] : memref<2x64x128xf32, #tpu.memory_space<vmem>> -> memref<1x64x128xf32, #tpu.memory_space<vmem>>
      %dma_start3A_230 = tpu.memref_squeeze %dma_start3A_229 : memref<1x64x128xf32, #tpu.memory_space<vmem>> -> memref<64x128xf32, #tpu.memory_space<vmem>>
      tpu.enqueue_dma source(%dma_start3A_230 : memref<64x128xf32, #tpu.memory_space<vmem>>) target(%dma_start3A_226 : memref<64x128xf32, #tpu.memory_space<vmem_shared>>) target_semaphore(%run_scoped3A_218 : memref<!tpu.dma_semaphore, #tpu.memory_space<semaphore_mem>>)
      %dma_wait3A_231 = arith.constant 0 : i32
      %dma_wait3A_232 = arith.constant 0 : i32
      %dma_wait3A_233 = tpu.memref_slice %arg19[%run_scoped3A, %dma_wait3A_231, %dma_wait3A_232] : memref<2x64x128xf32, #tpu.memory_space<vmem>> -> memref<1x64x128xf32, #tpu.memory_space<vmem>>
      %dma_wait3A_234 = tpu.memref_squeeze %dma_wait3A_233 : memref<1x64x128xf32, #tpu.memory_space<vmem>> -> memref<64x128xf32, #tpu.memory_space<vmem>>
      %dma_wait3A_235 = arith.constant 0 : i32
      %dma_wait3A_236 = tpu.memref_slice %arg10[%add3A_40, %dma_wait3A_235] : memref<10240x128xf32, #tpu.memory_space<vmem_shared>> -> memref<64x128xf32, #tpu.memory_space<vmem_shared>>
      %dma_wait3A_237 = arith.constant 0 : i32
      %dma_wait3A_238 = tpu.memref_slice %arg10[%add3A_40, %dma_wait3A_237] : memref<10240x128xf32, #tpu.memory_space<vmem_shared>> -> memref<64x128xf32, #tpu.memory_space<vmem_shared>>
      %dma_wait3A_239 = arith.constant 0 : i32
      %dma_wait3A_240 = arith.constant 0 : i32
      %dma_wait3A_241 = tpu.memref_slice %arg19[%run_scoped3A, %dma_wait3A_239, %dma_wait3A_240] : memref<2x64x128xf32, #tpu.memory_space<vmem>> -> memref<1x64x128xf32, #tpu.memory_space<vmem>>
      %dma_wait3A_242 = tpu.memref_squeeze %dma_wait3A_241 : memref<1x64x128xf32, #tpu.memory_space<vmem>> -> memref<64x128xf32, #tpu.memory_space<vmem>>
      tpu.wait_dma2 semaphore(%run_scoped3A_218 : memref<!tpu.dma_semaphore, #tpu.memory_space<semaphore_mem>>) src(%dma_wait3A_242 : memref<64x128xf32, #tpu.memory_space<vmem>>) dst(%dma_wait3A_238 : memref<64x128xf32, #tpu.memory_space<vmem_shared>>)
      tpu.yield
    }) : () -> ()
    %mul3A_41 = arith.constant 640 : i32
    %mul3A_42 = arith.muli %arg1, %mul3A_41 : i32
    %add3A_43 = arith.constant 64 : i32
    %add3A_44 = arith.addi %mul3A_42, %add3A_43 : i32
    %run_scoped3A_45 = arith.constant 0 : i32
    "tpu.region"() ({
      %run_scoped3A_218 = tpu.sem_alloc : memref<!tpu.dma_semaphore, #tpu.memory_space<semaphore_mem>>
      %dma_start3A_219 = arith.constant 0 : i32
      %dma_start3A_220 = arith.constant 0 : i32
      %dma_start3A_221 = tpu.memref_slice %arg19[%run_scoped3A_45, %dma_start3A_219, %dma_start3A_220] : memref<2x64x128xf32, #tpu.memory_space<vmem>> -> memref<1x64x128xf32, #tpu.memory_space<vmem>>
      %dma_start3A_222 = tpu.memref_squeeze %dma_start3A_221 : memref<1x64x128xf32, #tpu.memory_space<vmem>> -> memref<64x128xf32, #tpu.memory_space<vmem>>
      %dma_start3A_223 = arith.constant 0 : i32
      %dma_start3A_224 = tpu.memref_slice %arg10[%add3A_44, %dma_start3A_223] : memref<10240x128xf32, #tpu.memory_space<vmem_shared>> -> memref<64x128xf32, #tpu.memory_space<vmem_shared>>
      %dma_start3A_225 = arith.constant 0 : i32
      %dma_start3A_226 = tpu.memref_slice %arg10[%add3A_44, %dma_start3A_225] : memref<10240x128xf32, #tpu.memory_space<vmem_shared>> -> memref<64x128xf32, #tpu.memory_space<vmem_shared>>
      %dma_start3A_227 = arith.constant 0 : i32
      %dma_start3A_228 = arith.constant 0 : i32
      %dma_start3A_229 = tpu.memref_slice %arg19[%run_scoped3A_45, %dma_start3A_227, %dma_start3A_228] : memref<2x64x128xf32, #tpu.memory_space<vmem>> -> memref<1x64x128xf32, #tpu.memory_space<vmem>>
      %dma_start3A_230 = tpu.memref_squeeze %dma_start3A_229 : memref<1x64x128xf32, #tpu.memory_space<vmem>> -> memref<64x128xf32, #tpu.memory_space<vmem>>
      tpu.enqueue_dma source(%dma_start3A_230 : memref<64x128xf32, #tpu.memory_space<vmem>>) target(%dma_start3A_226 : memref<64x128xf32, #tpu.memory_space<vmem_shared>>) target_semaphore(%run_scoped3A_218 : memref<!tpu.dma_semaphore, #tpu.memory_space<semaphore_mem>>)
      %dma_wait3A_231 = arith.constant 0 : i32
      %dma_wait3A_232 = arith.constant 0 : i32
      %dma_wait3A_233 = tpu.memref_slice %arg19[%run_scoped3A_45, %dma_wait3A_231, %dma_wait3A_232] : memref<2x64x128xf32, #tpu.memory_space<vmem>> -> memref<1x64x128xf32, #tpu.memory_space<vmem>>
      %dma_wait3A_234 = tpu.memref_squeeze %dma_wait3A_233 : memref<1x64x128xf32, #tpu.memory_space<vmem>> -> memref<64x128xf32, #tpu.memory_space<vmem>>
      %dma_wait3A_235 = arith.constant 0 : i32
      %dma_wait3A_236 = tpu.memref_slice %arg10[%add3A_44, %dma_wait3A_235] : memref<10240x128xf32, #tpu.memory_space<vmem_shared>> -> memref<64x128xf32, #tpu.memory_space<vmem_shared>>
      %dma_wait3A_237 = arith.constant 0 : i32
      %dma_wait3A_238 = tpu.memref_slice %arg10[%add3A_44, %dma_wait3A_237] : memref<10240x128xf32, #tpu.memory_space<vmem_shared>> -> memref<64x128xf32, #tpu.memory_space<vmem_shared>>
      %dma_wait3A_239 = arith.constant 0 : i32
      %dma_wait3A_240 = arith.constant 0 : i32
      %dma_wait3A_241 = tpu.memref_slice %arg19[%run_scoped3A_45, %dma_wait3A_239, %dma_wait3A_240] : memref<2x64x128xf32, #tpu.memory_space<vmem>> -> memref<1x64x128xf32, #tpu.memory_space<vmem>>
      %dma_wait3A_242 = tpu.memref_squeeze %dma_wait3A_241 : memref<1x64x128xf32, #tpu.memory_space<vmem>> -> memref<64x128xf32, #tpu.memory_space<vmem>>
      tpu.wait_dma2 semaphore(%run_scoped3A_218 : memref<!tpu.dma_semaphore, #tpu.memory_space<semaphore_mem>>) src(%dma_wait3A_242 : memref<64x128xf32, #tpu.memory_space<vmem>>) dst(%dma_wait3A_238 : memref<64x128xf32, #tpu.memory_space<vmem_shared>>)
      tpu.yield
    }) : () -> ()
    %mul3A_46 = arith.constant 640 : i32
    %mul3A_47 = arith.muli %arg1, %mul3A_46 : i32
    %add3A_48 = arith.constant 128 : i32
    %add3A_49 = arith.addi %mul3A_47, %add3A_48 : i32
    %run_scoped3A_50 = arith.constant 0 : i32
    "tpu.region"() ({
      %run_scoped3A_218 = tpu.sem_alloc : memref<!tpu.dma_semaphore, #tpu.memory_space<semaphore_mem>>
      %dma_start3A_219 = arith.constant 0 : i32
      %dma_start3A_220 = arith.constant 0 : i32
      %dma_start3A_221 = tpu.memref_slice %arg19[%run_scoped3A_50, %dma_start3A_219, %dma_start3A_220] : memref<2x64x128xf32, #tpu.memory_space<vmem>> -> memref<1x64x128xf32, #tpu.memory_space<vmem>>
      %dma_start3A_222 = tpu.memref_squeeze %dma_start3A_221 : memref<1x64x128xf32, #tpu.memory_space<vmem>> -> memref<64x128xf32, #tpu.memory_space<vmem>>
      %dma_start3A_223 = arith.constant 0 : i32
      %dma_start3A_224 = tpu.memref_slice %arg10[%add3A_49, %dma_start3A_223] : memref<10240x128xf32, #tpu.memory_space<vmem_shared>> -> memref<64x128xf32, #tpu.memory_space<vmem_shared>>
      %dma_start3A_225 = arith.constant 0 : i32
      %dma_start3A_226 = tpu.memref_slice %arg10[%add3A_49, %dma_start3A_225] : memref<10240x128xf32, #tpu.memory_space<vmem_shared>> -> memref<64x128xf32, #tpu.memory_space<vmem_shared>>
      %dma_start3A_227 = arith.constant 0 : i32
      %dma_start3A_228 = arith.constant 0 : i32
      %dma_start3A_229 = tpu.memref_slice %arg19[%run_scoped3A_50, %dma_start3A_227, %dma_start3A_228] : memref<2x64x128xf32, #tpu.memory_space<vmem>> -> memref<1x64x128xf32, #tpu.memory_space<vmem>>
      %dma_start3A_230 = tpu.memref_squeeze %dma_start3A_229 : memref<1x64x128xf32, #tpu.memory_space<vmem>> -> memref<64x128xf32, #tpu.memory_space<vmem>>
      tpu.enqueue_dma source(%dma_start3A_230 : memref<64x128xf32, #tpu.memory_space<vmem>>) target(%dma_start3A_226 : memref<64x128xf32, #tpu.memory_space<vmem_shared>>) target_semaphore(%run_scoped3A_218 : memref<!tpu.dma_semaphore, #tpu.memory_space<semaphore_mem>>)
      %dma_wait3A_231 = arith.constant 0 : i32
      %dma_wait3A_232 = arith.constant 0 : i32
      %dma_wait3A_233 = tpu.memref_slice %arg19[%run_scoped3A_50, %dma_wait3A_231, %dma_wait3A_232] : memref<2x64x128xf32, #tpu.memory_space<vmem>> -> memref<1x64x128xf32, #tpu.memory_space<vmem>>
      %dma_wait3A_234 = tpu.memref_squeeze %dma_wait3A_233 : memref<1x64x128xf32, #tpu.memory_space<vmem>> -> memref<64x128xf32, #tpu.memory_space<vmem>>
      %dma_wait3A_235 = arith.constant 0 : i32
      %dma_wait3A_236 = tpu.memref_slice %arg10[%add3A_49, %dma_wait3A_235] : memref<10240x128xf32, #tpu.memory_space<vmem_shared>> -> memref<64x128xf32, #tpu.memory_space<vmem_shared>>
      %dma_wait3A_237 = arith.constant 0 : i32
      %dma_wait3A_238 = tpu.memref_slice %arg10[%add3A_49, %dma_wait3A_237] : memref<10240x128xf32, #tpu.memory_space<vmem_shared>> -> memref<64x128xf32, #tpu.memory_space<vmem_shared>>
      %dma_wait3A_239 = arith.constant 0 : i32
      %dma_wait3A_240 = arith.constant 0 : i32
      %dma_wait3A_241 = tpu.memref_slice %arg19[%run_scoped3A_50, %dma_wait3A_239, %dma_wait3A_240] : memref<2x64x128xf32, #tpu.memory_space<vmem>> -> memref<1x64x128xf32, #tpu.memory_space<vmem>>
      %dma_wait3A_242 = tpu.memref_squeeze %dma_wait3A_241 : memref<1x64x128xf32, #tpu.memory_space<vmem>> -> memref<64x128xf32, #tpu.memory_space<vmem>>
      tpu.wait_dma2 semaphore(%run_scoped3A_218 : memref<!tpu.dma_semaphore, #tpu.memory_space<semaphore_mem>>) src(%dma_wait3A_242 : memref<64x128xf32, #tpu.memory_space<vmem>>) dst(%dma_wait3A_238 : memref<64x128xf32, #tpu.memory_space<vmem_shared>>)
      tpu.yield
    }) : () -> ()
    %mul3A_51 = arith.constant 640 : i32
    %mul3A_52 = arith.muli %arg1, %mul3A_51 : i32
    %add3A_53 = arith.constant 192 : i32
    %add3A_54 = arith.addi %mul3A_52, %add3A_53 : i32
    %run_scoped3A_55 = arith.constant 0 : i32
    "tpu.region"() ({
      %run_scoped3A_218 = tpu.sem_alloc : memref<!tpu.dma_semaphore, #tpu.memory_space<semaphore_mem>>
      %dma_start3A_219 = arith.constant 0 : i32
      %dma_start3A_220 = arith.constant 0 : i32
      %dma_start3A_221 = tpu.memref_slice %arg19[%run_scoped3A_55, %dma_start3A_219, %dma_start3A_220] : memref<2x64x128xf32, #tpu.memory_space<vmem>> -> memref<1x64x128xf32, #tpu.memory_space<vmem>>
      %dma_start3A_222 = tpu.memref_squeeze %dma_start3A_221 : memref<1x64x128xf32, #tpu.memory_space<vmem>> -> memref<64x128xf32, #tpu.memory_space<vmem>>
      %dma_start3A_223 = arith.constant 0 : i32
      %dma_start3A_224 = tpu.memref_slice %arg10[%add3A_54, %dma_start3A_223] : memref<10240x128xf32, #tpu.memory_space<vmem_shared>> -> memref<64x128xf32, #tpu.memory_space<vmem_shared>>
      %dma_start3A_225 = arith.constant 0 : i32
      %dma_start3A_226 = tpu.memref_slice %arg10[%add3A_54, %dma_start3A_225] : memref<10240x128xf32, #tpu.memory_space<vmem_shared>> -> memref<64x128xf32, #tpu.memory_space<vmem_shared>>
      %dma_start3A_227 = arith.constant 0 : i32
      %dma_start3A_228 = arith.constant 0 : i32
      %dma_start3A_229 = tpu.memref_slice %arg19[%run_scoped3A_55, %dma_start3A_227, %dma_start3A_228] : memref<2x64x128xf32, #tpu.memory_space<vmem>> -> memref<1x64x128xf32, #tpu.memory_space<vmem>>
      %dma_start3A_230 = tpu.memref_squeeze %dma_start3A_229 : memref<1x64x128xf32, #tpu.memory_space<vmem>> -> memref<64x128xf32, #tpu.memory_space<vmem>>
      tpu.enqueue_dma source(%dma_start3A_230 : memref<64x128xf32, #tpu.memory_space<vmem>>) target(%dma_start3A_226 : memref<64x128xf32, #tpu.memory_space<vmem_shared>>) target_semaphore(%run_scoped3A_218 : memref<!tpu.dma_semaphore, #tpu.memory_space<semaphore_mem>>)
      %dma_wait3A_231 = arith.constant 0 : i32
      %dma_wait3A_232 = arith.constant 0 : i32
      %dma_wait3A_233 = tpu.memref_slice %arg19[%run_scoped3A_55, %dma_wait3A_231, %dma_wait3A_232] : memref<2x64x128xf32, #tpu.memory_space<vmem>> -> memref<1x64x128xf32, #tpu.memory_space<vmem>>
      %dma_wait3A_234 = tpu.memref_squeeze %dma_wait3A_233 : memref<1x64x128xf32, #tpu.memory_space<vmem>> -> memref<64x128xf32, #tpu.memory_space<vmem>>
      %dma_wait3A_235 = arith.constant 0 : i32
      %dma_wait3A_236 = tpu.memref_slice %arg10[%add3A_54, %dma_wait3A_235] : memref<10240x128xf32, #tpu.memory_space<vmem_shared>> -> memref<64x128xf32, #tpu.memory_space<vmem_shared>>
      %dma_wait3A_237 = arith.constant 0 : i32
      %dma_wait3A_238 = tpu.memref_slice %arg10[%add3A_54, %dma_wait3A_237] : memref<10240x128xf32, #tpu.memory_space<vmem_shared>> -> memref<64x128xf32, #tpu.memory_space<vmem_shared>>
      %dma_wait3A_239 = arith.constant 0 : i32
      %dma_wait3A_240 = arith.constant 0 : i32
      %dma_wait3A_241 = tpu.memref_slice %arg19[%run_scoped3A_55, %dma_wait3A_239, %dma_wait3A_240] : memref<2x64x128xf32, #tpu.memory_space<vmem>> -> memref<1x64x128xf32, #tpu.memory_space<vmem>>
      %dma_wait3A_242 = tpu.memref_squeeze %dma_wait3A_241 : memref<1x64x128xf32, #tpu.memory_space<vmem>> -> memref<64x128xf32, #tpu.memory_space<vmem>>
      tpu.wait_dma2 semaphore(%run_scoped3A_218 : memref<!tpu.dma_semaphore, #tpu.memory_space<semaphore_mem>>) src(%dma_wait3A_242 : memref<64x128xf32, #tpu.memory_space<vmem>>) dst(%dma_wait3A_238 : memref<64x128xf32, #tpu.memory_space<vmem_shared>>)
      tpu.yield
    }) : () -> ()
    %mul3A_56 = arith.constant 640 : i32
    %mul3A_57 = arith.muli %arg1, %mul3A_56 : i32
    %add3A_58 = arith.constant 256 : i32
    %add3A_59 = arith.addi %mul3A_57, %add3A_58 : i32
    %run_scoped3A_60 = arith.constant 0 : i32
    "tpu.region"() ({
      %run_scoped3A_218 = tpu.sem_alloc : memref<!tpu.dma_semaphore, #tpu.memory_space<semaphore_mem>>
      %dma_start3A_219 = arith.constant 0 : i32
      %dma_start3A_220 = arith.constant 0 : i32
      %dma_start3A_221 = tpu.memref_slice %arg19[%run_scoped3A_60, %dma_start3A_219, %dma_start3A_220] : memref<2x64x128xf32, #tpu.memory_space<vmem>> -> memref<1x64x128xf32, #tpu.memory_space<vmem>>
      %dma_start3A_222 = tpu.memref_squeeze %dma_start3A_221 : memref<1x64x128xf32, #tpu.memory_space<vmem>> -> memref<64x128xf32, #tpu.memory_space<vmem>>
      %dma_start3A_223 = arith.constant 0 : i32
      %dma_start3A_224 = tpu.memref_slice %arg10[%add3A_59, %dma_start3A_223] : memref<10240x128xf32, #tpu.memory_space<vmem_shared>> -> memref<64x128xf32, #tpu.memory_space<vmem_shared>>
      %dma_start3A_225 = arith.constant 0 : i32
      %dma_start3A_226 = tpu.memref_slice %arg10[%add3A_59, %dma_start3A_225] : memref<10240x128xf32, #tpu.memory_space<vmem_shared>> -> memref<64x128xf32, #tpu.memory_space<vmem_shared>>
      %dma_start3A_227 = arith.constant 0 : i32
      %dma_start3A_228 = arith.constant 0 : i32
      %dma_start3A_229 = tpu.memref_slice %arg19[%run_scoped3A_60, %dma_start3A_227, %dma_start3A_228] : memref<2x64x128xf32, #tpu.memory_space<vmem>> -> memref<1x64x128xf32, #tpu.memory_space<vmem>>
      %dma_start3A_230 = tpu.memref_squeeze %dma_start3A_229 : memref<1x64x128xf32, #tpu.memory_space<vmem>> -> memref<64x128xf32, #tpu.memory_space<vmem>>
      tpu.enqueue_dma source(%dma_start3A_230 : memref<64x128xf32, #tpu.memory_space<vmem>>) target(%dma_start3A_226 : memref<64x128xf32, #tpu.memory_space<vmem_shared>>) target_semaphore(%run_scoped3A_218 : memref<!tpu.dma_semaphore, #tpu.memory_space<semaphore_mem>>)
      %dma_wait3A_231 = arith.constant 0 : i32
      %dma_wait3A_232 = arith.constant 0 : i32
      %dma_wait3A_233 = tpu.memref_slice %arg19[%run_scoped3A_60, %dma_wait3A_231, %dma_wait3A_232] : memref<2x64x128xf32, #tpu.memory_space<vmem>> -> memref<1x64x128xf32, #tpu.memory_space<vmem>>
      %dma_wait3A_234 = tpu.memref_squeeze %dma_wait3A_233 : memref<1x64x128xf32, #tpu.memory_space<vmem>> -> memref<64x128xf32, #tpu.memory_space<vmem>>
      %dma_wait3A_235 = arith.constant 0 : i32
      %dma_wait3A_236 = tpu.memref_slice %arg10[%add3A_59, %dma_wait3A_235] : memref<10240x128xf32, #tpu.memory_space<vmem_shared>> -> memref<64x128xf32, #tpu.memory_space<vmem_shared>>
      %dma_wait3A_237 = arith.constant 0 : i32
      %dma_wait3A_238 = tpu.memref_slice %arg10[%add3A_59, %dma_wait3A_237] : memref<10240x128xf32, #tpu.memory_space<vmem_shared>> -> memref<64x128xf32, #tpu.memory_space<vmem_shared>>
      %dma_wait3A_239 = arith.constant 0 : i32
      %dma_wait3A_240 = arith.constant 0 : i32
      %dma_wait3A_241 = tpu.memref_slice %arg19[%run_scoped3A_60, %dma_wait3A_239, %dma_wait3A_240] : memref<2x64x128xf32, #tpu.memory_space<vmem>> -> memref<1x64x128xf32, #tpu.memory_space<vmem>>
      %dma_wait3A_242 = tpu.memref_squeeze %dma_wait3A_241 : memref<1x64x128xf32, #tpu.memory_space<vmem>> -> memref<64x128xf32, #tpu.memory_space<vmem>>
      tpu.wait_dma2 semaphore(%run_scoped3A_218 : memref<!tpu.dma_semaphore, #tpu.memory_space<semaphore_mem>>) src(%dma_wait3A_242 : memref<64x128xf32, #tpu.memory_space<vmem>>) dst(%dma_wait3A_238 : memref<64x128xf32, #tpu.memory_space<vmem_shared>>)
      tpu.yield
    }) : () -> ()
    %mul3A_61 = arith.constant 640 : i32
    %mul3A_62 = arith.muli %arg1, %mul3A_61 : i32
    %add3A_63 = arith.constant 320 : i32
    %add3A_64 = arith.addi %mul3A_62, %add3A_63 : i32
    %run_scoped3A_65 = arith.constant 0 : i32
    "tpu.region"() ({
      %run_scoped3A_218 = tpu.sem_alloc : memref<!tpu.dma_semaphore, #tpu.memory_space<semaphore_mem>>
      %dma_start3A_219 = arith.constant 0 : i32
      %dma_start3A_220 = arith.constant 0 : i32
      %dma_start3A_221 = tpu.memref_slice %arg19[%run_scoped3A_65, %dma_start3A_219, %dma_start3A_220] : memref<2x64x128xf32, #tpu.memory_space<vmem>> -> memref<1x64x128xf32, #tpu.memory_space<vmem>>
      %dma_start3A_222 = tpu.memref_squeeze %dma_start3A_221 : memref<1x64x128xf32, #tpu.memory_space<vmem>> -> memref<64x128xf32, #tpu.memory_space<vmem>>
      %dma_start3A_223 = arith.constant 0 : i32
      %dma_start3A_224 = tpu.memref_slice %arg10[%add3A_64, %dma_start3A_223] : memref<10240x128xf32, #tpu.memory_space<vmem_shared>> -> memref<64x128xf32, #tpu.memory_space<vmem_shared>>
      %dma_start3A_225 = arith.constant 0 : i32
      %dma_start3A_226 = tpu.memref_slice %arg10[%add3A_64, %dma_start3A_225] : memref<10240x128xf32, #tpu.memory_space<vmem_shared>> -> memref<64x128xf32, #tpu.memory_space<vmem_shared>>
      %dma_start3A_227 = arith.constant 0 : i32
      %dma_start3A_228 = arith.constant 0 : i32
      %dma_start3A_229 = tpu.memref_slice %arg19[%run_scoped3A_65, %dma_start3A_227, %dma_start3A_228] : memref<2x64x128xf32, #tpu.memory_space<vmem>> -> memref<1x64x128xf32, #tpu.memory_space<vmem>>
      %dma_start3A_230 = tpu.memref_squeeze %dma_start3A_229 : memref<1x64x128xf32, #tpu.memory_space<vmem>> -> memref<64x128xf32, #tpu.memory_space<vmem>>
      tpu.enqueue_dma source(%dma_start3A_230 : memref<64x128xf32, #tpu.memory_space<vmem>>) target(%dma_start3A_226 : memref<64x128xf32, #tpu.memory_space<vmem_shared>>) target_semaphore(%run_scoped3A_218 : memref<!tpu.dma_semaphore, #tpu.memory_space<semaphore_mem>>)
      %dma_wait3A_231 = arith.constant 0 : i32
      %dma_wait3A_232 = arith.constant 0 : i32
      %dma_wait3A_233 = tpu.memref_slice %arg19[%run_scoped3A_65, %dma_wait3A_231, %dma_wait3A_232] : memref<2x64x128xf32, #tpu.memory_space<vmem>> -> memref<1x64x128xf32, #tpu.memory_space<vmem>>
      %dma_wait3A_234 = tpu.memref_squeeze %dma_wait3A_233 : memref<1x64x128xf32, #tpu.memory_space<vmem>> -> memref<64x128xf32, #tpu.memory_space<vmem>>
      %dma_wait3A_235 = arith.constant 0 : i32
      %dma_wait3A_236 = tpu.memref_slice %arg10[%add3A_64, %dma_wait3A_235] : memref<10240x128xf32, #tpu.memory_space<vmem_shared>> -> memref<64x128xf32, #tpu.memory_space<vmem_shared>>
      %dma_wait3A_237 = arith.constant 0 : i32
      %dma_wait3A_238 = tpu.memref_slice %arg10[%add3A_64, %dma_wait3A_237] : memref<10240x128xf32, #tpu.memory_space<vmem_shared>> -> memref<64x128xf32, #tpu.memory_space<vmem_shared>>
      %dma_wait3A_239 = arith.constant 0 : i32
      %dma_wait3A_240 = arith.constant 0 : i32
      %dma_wait3A_241 = tpu.memref_slice %arg19[%run_scoped3A_65, %dma_wait3A_239, %dma_wait3A_240] : memref<2x64x128xf32, #tpu.memory_space<vmem>> -> memref<1x64x128xf32, #tpu.memory_space<vmem>>
      %dma_wait3A_242 = tpu.memref_squeeze %dma_wait3A_241 : memref<1x64x128xf32, #tpu.memory_space<vmem>> -> memref<64x128xf32, #tpu.memory_space<vmem>>
      tpu.wait_dma2 semaphore(%run_scoped3A_218 : memref<!tpu.dma_semaphore, #tpu.memory_space<semaphore_mem>>) src(%dma_wait3A_242 : memref<64x128xf32, #tpu.memory_space<vmem>>) dst(%dma_wait3A_238 : memref<64x128xf32, #tpu.memory_space<vmem_shared>>)
      tpu.yield
    }) : () -> ()
    %mul3A_66 = arith.constant 640 : i32
    %mul3A_67 = arith.muli %arg1, %mul3A_66 : i32
    %add3A_68 = arith.constant 384 : i32
    %add3A_69 = arith.addi %mul3A_67, %add3A_68 : i32
    %run_scoped3A_70 = arith.constant 0 : i32
    "tpu.region"() ({
      %run_scoped3A_218 = tpu.sem_alloc : memref<!tpu.dma_semaphore, #tpu.memory_space<semaphore_mem>>
      %dma_start3A_219 = arith.constant 0 : i32
      %dma_start3A_220 = arith.constant 0 : i32
      %dma_start3A_221 = tpu.memref_slice %arg19[%run_scoped3A_70, %dma_start3A_219, %dma_start3A_220] : memref<2x64x128xf32, #tpu.memory_space<vmem>> -> memref<1x64x128xf32, #tpu.memory_space<vmem>>
      %dma_start3A_222 = tpu.memref_squeeze %dma_start3A_221 : memref<1x64x128xf32, #tpu.memory_space<vmem>> -> memref<64x128xf32, #tpu.memory_space<vmem>>
      %dma_start3A_223 = arith.constant 0 : i32
      %dma_start3A_224 = tpu.memref_slice %arg10[%add3A_69, %dma_start3A_223] : memref<10240x128xf32, #tpu.memory_space<vmem_shared>> -> memref<64x128xf32, #tpu.memory_space<vmem_shared>>
      %dma_start3A_225 = arith.constant 0 : i32
      %dma_start3A_226 = tpu.memref_slice %arg10[%add3A_69, %dma_start3A_225] : memref<10240x128xf32, #tpu.memory_space<vmem_shared>> -> memref<64x128xf32, #tpu.memory_space<vmem_shared>>
      %dma_start3A_227 = arith.constant 0 : i32
      %dma_start3A_228 = arith.constant 0 : i32
      %dma_start3A_229 = tpu.memref_slice %arg19[%run_scoped3A_70, %dma_start3A_227, %dma_start3A_228] : memref<2x64x128xf32, #tpu.memory_space<vmem>> -> memref<1x64x128xf32, #tpu.memory_space<vmem>>
      %dma_start3A_230 = tpu.memref_squeeze %dma_start3A_229 : memref<1x64x128xf32, #tpu.memory_space<vmem>> -> memref<64x128xf32, #tpu.memory_space<vmem>>
      tpu.enqueue_dma source(%dma_start3A_230 : memref<64x128xf32, #tpu.memory_space<vmem>>) target(%dma_start3A_226 : memref<64x128xf32, #tpu.memory_space<vmem_shared>>) target_semaphore(%run_scoped3A_218 : memref<!tpu.dma_semaphore, #tpu.memory_space<semaphore_mem>>)
      %dma_wait3A_231 = arith.constant 0 : i32
      %dma_wait3A_232 = arith.constant 0 : i32
      %dma_wait3A_233 = tpu.memref_slice %arg19[%run_scoped3A_70, %dma_wait3A_231, %dma_wait3A_232] : memref<2x64x128xf32, #tpu.memory_space<vmem>> -> memref<1x64x128xf32, #tpu.memory_space<vmem>>
      %dma_wait3A_234 = tpu.memref_squeeze %dma_wait3A_233 : memref<1x64x128xf32, #tpu.memory_space<vmem>> -> memref<64x128xf32, #tpu.memory_space<vmem>>
      %dma_wait3A_235 = arith.constant 0 : i32
      %dma_wait3A_236 = tpu.memref_slice %arg10[%add3A_69, %dma_wait3A_235] : memref<10240x128xf32, #tpu.memory_space<vmem_shared>> -> memref<64x128xf32, #tpu.memory_space<vmem_shared>>
      %dma_wait3A_237 = arith.constant 0 : i32
      %dma_wait3A_238 = tpu.memref_slice %arg10[%add3A_69, %dma_wait3A_237] : memref<10240x128xf32, #tpu.memory_space<vmem_shared>> -> memref<64x128xf32, #tpu.memory_space<vmem_shared>>
      %dma_wait3A_239 = arith.constant 0 : i32
      %dma_wait3A_240 = arith.constant 0 : i32
      %dma_wait3A_241 = tpu.memref_slice %arg19[%run_scoped3A_70, %dma_wait3A_239, %dma_wait3A_240] : memref<2x64x128xf32, #tpu.memory_space<vmem>> -> memref<1x64x128xf32, #tpu.memory_space<vmem>>
      %dma_wait3A_242 = tpu.memref_squeeze %dma_wait3A_241 : memref<1x64x128xf32, #tpu.memory_space<vmem>> -> memref<64x128xf32, #tpu.memory_space<vmem>>
      tpu.wait_dma2 semaphore(%run_scoped3A_218 : memref<!tpu.dma_semaphore, #tpu.memory_space<semaphore_mem>>) src(%dma_wait3A_242 : memref<64x128xf32, #tpu.memory_space<vmem>>) dst(%dma_wait3A_238 : memref<64x128xf32, #tpu.memory_space<vmem_shared>>)
      tpu.yield
    }) : () -> ()
    %mul3A_71 = arith.constant 640 : i32
    %mul3A_72 = arith.muli %arg1, %mul3A_71 : i32
    %add3A_73 = arith.constant 448 : i32
    %add3A_74 = arith.addi %mul3A_72, %add3A_73 : i32
    %run_scoped3A_75 = arith.constant 0 : i32
    "tpu.region"() ({
      %run_scoped3A_218 = tpu.sem_alloc : memref<!tpu.dma_semaphore, #tpu.memory_space<semaphore_mem>>
      %dma_start3A_219 = arith.constant 0 : i32
      %dma_start3A_220 = arith.constant 0 : i32
      %dma_start3A_221 = tpu.memref_slice %arg19[%run_scoped3A_75, %dma_start3A_219, %dma_start3A_220] : memref<2x64x128xf32, #tpu.memory_space<vmem>> -> memref<1x64x128xf32, #tpu.memory_space<vmem>>
      %dma_start3A_222 = tpu.memref_squeeze %dma_start3A_221 : memref<1x64x128xf32, #tpu.memory_space<vmem>> -> memref<64x128xf32, #tpu.memory_space<vmem>>
      %dma_start3A_223 = arith.constant 0 : i32
      %dma_start3A_224 = tpu.memref_slice %arg10[%add3A_74, %dma_start3A_223] : memref<10240x128xf32, #tpu.memory_space<vmem_shared>> -> memref<64x128xf32, #tpu.memory_space<vmem_shared>>
      %dma_start3A_225 = arith.constant 0 : i32
      %dma_start3A_226 = tpu.memref_slice %arg10[%add3A_74, %dma_start3A_225] : memref<10240x128xf32, #tpu.memory_space<vmem_shared>> -> memref<64x128xf32, #tpu.memory_space<vmem_shared>>
      %dma_start3A_227 = arith.constant 0 : i32
      %dma_start3A_228 = arith.constant 0 : i32
      %dma_start3A_229 = tpu.memref_slice %arg19[%run_scoped3A_75, %dma_start3A_227, %dma_start3A_228] : memref<2x64x128xf32, #tpu.memory_space<vmem>> -> memref<1x64x128xf32, #tpu.memory_space<vmem>>
      %dma_start3A_230 = tpu.memref_squeeze %dma_start3A_229 : memref<1x64x128xf32, #tpu.memory_space<vmem>> -> memref<64x128xf32, #tpu.memory_space<vmem>>
      tpu.enqueue_dma source(%dma_start3A_230 : memref<64x128xf32, #tpu.memory_space<vmem>>) target(%dma_start3A_226 : memref<64x128xf32, #tpu.memory_space<vmem_shared>>) target_semaphore(%run_scoped3A_218 : memref<!tpu.dma_semaphore, #tpu.memory_space<semaphore_mem>>)
      %dma_wait3A_231 = arith.constant 0 : i32
      %dma_wait3A_232 = arith.constant 0 : i32
      %dma_wait3A_233 = tpu.memref_slice %arg19[%run_scoped3A_75, %dma_wait3A_231, %dma_wait3A_232] : memref<2x64x128xf32, #tpu.memory_space<vmem>> -> memref<1x64x128xf32, #tpu.memory_space<vmem>>
      %dma_wait3A_234 = tpu.memref_squeeze %dma_wait3A_233 : memref<1x64x128xf32, #tpu.memory_space<vmem>> -> memref<64x128xf32, #tpu.memory_space<vmem>>
      %dma_wait3A_235 = arith.constant 0 : i32
      %dma_wait3A_236 = tpu.memref_slice %arg10[%add3A_74, %dma_wait3A_235] : memref<10240x128xf32, #tpu.memory_space<vmem_shared>> -> memref<64x128xf32, #tpu.memory_space<vmem_shared>>
      %dma_wait3A_237 = arith.constant 0 : i32
      %dma_wait3A_238 = tpu.memref_slice %arg10[%add3A_74, %dma_wait3A_237] : memref<10240x128xf32, #tpu.memory_space<vmem_shared>> -> memref<64x128xf32, #tpu.memory_space<vmem_shared>>
      %dma_wait3A_239 = arith.constant 0 : i32
      %dma_wait3A_240 = arith.constant 0 : i32
      %dma_wait3A_241 = tpu.memref_slice %arg19[%run_scoped3A_75, %dma_wait3A_239, %dma_wait3A_240] : memref<2x64x128xf32, #tpu.memory_space<vmem>> -> memref<1x64x128xf32, #tpu.memory_space<vmem>>
      %dma_wait3A_242 = tpu.memref_squeeze %dma_wait3A_241 : memref<1x64x128xf32, #tpu.memory_space<vmem>> -> memref<64x128xf32, #tpu.memory_space<vmem>>
      tpu.wait_dma2 semaphore(%run_scoped3A_218 : memref<!tpu.dma_semaphore, #tpu.memory_space<semaphore_mem>>) src(%dma_wait3A_242 : memref<64x128xf32, #tpu.memory_space<vmem>>) dst(%dma_wait3A_238 : memref<64x128xf32, #tpu.memory_space<vmem_shared>>)
      tpu.yield
    }) : () -> ()
    %mul3A_76 = arith.constant 640 : i32
    %mul3A_77 = arith.muli %arg1, %mul3A_76 : i32
    %add3A_78 = arith.constant 512 : i32
    %add3A_79 = arith.addi %mul3A_77, %add3A_78 : i32
    %run_scoped3A_80 = arith.constant 0 : i32
    "tpu.region"() ({
      %run_scoped3A_218 = tpu.sem_alloc : memref<!tpu.dma_semaphore, #tpu.memory_space<semaphore_mem>>
      %dma_start3A_219 = arith.constant 0 : i32
      %dma_start3A_220 = arith.constant 0 : i32
      %dma_start3A_221 = tpu.memref_slice %arg19[%run_scoped3A_80, %dma_start3A_219, %dma_start3A_220] : memref<2x64x128xf32, #tpu.memory_space<vmem>> -> memref<1x64x128xf32, #tpu.memory_space<vmem>>
      %dma_start3A_222 = tpu.memref_squeeze %dma_start3A_221 : memref<1x64x128xf32, #tpu.memory_space<vmem>> -> memref<64x128xf32, #tpu.memory_space<vmem>>
      %dma_start3A_223 = arith.constant 0 : i32
      %dma_start3A_224 = tpu.memref_slice %arg10[%add3A_79, %dma_start3A_223] : memref<10240x128xf32, #tpu.memory_space<vmem_shared>> -> memref<64x128xf32, #tpu.memory_space<vmem_shared>>
      %dma_start3A_225 = arith.constant 0 : i32
      %dma_start3A_226 = tpu.memref_slice %arg10[%add3A_79, %dma_start3A_225] : memref<10240x128xf32, #tpu.memory_space<vmem_shared>> -> memref<64x128xf32, #tpu.memory_space<vmem_shared>>
      %dma_start3A_227 = arith.constant 0 : i32
      %dma_start3A_228 = arith.constant 0 : i32
      %dma_start3A_229 = tpu.memref_slice %arg19[%run_scoped3A_80, %dma_start3A_227, %dma_start3A_228] : memref<2x64x128xf32, #tpu.memory_space<vmem>> -> memref<1x64x128xf32, #tpu.memory_space<vmem>>
      %dma_start3A_230 = tpu.memref_squeeze %dma_start3A_229 : memref<1x64x128xf32, #tpu.memory_space<vmem>> -> memref<64x128xf32, #tpu.memory_space<vmem>>
      tpu.enqueue_dma source(%dma_start3A_230 : memref<64x128xf32, #tpu.memory_space<vmem>>) target(%dma_start3A_226 : memref<64x128xf32, #tpu.memory_space<vmem_shared>>) target_semaphore(%run_scoped3A_218 : memref<!tpu.dma_semaphore, #tpu.memory_space<semaphore_mem>>)
      %dma_wait3A_231 = arith.constant 0 : i32
      %dma_wait3A_232 = arith.constant 0 : i32
      %dma_wait3A_233 = tpu.memref_slice %arg19[%run_scoped3A_80, %dma_wait3A_231, %dma_wait3A_232] : memref<2x64x128xf32, #tpu.memory_space<vmem>> -> memref<1x64x128xf32, #tpu.memory_space<vmem>>
      %dma_wait3A_234 = tpu.memref_squeeze %dma_wait3A_233 : memref<1x64x128xf32, #tpu.memory_space<vmem>> -> memref<64x128xf32, #tpu.memory_space<vmem>>
      %dma_wait3A_235 = arith.constant 0 : i32
      %dma_wait3A_236 = tpu.memref_slice %arg10[%add3A_79, %dma_wait3A_235] : memref<10240x128xf32, #tpu.memory_space<vmem_shared>> -> memref<64x128xf32, #tpu.memory_space<vmem_shared>>
      %dma_wait3A_237 = arith.constant 0 : i32
      %dma_wait3A_238 = tpu.memref_slice %arg10[%add3A_79, %dma_wait3A_237] : memref<10240x128xf32, #tpu.memory_space<vmem_shared>> -> memref<64x128xf32, #tpu.memory_space<vmem_shared>>
      %dma_wait3A_239 = arith.constant 0 : i32
      %dma_wait3A_240 = arith.constant 0 : i32
      %dma_wait3A_241 = tpu.memref_slice %arg19[%run_scoped3A_80, %dma_wait3A_239, %dma_wait3A_240] : memref<2x64x128xf32, #tpu.memory_space<vmem>> -> memref<1x64x128xf32, #tpu.memory_space<vmem>>
      %dma_wait3A_242 = tpu.memref_squeeze %dma_wait3A_241 : memref<1x64x128xf32, #tpu.memory_space<vmem>> -> memref<64x128xf32, #tpu.memory_space<vmem>>
      tpu.wait_dma2 semaphore(%run_scoped3A_218 : memref<!tpu.dma_semaphore, #tpu.memory_space<semaphore_mem>>) src(%dma_wait3A_242 : memref<64x128xf32, #tpu.memory_space<vmem>>) dst(%dma_wait3A_238 : memref<64x128xf32, #tpu.memory_space<vmem_shared>>)
      tpu.yield
    }) : () -> ()
    %mul3A_81 = arith.constant 640 : i32
    %mul3A_82 = arith.muli %arg1, %mul3A_81 : i32
    %add3A_83 = arith.constant 576 : i32
    %add3A_84 = arith.addi %mul3A_82, %add3A_83 : i32
    %run_scoped3A_85 = arith.constant 0 : i32
    "tpu.region"() ({
      %run_scoped3A_218 = tpu.sem_alloc : memref<!tpu.dma_semaphore, #tpu.memory_space<semaphore_mem>>
      %dma_start3A_219 = arith.constant 0 : i32
      %dma_start3A_220 = arith.constant 0 : i32
      %dma_start3A_221 = tpu.memref_slice %arg19[%run_scoped3A_85, %dma_start3A_219, %dma_start3A_220] : memref<2x64x128xf32, #tpu.memory_space<vmem>> -> memref<1x64x128xf32, #tpu.memory_space<vmem>>
      %dma_start3A_222 = tpu.memref_squeeze %dma_start3A_221 : memref<1x64x128xf32, #tpu.memory_space<vmem>> -> memref<64x128xf32, #tpu.memory_space<vmem>>
      %dma_start3A_223 = arith.constant 0 : i32
      %dma_start3A_224 = tpu.memref_slice %arg10[%add3A_84, %dma_start3A_223] : memref<10240x128xf32, #tpu.memory_space<vmem_shared>> -> memref<64x128xf32, #tpu.memory_space<vmem_shared>>
      %dma_start3A_225 = arith.constant 0 : i32
      %dma_start3A_226 = tpu.memref_slice %arg10[%add3A_84, %dma_start3A_225] : memref<10240x128xf32, #tpu.memory_space<vmem_shared>> -> memref<64x128xf32, #tpu.memory_space<vmem_shared>>
      %dma_start3A_227 = arith.constant 0 : i32
      %dma_start3A_228 = arith.constant 0 : i32
      %dma_start3A_229 = tpu.memref_slice %arg19[%run_scoped3A_85, %dma_start3A_227, %dma_start3A_228] : memref<2x64x128xf32, #tpu.memory_space<vmem>> -> memref<1x64x128xf32, #tpu.memory_space<vmem>>
      %dma_start3A_230 = tpu.memref_squeeze %dma_start3A_229 : memref<1x64x128xf32, #tpu.memory_space<vmem>> -> memref<64x128xf32, #tpu.memory_space<vmem>>
      tpu.enqueue_dma source(%dma_start3A_230 : memref<64x128xf32, #tpu.memory_space<vmem>>) target(%dma_start3A_226 : memref<64x128xf32, #tpu.memory_space<vmem_shared>>) target_semaphore(%run_scoped3A_218 : memref<!tpu.dma_semaphore, #tpu.memory_space<semaphore_mem>>)
      %dma_wait3A_231 = arith.constant 0 : i32
      %dma_wait3A_232 = arith.constant 0 : i32
      %dma_wait3A_233 = tpu.memref_slice %arg19[%run_scoped3A_85, %dma_wait3A_231, %dma_wait3A_232] : memref<2x64x128xf32, #tpu.memory_space<vmem>> -> memref<1x64x128xf32, #tpu.memory_space<vmem>>
      %dma_wait3A_234 = tpu.memref_squeeze %dma_wait3A_233 : memref<1x64x128xf32, #tpu.memory_space<vmem>> -> memref<64x128xf32, #tpu.memory_space<vmem>>
      %dma_wait3A_235 = arith.constant 0 : i32
      %dma_wait3A_236 = tpu.memref_slice %arg10[%add3A_84, %dma_wait3A_235] : memref<10240x128xf32, #tpu.memory_space<vmem_shared>> -> memref<64x128xf32, #tpu.memory_space<vmem_shared>>
      %dma_wait3A_237 = arith.constant 0 : i32
      %dma_wait3A_238 = tpu.memref_slice %arg10[%add3A_84, %dma_wait3A_237] : memref<10240x128xf32, #tpu.memory_space<vmem_shared>> -> memref<64x128xf32, #tpu.memory_space<vmem_shared>>
      %dma_wait3A_239 = arith.constant 0 : i32
      %dma_wait3A_240 = arith.constant 0 : i32
      %dma_wait3A_241 = tpu.memref_slice %arg19[%run_scoped3A_85, %dma_wait3A_239, %dma_wait3A_240] : memref<2x64x128xf32, #tpu.memory_space<vmem>> -> memref<1x64x128xf32, #tpu.memory_space<vmem>>
      %dma_wait3A_242 = tpu.memref_squeeze %dma_wait3A_241 : memref<1x64x128xf32, #tpu.memory_space<vmem>> -> memref<64x128xf32, #tpu.memory_space<vmem>>
      tpu.wait_dma2 semaphore(%run_scoped3A_218 : memref<!tpu.dma_semaphore, #tpu.memory_space<semaphore_mem>>) src(%dma_wait3A_242 : memref<64x128xf32, #tpu.memory_space<vmem>>) dst(%dma_wait3A_238 : memref<64x128xf32, #tpu.memory_space<vmem_shared>>)
      tpu.yield
    }) : () -> ()
    %eq3A = arith.constant 0 : i32
    %eq3A_86 = arith.cmpi eq, %arg1, %eq3A : i32
    %convert_element_type3A = arith.extui %eq3A_86 : i1 to i32
    %cond3A = arith.constant 0 : i32
    %cond3A_87 = arith.cmpi ne, %convert_element_type3A, %cond3A : i32
    scf.if %cond3A_87 {
      %run_scoped3A_218 = arith.constant 0 : i32
      "tpu.region"() ({
        %run_scoped3A_220 = tpu.sem_alloc : memref<!tpu.dma_semaphore, #tpu.memory_space<semaphore_mem>>
        %dma_start3A_221 = arith.constant 0 : i32
        %dma_start3A_222 = arith.constant 0 : i32
        %dma_start3A_223 = tpu.memref_slice %arg19[%run_scoped3A_218, %dma_start3A_221, %dma_start3A_222] : memref<2x64x128xf32, #tpu.memory_space<vmem>> -> memref<1x64x128xf32, #tpu.memory_space<vmem>>
        %dma_start3A_224 = tpu.memref_squeeze %dma_start3A_223 : memref<1x64x128xf32, #tpu.memory_space<vmem>> -> memref<64x128xf32, #tpu.memory_space<vmem>>
        %dma_start3A_225 = arith.constant 0 : i32
        %dma_start3A_226 = arith.constant 0 : i32
        %dma_start3A_227 = tpu.memref_slice %arg11[%dma_start3A_225, %dma_start3A_226] : memref<80x128xf32, #tpu.memory_space<vmem_shared>> -> memref<64x128xf32, #tpu.memory_space<vmem_shared>>
        %dma_start3A_228 = arith.constant 0 : i32
        %dma_start3A_229 = arith.constant 0 : i32
        %dma_start3A_230 = tpu.memref_slice %arg11[%dma_start3A_228, %dma_start3A_229] : memref<80x128xf32, #tpu.memory_space<vmem_shared>> -> memref<64x128xf32, #tpu.memory_space<vmem_shared>>
        %dma_start3A_231 = arith.constant 0 : i32
        %dma_start3A_232 = arith.constant 0 : i32
        %dma_start3A_233 = tpu.memref_slice %arg19[%run_scoped3A_218, %dma_start3A_231, %dma_start3A_232] : memref<2x64x128xf32, #tpu.memory_space<vmem>> -> memref<1x64x128xf32, #tpu.memory_space<vmem>>
        %dma_start3A_234 = tpu.memref_squeeze %dma_start3A_233 : memref<1x64x128xf32, #tpu.memory_space<vmem>> -> memref<64x128xf32, #tpu.memory_space<vmem>>
        tpu.enqueue_dma source(%dma_start3A_234 : memref<64x128xf32, #tpu.memory_space<vmem>>) target(%dma_start3A_230 : memref<64x128xf32, #tpu.memory_space<vmem_shared>>) target_semaphore(%run_scoped3A_220 : memref<!tpu.dma_semaphore, #tpu.memory_space<semaphore_mem>>)
        %dma_wait3A_235 = arith.constant 0 : i32
        %dma_wait3A_236 = arith.constant 0 : i32
        %dma_wait3A_237 = tpu.memref_slice %arg19[%run_scoped3A_218, %dma_wait3A_235, %dma_wait3A_236] : memref<2x64x128xf32, #tpu.memory_space<vmem>> -> memref<1x64x128xf32, #tpu.memory_space<vmem>>
        %dma_wait3A_238 = tpu.memref_squeeze %dma_wait3A_237 : memref<1x64x128xf32, #tpu.memory_space<vmem>> -> memref<64x128xf32, #tpu.memory_space<vmem>>
        %dma_wait3A_239 = arith.constant 0 : i32
        %dma_wait3A_240 = arith.constant 0 : i32
        %dma_wait3A_241 = tpu.memref_slice %arg11[%dma_wait3A_239, %dma_wait3A_240] : memref<80x128xf32, #tpu.memory_space<vmem_shared>> -> memref<64x128xf32, #tpu.memory_space<vmem_shared>>
        %dma_wait3A_242 = arith.constant 0 : i32
        %dma_wait3A_243 = arith.constant 0 : i32
        %dma_wait3A_244 = tpu.memref_slice %arg11[%dma_wait3A_242, %dma_wait3A_243] : memref<80x128xf32, #tpu.memory_space<vmem_shared>> -> memref<64x128xf32, #tpu.memory_space<vmem_shared>>
        %dma_wait3A_245 = arith.constant 0 : i32
        %dma_wait3A_246 = arith.constant 0 : i32
        %dma_wait3A_247 = tpu.memref_slice %arg19[%run_scoped3A_218, %dma_wait3A_245, %dma_wait3A_246] : memref<2x64x128xf32, #tpu.memory_space<vmem>> -> memref<1x64x128xf32, #tpu.memory_space<vmem>>
        %dma_wait3A_248 = tpu.memref_squeeze %dma_wait3A_247 : memref<1x64x128xf32, #tpu.memory_space<vmem>> -> memref<64x128xf32, #tpu.memory_space<vmem>>
        tpu.wait_dma2 semaphore(%run_scoped3A_220 : memref<!tpu.dma_semaphore, #tpu.memory_space<semaphore_mem>>) src(%dma_wait3A_248 : memref<64x128xf32, #tpu.memory_space<vmem>>) dst(%dma_wait3A_244 : memref<64x128xf32, #tpu.memory_space<vmem_shared>>)
        tpu.yield
      }) : () -> ()
      %run_scoped3A_219 = arith.constant 0 : i32
      "tpu.region"() ({
        %run_scoped3A_220 = tpu.sem_alloc : memref<!tpu.dma_semaphore, #tpu.memory_space<semaphore_mem>>
        %dma_start3A_221 = arith.constant 0 : i32
        %dma_start3A_222 = arith.constant 0 : i32
        %dma_start3A_223 = tpu.memref_slice %arg19[%run_scoped3A_219, %dma_start3A_221, %dma_start3A_222] : memref<2x64x128xf32, #tpu.memory_space<vmem>> -> memref<1x16x128xf32, #tpu.memory_space<vmem>>
        %dma_start3A_224 = tpu.memref_squeeze %dma_start3A_223 : memref<1x16x128xf32, #tpu.memory_space<vmem>> -> memref<16x128xf32, #tpu.memory_space<vmem>>
        %dma_start3A_225 = arith.constant 64 : i32
        %dma_start3A_226 = arith.constant 0 : i32
        %dma_start3A_227 = tpu.memref_slice %arg11[%dma_start3A_225, %dma_start3A_226] : memref<80x128xf32, #tpu.memory_space<vmem_shared>> -> memref<16x128xf32, #tpu.memory_space<vmem_shared>>
        %dma_start3A_228 = arith.constant 64 : i32
        %dma_start3A_229 = arith.constant 0 : i32
        %dma_start3A_230 = tpu.memref_slice %arg11[%dma_start3A_228, %dma_start3A_229] : memref<80x128xf32, #tpu.memory_space<vmem_shared>> -> memref<16x128xf32, #tpu.memory_space<vmem_shared>>
        %dma_start3A_231 = arith.constant 0 : i32
        %dma_start3A_232 = arith.constant 0 : i32
        %dma_start3A_233 = tpu.memref_slice %arg19[%run_scoped3A_219, %dma_start3A_231, %dma_start3A_232] : memref<2x64x128xf32, #tpu.memory_space<vmem>> -> memref<1x16x128xf32, #tpu.memory_space<vmem>>
        %dma_start3A_234 = tpu.memref_squeeze %dma_start3A_233 : memref<1x16x128xf32, #tpu.memory_space<vmem>> -> memref<16x128xf32, #tpu.memory_space<vmem>>
        tpu.enqueue_dma source(%dma_start3A_234 : memref<16x128xf32, #tpu.memory_space<vmem>>) target(%dma_start3A_230 : memref<16x128xf32, #tpu.memory_space<vmem_shared>>) target_semaphore(%run_scoped3A_220 : memref<!tpu.dma_semaphore, #tpu.memory_space<semaphore_mem>>)
        %dma_wait3A_235 = arith.constant 0 : i32
        %dma_wait3A_236 = arith.constant 0 : i32
        %dma_wait3A_237 = tpu.memref_slice %arg19[%run_scoped3A_219, %dma_wait3A_235, %dma_wait3A_236] : memref<2x64x128xf32, #tpu.memory_space<vmem>> -> memref<1x16x128xf32, #tpu.memory_space<vmem>>
        %dma_wait3A_238 = tpu.memref_squeeze %dma_wait3A_237 : memref<1x16x128xf32, #tpu.memory_space<vmem>> -> memref<16x128xf32, #tpu.memory_space<vmem>>
        %dma_wait3A_239 = arith.constant 64 : i32
        %dma_wait3A_240 = arith.constant 0 : i32
        %dma_wait3A_241 = tpu.memref_slice %arg11[%dma_wait3A_239, %dma_wait3A_240] : memref<80x128xf32, #tpu.memory_space<vmem_shared>> -> memref<16x128xf32, #tpu.memory_space<vmem_shared>>
        %dma_wait3A_242 = arith.constant 64 : i32
        %dma_wait3A_243 = arith.constant 0 : i32
        %dma_wait3A_244 = tpu.memref_slice %arg11[%dma_wait3A_242, %dma_wait3A_243] : memref<80x128xf32, #tpu.memory_space<vmem_shared>> -> memref<16x128xf32, #tpu.memory_space<vmem_shared>>
        %dma_wait3A_245 = arith.constant 0 : i32
        %dma_wait3A_246 = arith.constant 0 : i32
        %dma_wait3A_247 = tpu.memref_slice %arg19[%run_scoped3A_219, %dma_wait3A_245, %dma_wait3A_246] : memref<2x64x128xf32, #tpu.memory_space<vmem>> -> memref<1x16x128xf32, #tpu.memory_space<vmem>>
        %dma_wait3A_248 = tpu.memref_squeeze %dma_wait3A_247 : memref<1x16x128xf32, #tpu.memory_space<vmem>> -> memref<16x128xf32, #tpu.memory_space<vmem>>
        tpu.wait_dma2 semaphore(%run_scoped3A_220 : memref<!tpu.dma_semaphore, #tpu.memory_space<semaphore_mem>>) src(%dma_wait3A_248 : memref<16x128xf32, #tpu.memory_space<vmem>>) dst(%dma_wait3A_244 : memref<16x128xf32, #tpu.memory_space<vmem_shared>>)
        tpu.yield
      }) : () -> ()
    } else {
    }
    %barrier3A = arith.constant 0 : index
    tpu.barrier barrier_id(%barrier3A)
    %get3A = arith.constant 0 : index
    %get3A_88 = tpu.vector_load %arg16[%get3A] {strides = array<i32>} : memref<16xf32, #tpu.memory_space<vmem>>, vector<16xf32>,
    %dma_start3A = arith.constant 0 : i32
    %dma_start3A_89 = arith.constant 0 : i32
    %dma_start3A_90 = arith.constant 0 : i32
    %dma_start3A_91 = arith.constant 0 : i32
    %dma_start3A_92 = tpu.memref_slice %arg14[%dma_start3A_90, %dma_start3A_91] : memref<4x64xi32, #tpu.memory_space<vmem>> -> memref<1x64xi32, #tpu.memory_space<vmem>>
    %dma_start3A_93 = tpu.memref_squeeze %dma_start3A_92 : memref<1x64xi32, #tpu.memory_space<vmem>> -> memref<64xi32, #tpu.memory_space<vmem>>
    %dma_start3A_94 = arith.constant 0 : i32
    %dma_start3A_95 = tpu.memref_slice %arg5[%add3A, %dma_start3A, %dma_start3A_89, %dma_start3A_94] : memref<32x164x8x64xi32, #tpu.memory_space<hbm>> -> memref<1x1x1x64xi32, #tpu.memory_space<hbm>>
    %dma_start3A_96 = tpu.memref_squeeze %dma_start3A_95 : memref<1x1x1x64xi32, #tpu.memory_space<hbm>> -> memref<64xi32, #tpu.memory_space<hbm>>
    %dma_start3A_97 = arith.constant 0 : i32
    %dma_start3A_98 = tpu.memref_slice %arg14[%dma_start3A_90, %dma_start3A_97] : memref<4x64xi32, #tpu.memory_space<vmem>> -> memref<1x64xi32, #tpu.memory_space<vmem>>
    %dma_start3A_99 = tpu.memref_squeeze %dma_start3A_98 : memref<1x64xi32, #tpu.memory_space<vmem>> -> memref<64xi32, #tpu.memory_space<vmem>>
    %dma_start3A_100 = arith.constant 0 : i32
    %dma_start3A_101 = tpu.memref_slice %arg5[%add3A, %dma_start3A, %dma_start3A_89, %dma_start3A_100] : memref<32x164x8x64xi32, #tpu.memory_space<hbm>> -> memref<1x1x1x64xi32, #tpu.memory_space<hbm>>
    %dma_start3A_102 = tpu.memref_squeeze %dma_start3A_101 : memref<1x1x1x64xi32, #tpu.memory_space<hbm>> -> memref<64xi32, #tpu.memory_space<hbm>>
    tpu.enqueue_dma source(%dma_start3A_102 : memref<64xi32, #tpu.memory_space<hbm>>) target(%dma_start3A_99 : memref<64xi32, #tpu.memory_space<vmem>>) target_semaphore(%arg25 : memref<!tpu.dma_semaphore, #tpu.memory_space<semaphore_mem>>)
    %dma_start3A_103 = arith.constant 0 : i32
    %dma_start3A_104 = arith.constant 0 : i32
    %dma_start3A_105 = arith.constant 0 : i32
    %dma_start3A_106 = arith.constant 0 : i32
    %dma_start3A_107 = tpu.memref_slice %arg15[%dma_start3A_105, %dma_start3A_106] : memref<4x64xi32, #tpu.memory_space<vmem>> -> memref<1x64xi32, #tpu.memory_space<vmem>>
    %dma_start3A_108 = tpu.memref_squeeze %dma_start3A_107 : memref<1x64xi32, #tpu.memory_space<vmem>> -> memref<64xi32, #tpu.memory_space<vmem>>
    %dma_start3A_109 = arith.constant 0 : i32
    %dma_start3A_110 = tpu.memref_slice %arg6[%add3A, %dma_start3A_103, %dma_start3A_104, %dma_start3A_109] : memref<32x164x8x64xi32, #tpu.memory_space<hbm>> -> memref<1x1x1x64xi32, #tpu.memory_space<hbm>>
    %dma_start3A_111 = tpu.memref_squeeze %dma_start3A_110 : memref<1x1x1x64xi32, #tpu.memory_space<hbm>> -> memref<64xi32, #tpu.memory_space<hbm>>
    %dma_start3A_112 = arith.constant 0 : i32
    %dma_start3A_113 = tpu.memref_slice %arg15[%dma_start3A_105, %dma_start3A_112] : memref<4x64xi32, #tpu.memory_space<vmem>> -> memref<1x64xi32, #tpu.memory_space<vmem>>
    %dma_start3A_114 = tpu.memref_squeeze %dma_start3A_113 : memref<1x64xi32, #tpu.memory_space<vmem>> -> memref<64xi32, #tpu.memory_space<vmem>>
    %dma_start3A_115 = arith.constant 0 : i32
    %dma_start3A_116 = tpu.memref_slice %arg6[%add3A, %dma_start3A_103, %dma_start3A_104, %dma_start3A_115] : memref<32x164x8x64xi32, #tpu.memory_space<hbm>> -> memref<1x1x1x64xi32, #tpu.memory_space<hbm>>
    %dma_start3A_117 = tpu.memref_squeeze %dma_start3A_116 : memref<1x1x1x64xi32, #tpu.memory_space<hbm>> -> memref<64xi32, #tpu.memory_space<hbm>>
    tpu.enqueue_dma source(%dma_start3A_117 : memref<64xi32, #tpu.memory_space<hbm>>) target(%dma_start3A_114 : memref<64xi32, #tpu.memory_space<vmem>>) target_semaphore(%arg25 : memref<!tpu.dma_semaphore, #tpu.memory_space<semaphore_mem>>)
    %dma_start3A_118 = arith.constant 1 : i32
    %dma_start3A_119 = arith.constant 0 : i32
    %dma_start3A_120 = arith.constant 1 : i32
    %dma_start3A_121 = arith.constant 0 : i32
    %dma_start3A_122 = tpu.memref_slice %arg14[%dma_start3A_120, %dma_start3A_121] : memref<4x64xi32, #tpu.memory_space<vmem>> -> memref<1x64xi32, #tpu.memory_space<vmem>>
    %dma_start3A_123 = tpu.memref_squeeze %dma_start3A_122 : memref<1x64xi32, #tpu.memory_space<vmem>> -> memref<64xi32, #tpu.memory_space<vmem>>
    %dma_start3A_124 = arith.constant 0 : i32
    %dma_start3A_125 = tpu.memref_slice %arg5[%add3A, %dma_start3A_118, %dma_start3A_119, %dma_start3A_124] : memref<32x164x8x64xi32, #tpu.memory_space<hbm>> -> memref<1x1x1x64xi32, #tpu.memory_space<hbm>>
    %dma_start3A_126 = tpu.memref_squeeze %dma_start3A_125 : memref<1x1x1x64xi32, #tpu.memory_space<hbm>> -> memref<64xi32, #tpu.memory_space<hbm>>
    %dma_start3A_127 = arith.constant 0 : i32
    %dma_start3A_128 = tpu.memref_slice %arg14[%dma_start3A_120, %dma_start3A_127] : memref<4x64xi32, #tpu.memory_space<vmem>> -> memref<1x64xi32, #tpu.memory_space<vmem>>
    %dma_start3A_129 = tpu.memref_squeeze %dma_start3A_128 : memref<1x64xi32, #tpu.memory_space<vmem>> -> memref<64xi32, #tpu.memory_space<vmem>>
    %dma_start3A_130 = arith.constant 0 : i32
    %dma_start3A_131 = tpu.memref_slice %arg5[%add3A, %dma_start3A_118, %dma_start3A_119, %dma_start3A_130] : memref<32x164x8x64xi32, #tpu.memory_space<hbm>> -> memref<1x1x1x64xi32, #tpu.memory_space<hbm>>
    %dma_start3A_132 = tpu.memref_squeeze %dma_start3A_131 : memref<1x1x1x64xi32, #tpu.memory_space<hbm>> -> memref<64xi32, #tpu.memory_space<hbm>>
    tpu.enqueue_dma source(%dma_start3A_132 : memref<64xi32, #tpu.memory_space<hbm>>) target(%dma_start3A_129 : memref<64xi32, #tpu.memory_space<vmem>>) target_semaphore(%arg26 : memref<!tpu.dma_semaphore, #tpu.memory_space<semaphore_mem>>)
    %dma_start3A_133 = arith.constant 1 : i32
    %dma_start3A_134 = arith.constant 0 : i32
    %dma_start3A_135 = arith.constant 1 : i32
    %dma_start3A_136 = arith.constant 0 : i32
    %dma_start3A_137 = tpu.memref_slice %arg15[%dma_start3A_135, %dma_start3A_136] : memref<4x64xi32, #tpu.memory_space<vmem>> -> memref<1x64xi32, #tpu.memory_space<vmem>>
    %dma_start3A_138 = tpu.memref_squeeze %dma_start3A_137 : memref<1x64xi32, #tpu.memory_space<vmem>> -> memref<64xi32, #tpu.memory_space<vmem>>
    %dma_start3A_139 = arith.constant 0 : i32
    %dma_start3A_140 = tpu.memref_slice %arg6[%add3A, %dma_start3A_133, %dma_start3A_134, %dma_start3A_139] : memref<32x164x8x64xi32, #tpu.memory_space<hbm>> -> memref<1x1x1x64xi32, #tpu.memory_space<hbm>>
    %dma_start3A_141 = tpu.memref_squeeze %dma_start3A_140 : memref<1x1x1x64xi32, #tpu.memory_space<hbm>> -> memref<64xi32, #tpu.memory_space<hbm>>
    %dma_start3A_142 = arith.constant 0 : i32
    %dma_start3A_143 = tpu.memref_slice %arg15[%dma_start3A_135, %dma_start3A_142] : memref<4x64xi32, #tpu.memory_space<vmem>> -> memref<1x64xi32, #tpu.memory_space<vmem>>
    %dma_start3A_144 = tpu.memref_squeeze %dma_start3A_143 : memref<1x64xi32, #tpu.memory_space<vmem>> -> memref<64xi32, #tpu.memory_space<vmem>>
    %dma_start3A_145 = arith.constant 0 : i32
    %dma_start3A_146 = tpu.memref_slice %arg6[%add3A, %dma_start3A_133, %dma_start3A_134, %dma_start3A_145] : memref<32x164x8x64xi32, #tpu.memory_space<hbm>> -> memref<1x1x1x64xi32, #tpu.memory_space<hbm>>
    %dma_start3A_147 = tpu.memref_squeeze %dma_start3A_146 : memref<1x1x1x64xi32, #tpu.memory_space<hbm>> -> memref<64xi32, #tpu.memory_space<hbm>>
    tpu.enqueue_dma source(%dma_start3A_147 : memref<64xi32, #tpu.memory_space<hbm>>) target(%dma_start3A_144 : memref<64xi32, #tpu.memory_space<vmem>>) target_semaphore(%arg26 : memref<!tpu.dma_semaphore, #tpu.memory_space<semaphore_mem>>)
    %dma_wait3A = arith.constant 0 : i32
    %dma_wait3A_148 = arith.constant 0 : i32
    %dma_wait3A_149 = arith.constant 0 : i32
    %dma_wait3A_150 = arith.constant 0 : i32
    %dma_wait3A_151 = tpu.memref_slice %arg14[%dma_wait3A_149, %dma_wait3A_150] : memref<4x64xi32, #tpu.memory_space<vmem>> -> memref<1x64xi32, #tpu.memory_space<vmem>>
    %dma_wait3A_152 = tpu.memref_squeeze %dma_wait3A_151 : memref<1x64xi32, #tpu.memory_space<vmem>> -> memref<64xi32, #tpu.memory_space<vmem>>
    %dma_wait3A_153 = arith.constant 0 : i32
    %dma_wait3A_154 = tpu.memref_slice %arg5[%add3A, %dma_wait3A, %dma_wait3A_148, %dma_wait3A_153] : memref<32x164x8x64xi32, #tpu.memory_space<hbm>> -> memref<1x1x1x64xi32, #tpu.memory_space<hbm>>
    %dma_wait3A_155 = tpu.memref_squeeze %dma_wait3A_154 : memref<1x1x1x64xi32, #tpu.memory_space<hbm>> -> memref<64xi32, #tpu.memory_space<hbm>>
    %dma_wait3A_156 = arith.constant 0 : i32
    %dma_wait3A_157 = tpu.memref_slice %arg14[%dma_wait3A_149, %dma_wait3A_156] : memref<4x64xi32, #tpu.memory_space<vmem>> -> memref<1x64xi32, #tpu.memory_space<vmem>>
    %dma_wait3A_158 = tpu.memref_squeeze %dma_wait3A_157 : memref<1x64xi32, #tpu.memory_space<vmem>> -> memref<64xi32, #tpu.memory_space<vmem>>
    %dma_wait3A_159 = arith.constant 0 : i32
    %dma_wait3A_160 = tpu.memref_slice %arg5[%add3A, %dma_wait3A, %dma_wait3A_148, %dma_wait3A_159] : memref<32x164x8x64xi32, #tpu.memory_space<hbm>> -> memref<1x1x1x64xi32, #tpu.memory_space<hbm>>
    %dma_wait3A_161 = tpu.memref_squeeze %dma_wait3A_160 : memref<1x1x1x64xi32, #tpu.memory_space<hbm>> -> memref<64xi32, #tpu.memory_space<hbm>>
    tpu.wait_dma2 semaphore(%arg25 : memref<!tpu.dma_semaphore, #tpu.memory_space<semaphore_mem>>) src(%dma_wait3A_161 : memref<64xi32, #tpu.memory_space<hbm>>) dst(%dma_wait3A_158 : memref<64xi32, #tpu.memory_space<vmem>>)
    %dma_wait3A_162 = arith.constant 0 : i32
    %dma_wait3A_163 = arith.constant 0 : i32
    %dma_wait3A_164 = arith.constant 0 : i32
    %dma_wait3A_165 = arith.constant 0 : i32
    %dma_wait3A_166 = tpu.memref_slice %arg15[%dma_wait3A_164, %dma_wait3A_165] : memref<4x64xi32, #tpu.memory_space<vmem>> -> memref<1x64xi32, #tpu.memory_space<vmem>>
    %dma_wait3A_167 = tpu.memref_squeeze %dma_wait3A_166 : memref<1x64xi32, #tpu.memory_space<vmem>> -> memref<64xi32, #tpu.memory_space<vmem>>
    %dma_wait3A_168 = arith.constant 0 : i32
    %dma_wait3A_169 = tpu.memref_slice %arg6[%add3A, %dma_wait3A_162, %dma_wait3A_163, %dma_wait3A_168] : memref<32x164x8x64xi32, #tpu.memory_space<hbm>> -> memref<1x1x1x64xi32, #tpu.memory_space<hbm>>
    %dma_wait3A_170 = tpu.memref_squeeze %dma_wait3A_169 : memref<1x1x1x64xi32, #tpu.memory_space<hbm>> -> memref<64xi32, #tpu.memory_space<hbm>>
    %dma_wait3A_171 = arith.constant 0 : i32
    %dma_wait3A_172 = tpu.memref_slice %arg15[%dma_wait3A_164, %dma_wait3A_171] : memref<4x64xi32, #tpu.memory_space<vmem>> -> memref<1x64xi32, #tpu.memory_space<vmem>>
    %dma_wait3A_173 = tpu.memref_squeeze %dma_wait3A_172 : memref<1x64xi32, #tpu.memory_space<vmem>> -> memref<64xi32, #tpu.memory_space<vmem>>
    %dma_wait3A_174 = arith.constant 0 : i32
    %dma_wait3A_175 = tpu.memref_slice %arg6[%add3A, %dma_wait3A_162, %dma_wait3A_163, %dma_wait3A_174] : memref<32x164x8x64xi32, #tpu.memory_space<hbm>> -> memref<1x1x1x64xi32, #tpu.memory_space<hbm>>
    %dma_wait3A_176 = tpu.memref_squeeze %dma_wait3A_175 : memref<1x1x1x64xi32, #tpu.memory_space<hbm>> -> memref<64xi32, #tpu.memory_space<hbm>>
    tpu.wait_dma2 semaphore(%arg25 : memref<!tpu.dma_semaphore, #tpu.memory_space<semaphore_mem>>) src(%dma_wait3A_176 : memref<64xi32, #tpu.memory_space<hbm>>) dst(%dma_wait3A_173 : memref<64xi32, #tpu.memory_space<vmem>>)
    %dma_start3A_177 = arith.constant 0 : i32
    %dma_start3A_178 = arith.constant 0 : i32
    %dma_start3A_179 = arith.constant 0 : i32
    %dma_start3A_180 = arith.constant 0 : i32
    %dma_start3A_181 = tpu.memref_slice %arg19[%dma_start3A_178, %dma_start3A_179, %dma_start3A_180] : memref<2x64x128xf32, #tpu.memory_space<vmem>> -> memref<1x64x128xf32, #tpu.memory_space<vmem>>
    %dma_start3A_182 = tpu.memref_squeeze %dma_start3A_181 : memref<1x64x128xf32, #tpu.memory_space<vmem>> -> memref<64x128xf32, #tpu.memory_space<vmem>>
    %dma_start3A_183 = arith.constant 0 : i32
    %dma_start3A_184 = tpu.memref_slice %arg14[%dma_start3A_177, %dma_start3A_183] : memref<4x64xi32, #tpu.memory_space<vmem>> -> memref<1x64xi32, #tpu.memory_space<vmem>>
    %dma_start3A_185 = tpu.memref_squeeze %dma_start3A_184 : memref<1x64xi32, #tpu.memory_space<vmem>> -> memref<64xi32, #tpu.memory_space<vmem>>
    %dma_start3A_186 = arith.constant 0 : i32
    %dma_start3A_187 = arith.constant 0 : i32
    %dma_start3A_188 = tpu.memref_slice %arg2[%dma_start3A_186, %dma_start3A_187] : memref<10000x128xf32, #tpu.memory_space<hbm>> -> memref<10000x128xf32, #tpu.memory_space<hbm>>
    tpu.enqueue_indirect_dma source(%dma_start3A_188 : memref<10000x128xf32, #tpu.memory_space<hbm>>) target(%dma_start3A_182 : memref<64x128xf32, #tpu.memory_space<vmem>>) offsets(%dma_start3A_185 : memref<64xi32, #tpu.memory_space<vmem>>) semaphore(%arg21 : memref<!tpu.dma_semaphore, #tpu.memory_space<semaphore_mem>>)
    %scan3A_189 = arith.constant 0 : i32
    %scan3A_190 = arith.constant 0 : i32
    %scan3A_191 = arith.constant 41 : i32
    %scan3A_192 = arith.addi %scan3A_190, %scan3A_191 : i32
    %scan3A_193 = arith.constant 1 : i32
    scf.for %scan3A_218 = %scan3A_190 to %scan3A_192 step %scan3A_193  : i32 {
      %get3A_219 = arith.constant 0 : i32
      %get3A_220 = arith.index_cast %get3A_219 : i32 to index
      %get3A_221 = arith.constant 0 : index
      %get3A_222 = tpu.vector_load %arg15[%get3A_220, %get3A_221] {strides = array<i32>} : memref<4x64xi32, #tpu.memory_space<vmem>>, vector<16xi32>,
      %get3A_223 = arith.constant 0 : i32
      %get3A_224 = arith.index_cast %get3A_223 : i32 to index
      %get3A_225 = arith.constant 0 : index
      %get3A_226 = tpu.vector_load %arg14[%get3A_224, %get3A_225] {strides = array<i32>} : memref<4x64xi32, #tpu.memory_space<vmem>>, vector<16xi32>,
      %gather3A = tpu.vector_load_idx %arg12[%get3A_226] : memref<10240xf32, #tpu.memory_space<vmem>>[vector<16xi32>], vector<16xf32>,
      %gather3A_227 = tpu.vector_load_idx %arg13[%get3A_222] : memref<10240xf32, #tpu.memory_space<vmem>>[vector<16xi32>], vector<16xf32>,
      %add3A_228 = arith.addf %gather3A, %gather3A_227 : vector<16xf32>
      %ge3A = arith.constant 0.000000e+00 : f32
      %ge3A_229 = vector.broadcast %ge3A : f32 to vector<16xf32>
      %ge3A_230 = arith.cmpf oge, %add3A_228, %ge3A_229 : vector<16xf32>
      %mul3A_231 = arith.constant 2.000000e-01 : f32
      %mul3A_232 = vector.broadcast %mul3A_231 : f32 to vector<16xf32>
      %mul3A_233 = arith.mulf %mul3A_232, %add3A_228 : vector<16xf32>
      %select_n3A = arith.select %ge3A_230, %add3A_228, %mul3A_233 : vector<16xi1>, vector<16xf32>
      %sub3A = arith.subf %select_n3A, %get3A_88 : vector<16xf32>
      %exp3A = math.exp %sub3A : vector<16xf32>
      %swap3A_234 = arith.constant 0 : index
      %swap3A_235 = tpu.vector_load %arg20[%swap3A_234] {strides = array<i32>} : memref<64xf32, #tpu.memory_space<vmem>>, vector<16xf32>,
      tpu.vector_store %arg20[%swap3A_234], %exp3A {strides = array<i32>} : memref<64xf32, #tpu.memory_space<vmem>>, vector<16xf32>,
      %shift_right_logical3A = arith.constant 7 : i32
      %shift_right_logical3A_236 = vector.broadcast %shift_right_logical3A : i32 to vector<16xi32>
      %shift_right_logical3A_237 = arith.shrui %get3A_222, %shift_right_logical3A_236 : vector<16xi32>
      %and3A = arith.constant 127 : i32
      %and3A_238 = vector.broadcast %and3A : i32 to vector<16xi32>
      %and3A_239 = arith.andi %get3A_222, %and3A_238 : vector<16xi32>
      tpu.vector_store_idx %arg17[%shift_right_logical3A_237, %and3A_239], %exp3A {add = true} : memref<80x128xf32, #tpu.memory_space<vmem>>[vector<16xi32>, vector<16xi32>], vector<16xf32>,
      %get3A_240 = arith.constant 0 : i32
      %get3A_241 = arith.index_cast %get3A_240 : i32 to index
      %get3A_242 = arith.constant 16 : index
      %get3A_243 = tpu.vector_load %arg15[%get3A_241, %get3A_242] {strides = array<i32>} : memref<4x64xi32, #tpu.memory_space<vmem>>, vector<16xi32>,
      %get3A_244 = arith.constant 0 : i32
      %get3A_245 = arith.index_cast %get3A_244 : i32 to index
      %get3A_246 = arith.constant 16 : index
      %get3A_247 = tpu.vector_load %arg14[%get3A_245, %get3A_246] {strides = array<i32>} : memref<4x64xi32, #tpu.memory_space<vmem>>, vector<16xi32>,
      %gather3A_248 = tpu.vector_load_idx %arg12[%get3A_247] : memref<10240xf32, #tpu.memory_space<vmem>>[vector<16xi32>], vector<16xf32>,
      %gather3A_249 = tpu.vector_load_idx %arg13[%get3A_243] : memref<10240xf32, #tpu.memory_space<vmem>>[vector<16xi32>], vector<16xf32>,
      %add3A_250 = arith.addf %gather3A_248, %gather3A_249 : vector<16xf32>
      %ge3A_251 = arith.constant 0.000000e+00 : f32
      %ge3A_252 = vector.broadcast %ge3A_251 : f32 to vector<16xf32>
      %ge3A_253 = arith.cmpf oge, %add3A_250, %ge3A_252 : vector<16xf32>
      %mul3A_254 = arith.constant 2.000000e-01 : f32
      %mul3A_255 = vector.broadcast %mul3A_254 : f32 to vector<16xf32>
      %mul3A_256 = arith.mulf %mul3A_255, %add3A_250 : vector<16xf32>
      %select_n3A_257 = arith.select %ge3A_253, %add3A_250, %mul3A_256 : vector<16xi1>, vector<16xf32>
      %sub3A_258 = arith.subf %select_n3A_257, %get3A_88 : vector<16xf32>
      %exp3A_259 = math.exp %sub3A_258 : vector<16xf32>
      %swap3A_260 = arith.constant 16 : index
      %swap3A_261 = tpu.vector_load %arg20[%swap3A_260] {strides = array<i32>} : memref<64xf32, #tpu.memory_space<vmem>>, vector<16xf32>,
      tpu.vector_store %arg20[%swap3A_260], %exp3A_259 {strides = array<i32>} : memref<64xf32, #tpu.memory_space<vmem>>, vector<16xf32>,
      %shift_right_logical3A_262 = arith.constant 7 : i32
      %shift_right_logical3A_263 = vector.broadcast %shift_right_logical3A_262 : i32 to vector<16xi32>
      %shift_right_logical3A_264 = arith.shrui %get3A_243, %shift_right_logical3A_263 : vector<16xi32>
      %and3A_265 = arith.constant 127 : i32
      %and3A_266 = vector.broadcast %and3A_265 : i32 to vector<16xi32>
      %and3A_267 = arith.andi %get3A_243, %and3A_266 : vector<16xi32>
      tpu.vector_store_idx %arg17[%shift_right_logical3A_264, %and3A_267], %exp3A_259 {add = true} : memref<80x128xf32, #tpu.memory_space<vmem>>[vector<16xi32>, vector<16xi32>], vector<16xf32>,
      %get3A_268 = arith.constant 0 : i32
      %get3A_269 = arith.index_cast %get3A_268 : i32 to index
      %get3A_270 = arith.constant 32 : index
      %get3A_271 = tpu.vector_load %arg15[%get3A_269, %get3A_270] {strides = array<i32>} : memref<4x64xi32, #tpu.memory_space<vmem>>, vector<16xi32>,
      %get3A_272 = arith.constant 0 : i32
      %get3A_273 = arith.index_cast %get3A_272 : i32 to index
      %get3A_274 = arith.constant 32 : index
      %get3A_275 = tpu.vector_load %arg14[%get3A_273, %get3A_274] {strides = array<i32>} : memref<4x64xi32, #tpu.memory_space<vmem>>, vector<16xi32>,
      %gather3A_276 = tpu.vector_load_idx %arg12[%get3A_275] : memref<10240xf32, #tpu.memory_space<vmem>>[vector<16xi32>], vector<16xf32>,
      %gather3A_277 = tpu.vector_load_idx %arg13[%get3A_271] : memref<10240xf32, #tpu.memory_space<vmem>>[vector<16xi32>], vector<16xf32>,
      %add3A_278 = arith.addf %gather3A_276, %gather3A_277 : vector<16xf32>
      %ge3A_279 = arith.constant 0.000000e+00 : f32
      %ge3A_280 = vector.broadcast %ge3A_279 : f32 to vector<16xf32>
      %ge3A_281 = arith.cmpf oge, %add3A_278, %ge3A_280 : vector<16xf32>
      %mul3A_282 = arith.constant 2.000000e-01 : f32
      %mul3A_283 = vector.broadcast %mul3A_282 : f32 to vector<16xf32>
      %mul3A_284 = arith.mulf %mul3A_283, %add3A_278 : vector<16xf32>
      %select_n3A_285 = arith.select %ge3A_281, %add3A_278, %mul3A_284 : vector<16xi1>, vector<16xf32>
      %sub3A_286 = arith.subf %select_n3A_285, %get3A_88 : vector<16xf32>
      %exp3A_287 = math.exp %sub3A_286 : vector<16xf32>
      %swap3A_288 = arith.constant 32 : index
      %swap3A_289 = tpu.vector_load %arg20[%swap3A_288] {strides = array<i32>} : memref<64xf32, #tpu.memory_space<vmem>>, vector<16xf32>,
      tpu.vector_store %arg20[%swap3A_288], %exp3A_287 {strides = array<i32>} : memref<64xf32, #tpu.memory_space<vmem>>, vector<16xf32>,
      %shift_right_logical3A_290 = arith.constant 7 : i32
      %shift_right_logical3A_291 = vector.broadcast %shift_right_logical3A_290 : i32 to vector<16xi32>
      %shift_right_logical3A_292 = arith.shrui %get3A_271, %shift_right_logical3A_291 : vector<16xi32>
      %and3A_293 = arith.constant 127 : i32
      %and3A_294 = vector.broadcast %and3A_293 : i32 to vector<16xi32>
      %and3A_295 = arith.andi %get3A_271, %and3A_294 : vector<16xi32>
      tpu.vector_store_idx %arg17[%shift_right_logical3A_292, %and3A_295], %exp3A_287 {add = true} : memref<80x128xf32, #tpu.memory_space<vmem>>[vector<16xi32>, vector<16xi32>], vector<16xf32>,
      %get3A_296 = arith.constant 0 : i32
      %get3A_297 = arith.index_cast %get3A_296 : i32 to index
      %get3A_298 = arith.constant 48 : index
      %get3A_299 = tpu.vector_load %arg15[%get3A_297, %get3A_298] {strides = array<i32>} : memref<4x64xi32, #tpu.memory_space<vmem>>, vector<16xi32>,
      %get3A_300 = arith.constant 0 : i32
      %get3A_301 = arith.index_cast %get3A_300 : i32 to index
      %get3A_302 = arith.constant 48 : index
      %get3A_303 = tpu.vector_load %arg14[%get3A_301, %get3A_302] {strides = array<i32>} : memref<4x64xi32, #tpu.memory_space<vmem>>, vector<16xi32>,
      %gather3A_304 = tpu.vector_load_idx %arg12[%get3A_303] : memref<10240xf32, #tpu.memory_space<vmem>>[vector<16xi32>], vector<16xf32>,
      %gather3A_305 = tpu.vector_load_idx %arg13[%get3A_299] : memref<10240xf32, #tpu.memory_space<vmem>>[vector<16xi32>], vector<16xf32>,
      %add3A_306 = arith.addf %gather3A_304, %gather3A_305 : vector<16xf32>
      %ge3A_307 = arith.constant 0.000000e+00 : f32
      %ge3A_308 = vector.broadcast %ge3A_307 : f32 to vector<16xf32>
      %ge3A_309 = arith.cmpf oge, %add3A_306, %ge3A_308 : vector<16xf32>
      %mul3A_310 = arith.constant 2.000000e-01 : f32
      %mul3A_311 = vector.broadcast %mul3A_310 : f32 to vector<16xf32>
      %mul3A_312 = arith.mulf %mul3A_311, %add3A_306 : vector<16xf32>
      %select_n3A_313 = arith.select %ge3A_309, %add3A_306, %mul3A_312 : vector<16xi1>, vector<16xf32>
      %sub3A_314 = arith.subf %select_n3A_313, %get3A_88 : vector<16xf32>
      %exp3A_315 = math.exp %sub3A_314 : vector<16xf32>
      %swap3A_316 = arith.constant 48 : index
      %swap3A_317 = tpu.vector_load %arg20[%swap3A_316] {strides = array<i32>} : memref<64xf32, #tpu.memory_space<vmem>>, vector<16xf32>,
      tpu.vector_store %arg20[%swap3A_316], %exp3A_315 {strides = array<i32>} : memref<64xf32, #tpu.memory_space<vmem>>, vector<16xf32>,
      %shift_right_logical3A_318 = arith.constant 7 : i32
      %shift_right_logical3A_319 = vector.broadcast %shift_right_logical3A_318 : i32 to vector<16xi32>
      %shift_right_logical3A_320 = arith.shrui %get3A_299, %shift_right_logical3A_319 : vector<16xi32>
      %and3A_321 = arith.constant 127 : i32
      %and3A_322 = vector.broadcast %and3A_321 : i32 to vector<16xi32>
      %and3A_323 = arith.andi %get3A_299, %and3A_322 : vector<16xi32>
      tpu.vector_store_idx %arg17[%shift_right_logical3A_320, %and3A_323], %exp3A_315 {add = true} : memref<80x128xf32, #tpu.memory_space<vmem>>[vector<16xi32>, vector<16xi32>], vector<16xf32>,
      %gt3A = arith.constant 0 : i32
      %gt3A_324 = arith.cmpi sgt, %scan3A_218, %gt3A : i32
      %convert_element_type3A_325 = arith.extui %gt3A_324 : i1 to i32
      %cond3A_326 = arith.constant 0 : i32
      %cond3A_327 = arith.cmpi ne, %convert_element_type3A_325, %cond3A_326 : i32
      scf.if %cond3A_327 {
        %dma_wait3A_1040 = arith.constant 1 : i32
        %dma_wait3A_1041 = arith.constant 3 : i32
        %dma_wait3A_1042 = arith.constant 0 : i32
        %dma_wait3A_1043 = arith.constant 0 : i32
        %dma_wait3A_1044 = tpu.memref_slice %arg19[%dma_wait3A_1040, %dma_wait3A_1042, %dma_wait3A_1043] : memref<2x64x128xf32, #tpu.memory_space<vmem>> -> memref<1x64x128xf32, #tpu.memory_space<vmem>>
        %dma_wait3A_1045 = tpu.memref_squeeze %dma_wait3A_1044 : memref<1x64x128xf32, #tpu.memory_space<vmem>> -> memref<64x128xf32, #tpu.memory_space<vmem>>
        %dma_wait3A_1046 = arith.constant 0 : i32
        %dma_wait3A_1047 = tpu.memref_slice %arg15[%dma_wait3A_1041, %dma_wait3A_1046] : memref<4x64xi32, #tpu.memory_space<vmem>> -> memref<1x64xi32, #tpu.memory_space<vmem>>
        %dma_wait3A_1048 = tpu.memref_squeeze %dma_wait3A_1047 : memref<1x64xi32, #tpu.memory_space<vmem>> -> memref<64xi32, #tpu.memory_space<vmem>>
        %dma_wait3A_1049 = arith.constant 0 : i32
        %dma_wait3A_1050 = arith.constant 0 : i32
        %dma_wait3A_1051 = tpu.memref_slice %arg10[%dma_wait3A_1049, %dma_wait3A_1050] : memref<10240x128xf32, #tpu.memory_space<vmem_shared>> -> memref<10240x128xf32, #tpu.memory_space<vmem_shared>>
        tpu.wait_indirect_dma semaphore(%arg24 : memref<!tpu.dma_semaphore, #tpu.memory_space<semaphore_mem>>) src(%dma_wait3A_1045 : memref<64x128xf32, #tpu.memory_space<vmem>>) dst(%dma_wait3A_1051 : memref<10240x128xf32, #tpu.memory_space<vmem_shared>>)
      } else {
      }
      %mul3A_328 = arith.constant 4 : i32
      %mul3A_329 = arith.muli %mul3A_328, %scan3A_218 : i32
      %add3A_330 = arith.constant 0 : i32
      %add3A_331 = arith.addi %mul3A_329, %add3A_330 : i32
      %add3A_332 = arith.constant 2 : i32
      %add3A_333 = arith.addi %add3A_331, %add3A_332 : i32
      %dma_start3A_334 = arith.constant 0 : i32
      %dma_start3A_335 = arith.constant 2 : i32
      %dma_start3A_336 = arith.constant 0 : i32
      %dma_start3A_337 = tpu.memref_slice %arg14[%dma_start3A_335, %dma_start3A_336] : memref<4x64xi32, #tpu.memory_space<vmem>> -> memref<1x64xi32, #tpu.memory_space<vmem>>
      %dma_start3A_338 = tpu.memref_squeeze %dma_start3A_337 : memref<1x64xi32, #tpu.memory_space<vmem>> -> memref<64xi32, #tpu.memory_space<vmem>>
      %dma_start3A_339 = arith.constant 0 : i32
      %dma_start3A_340 = tpu.memref_slice %arg5[%add3A, %add3A_333, %dma_start3A_334, %dma_start3A_339] : memref<32x164x8x64xi32, #tpu.memory_space<hbm>> -> memref<1x1x1x64xi32, #tpu.memory_space<hbm>>
      %dma_start3A_341 = tpu.memref_squeeze %dma_start3A_340 : memref<1x1x1x64xi32, #tpu.memory_space<hbm>> -> memref<64xi32, #tpu.memory_space<hbm>>
      %dma_start3A_342 = arith.constant 0 : i32
      %dma_start3A_343 = tpu.memref_slice %arg14[%dma_start3A_335, %dma_start3A_342] : memref<4x64xi32, #tpu.memory_space<vmem>> -> memref<1x64xi32, #tpu.memory_space<vmem>>
      %dma_start3A_344 = tpu.memref_squeeze %dma_start3A_343 : memref<1x64xi32, #tpu.memory_space<vmem>> -> memref<64xi32, #tpu.memory_space<vmem>>
      %dma_start3A_345 = arith.constant 0 : i32
      %dma_start3A_346 = tpu.memref_slice %arg5[%add3A, %add3A_333, %dma_start3A_334, %dma_start3A_345] : memref<32x164x8x64xi32, #tpu.memory_space<hbm>> -> memref<1x1x1x64xi32, #tpu.memory_space<hbm>>
      %dma_start3A_347 = tpu.memref_squeeze %dma_start3A_346 : memref<1x1x1x64xi32, #tpu.memory_space<hbm>> -> memref<64xi32, #tpu.memory_space<hbm>>
      tpu.enqueue_dma source(%dma_start3A_347 : memref<64xi32, #tpu.memory_space<hbm>>) target(%dma_start3A_344 : memref<64xi32, #tpu.memory_space<vmem>>) target_semaphore(%arg27 : memref<!tpu.dma_semaphore, #tpu.memory_space<semaphore_mem>>)
      %dma_start3A_348 = arith.constant 0 : i32
      %dma_start3A_349 = arith.constant 2 : i32
      %dma_start3A_350 = arith.constant 0 : i32
      %dma_start3A_351 = tpu.memref_slice %arg15[%dma_start3A_349, %dma_start3A_350] : memref<4x64xi32, #tpu.memory_space<vmem>> -> memref<1x64xi32, #tpu.memory_space<vmem>>
      %dma_start3A_352 = tpu.memref_squeeze %dma_start3A_351 : memref<1x64xi32, #tpu.memory_space<vmem>> -> memref<64xi32, #tpu.memory_space<vmem>>
      %dma_start3A_353 = arith.constant 0 : i32
      %dma_start3A_354 = tpu.memref_slice %arg6[%add3A, %add3A_333, %dma_start3A_348, %dma_start3A_353] : memref<32x164x8x64xi32, #tpu.memory_space<hbm>> -> memref<1x1x1x64xi32, #tpu.memory_space<hbm>>
      %dma_start3A_355 = tpu.memref_squeeze %dma_start3A_354 : memref<1x1x1x64xi32, #tpu.memory_space<hbm>> -> memref<64xi32, #tpu.memory_space<hbm>>
      %dma_start3A_356 = arith.constant 0 : i32
      %dma_start3A_357 = tpu.memref_slice %arg15[%dma_start3A_349, %dma_start3A_356] : memref<4x64xi32, #tpu.memory_space<vmem>> -> memref<1x64xi32, #tpu.memory_space<vmem>>
      %dma_start3A_358 = tpu.memref_squeeze %dma_start3A_357 : memref<1x64xi32, #tpu.memory_space<vmem>> -> memref<64xi32, #tpu.memory_space<vmem>>
      %dma_start3A_359 = arith.constant 0 : i32
      %dma_start3A_360 = tpu.memref_slice %arg6[%add3A, %add3A_333, %dma_start3A_348, %dma_start3A_359] : memref<32x164x8x64xi32, #tpu.memory_space<hbm>> -> memref<1x1x1x64xi32, #tpu.memory_space<hbm>>
      %dma_start3A_361 = tpu.memref_squeeze %dma_start3A_360 : memref<1x1x1x64xi32, #tpu.memory_space<hbm>> -> memref<64xi32, #tpu.memory_space<hbm>>
      tpu.enqueue_dma source(%dma_start3A_361 : memref<64xi32, #tpu.memory_space<hbm>>) target(%dma_start3A_358 : memref<64xi32, #tpu.memory_space<vmem>>) target_semaphore(%arg27 : memref<!tpu.dma_semaphore, #tpu.memory_space<semaphore_mem>>)
      %mul3A_362 = arith.constant 4 : i32
      %mul3A_363 = arith.muli %mul3A_362, %scan3A_218 : i32
      %add3A_364 = arith.constant 0 : i32
      %add3A_365 = arith.addi %mul3A_363, %add3A_364 : i32
      %add3A_366 = arith.constant 1 : i32
      %add3A_367 = arith.addi %add3A_365, %add3A_366 : i32
      %dma_wait3A_368 = arith.constant 0 : i32
      %dma_wait3A_369 = arith.constant 1 : i32
      %dma_wait3A_370 = arith.constant 0 : i32
      %dma_wait3A_371 = tpu.memref_slice %arg14[%dma_wait3A_369, %dma_wait3A_370] : memref<4x64xi32, #tpu.memory_space<vmem>> -> memref<1x64xi32, #tpu.memory_space<vmem>>
      %dma_wait3A_372 = tpu.memref_squeeze %dma_wait3A_371 : memref<1x64xi32, #tpu.memory_space<vmem>> -> memref<64xi32, #tpu.memory_space<vmem>>
      %dma_wait3A_373 = arith.constant 0 : i32
      %dma_wait3A_374 = tpu.memref_slice %arg5[%add3A, %add3A_367, %dma_wait3A_368, %dma_wait3A_373] : memref<32x164x8x64xi32, #tpu.memory_space<hbm>> -> memref<1x1x1x64xi32, #tpu.memory_space<hbm>>
      %dma_wait3A_375 = tpu.memref_squeeze %dma_wait3A_374 : memref<1x1x1x64xi32, #tpu.memory_space<hbm>> -> memref<64xi32, #tpu.memory_space<hbm>>
      %dma_wait3A_376 = arith.constant 0 : i32
      %dma_wait3A_377 = tpu.memref_slice %arg14[%dma_wait3A_369, %dma_wait3A_376] : memref<4x64xi32, #tpu.memory_space<vmem>> -> memref<1x64xi32, #tpu.memory_space<vmem>>
      %dma_wait3A_378 = tpu.memref_squeeze %dma_wait3A_377 : memref<1x64xi32, #tpu.memory_space<vmem>> -> memref<64xi32, #tpu.memory_space<vmem>>
      %dma_wait3A_379 = arith.constant 0 : i32
      %dma_wait3A_380 = tpu.memref_slice %arg5[%add3A, %add3A_367, %dma_wait3A_368, %dma_wait3A_379] : memref<32x164x8x64xi32, #tpu.memory_space<hbm>> -> memref<1x1x1x64xi32, #tpu.memory_space<hbm>>
      %dma_wait3A_381 = tpu.memref_squeeze %dma_wait3A_380 : memref<1x1x1x64xi32, #tpu.memory_space<hbm>> -> memref<64xi32, #tpu.memory_space<hbm>>
      tpu.wait_dma2 semaphore(%arg26 : memref<!tpu.dma_semaphore, #tpu.memory_space<semaphore_mem>>) src(%dma_wait3A_381 : memref<64xi32, #tpu.memory_space<hbm>>) dst(%dma_wait3A_378 : memref<64xi32, #tpu.memory_space<vmem>>)
      %dma_wait3A_382 = arith.constant 0 : i32
      %dma_wait3A_383 = arith.constant 1 : i32
      %dma_wait3A_384 = arith.constant 0 : i32
      %dma_wait3A_385 = tpu.memref_slice %arg15[%dma_wait3A_383, %dma_wait3A_384] : memref<4x64xi32, #tpu.memory_space<vmem>> -> memref<1x64xi32, #tpu.memory_space<vmem>>
      %dma_wait3A_386 = tpu.memref_squeeze %dma_wait3A_385 : memref<1x64xi32, #tpu.memory_space<vmem>> -> memref<64xi32, #tpu.memory_space<vmem>>
      %dma_wait3A_387 = arith.constant 0 : i32
      %dma_wait3A_388 = tpu.memref_slice %arg6[%add3A, %add3A_367, %dma_wait3A_382, %dma_wait3A_387] : memref<32x164x8x64xi32, #tpu.memory_space<hbm>> -> memref<1x1x1x64xi32, #tpu.memory_space<hbm>>
      %dma_wait3A_389 = tpu.memref_squeeze %dma_wait3A_388 : memref<1x1x1x64xi32, #tpu.memory_space<hbm>> -> memref<64xi32, #tpu.memory_space<hbm>>
      %dma_wait3A_390 = arith.constant 0 : i32
      %dma_wait3A_391 = tpu.memref_slice %arg15[%dma_wait3A_383, %dma_wait3A_390] : memref<4x64xi32, #tpu.memory_space<vmem>> -> memref<1x64xi32, #tpu.memory_space<vmem>>
      %dma_wait3A_392 = tpu.memref_squeeze %dma_wait3A_391 : memref<1x64xi32, #tpu.memory_space<vmem>> -> memref<64xi32, #tpu.memory_space<vmem>>
      %dma_wait3A_393 = arith.constant 0 : i32
      %dma_wait3A_394 = tpu.memref_slice %arg6[%add3A, %add3A_367, %dma_wait3A_382, %dma_wait3A_393] : memref<32x164x8x64xi32, #tpu.memory_space<hbm>> -> memref<1x1x1x64xi32, #tpu.memory_space<hbm>>
      %dma_wait3A_395 = tpu.memref_squeeze %dma_wait3A_394 : memref<1x1x1x64xi32, #tpu.memory_space<hbm>> -> memref<64xi32, #tpu.memory_space<hbm>>
      tpu.wait_dma2 semaphore(%arg26 : memref<!tpu.dma_semaphore, #tpu.memory_space<semaphore_mem>>) src(%dma_wait3A_395 : memref<64xi32, #tpu.memory_space<hbm>>) dst(%dma_wait3A_392 : memref<64xi32, #tpu.memory_space<vmem>>)
      %dma_start3A_396 = arith.constant 1 : i32
      %dma_start3A_397 = arith.constant 1 : i32
      %dma_start3A_398 = arith.constant 0 : i32
      %dma_start3A_399 = arith.constant 0 : i32
      %dma_start3A_400 = tpu.memref_slice %arg19[%dma_start3A_397, %dma_start3A_398, %dma_start3A_399] : memref<2x64x128xf32, #tpu.memory_space<vmem>> -> memref<1x64x128xf32, #tpu.memory_space<vmem>>
      %dma_start3A_401 = tpu.memref_squeeze %dma_start3A_400 : memref<1x64x128xf32, #tpu.memory_space<vmem>> -> memref<64x128xf32, #tpu.memory_space<vmem>>
      %dma_start3A_402 = arith.constant 0 : i32
      %dma_start3A_403 = tpu.memref_slice %arg14[%dma_start3A_396, %dma_start3A_402] : memref<4x64xi32, #tpu.memory_space<vmem>> -> memref<1x64xi32, #tpu.memory_space<vmem>>
      %dma_start3A_404 = tpu.memref_squeeze %dma_start3A_403 : memref<1x64xi32, #tpu.memory_space<vmem>> -> memref<64xi32, #tpu.memory_space<vmem>>
      %dma_start3A_405 = arith.constant 0 : i32
      %dma_start3A_406 = arith.constant 0 : i32
      %dma_start3A_407 = tpu.memref_slice %arg2[%dma_start3A_405, %dma_start3A_406] : memref<10000x128xf32, #tpu.memory_space<hbm>> -> memref<10000x128xf32, #tpu.memory_space<hbm>>
      tpu.enqueue_indirect_dma source(%dma_start3A_407 : memref<10000x128xf32, #tpu.memory_space<hbm>>) target(%dma_start3A_401 : memref<64x128xf32, #tpu.memory_space<vmem>>) offsets(%dma_start3A_404 : memref<64xi32, #tpu.memory_space<vmem>>) semaphore(%arg22 : memref<!tpu.dma_semaphore, #tpu.memory_space<semaphore_mem>>)
      %dma_wait3A_408 = arith.constant 0 : i32
      %dma_wait3A_409 = arith.constant 0 : i32
      %dma_wait3A_410 = arith.constant 0 : i32
      %dma_wait3A_411 = arith.constant 0 : i32
      %dma_wait3A_412 = tpu.memref_slice %arg19[%dma_wait3A_409, %dma_wait3A_410, %dma_wait3A_411] : memref<2x64x128xf32, #tpu.memory_space<vmem>> -> memref<1x64x128xf32, #tpu.memory_space<vmem>>
      %dma_wait3A_413 = tpu.memref_squeeze %dma_wait3A_412 : memref<1x64x128xf32, #tpu.memory_space<vmem>> -> memref<64x128xf32, #tpu.memory_space<vmem>>
      %dma_wait3A_414 = arith.constant 0 : i32
      %dma_wait3A_415 = tpu.memref_slice %arg14[%dma_wait3A_408, %dma_wait3A_414] : memref<4x64xi32, #tpu.memory_space<vmem>> -> memref<1x64xi32, #tpu.memory_space<vmem>>
      %dma_wait3A_416 = tpu.memref_squeeze %dma_wait3A_415 : memref<1x64xi32, #tpu.memory_space<vmem>> -> memref<64xi32, #tpu.memory_space<vmem>>
      %dma_wait3A_417 = arith.constant 0 : i32
      %dma_wait3A_418 = arith.constant 0 : i32
      %dma_wait3A_419 = tpu.memref_slice %arg2[%dma_wait3A_417, %dma_wait3A_418] : memref<10000x128xf32, #tpu.memory_space<hbm>> -> memref<10000x128xf32, #tpu.memory_space<hbm>>
      tpu.wait_indirect_dma semaphore(%arg21 : memref<!tpu.dma_semaphore, #tpu.memory_space<semaphore_mem>>) src(%dma_wait3A_419 : memref<10000x128xf32, #tpu.memory_space<hbm>>) dst(%dma_wait3A_413 : memref<64x128xf32, #tpu.memory_space<vmem>>)
      %scan3A_420 = arith.constant 0 : i32
      %scan3A_421 = arith.constant 0 : i32
      %scan3A_422 = arith.constant 64 : i32
      %scan3A_423 = arith.addi %scan3A_421, %scan3A_422 : i32
      %scan3A_424 = arith.constant 1 : i32
      scf.for %scan3A_1040 = %scan3A_421 to %scan3A_423 step %scan3A_424  : i32 {
        %broadcast_in_dim3A_1041 = vector.broadcast %scan3A_1040 : i32 to vector<16xi32>
        %gather3A_1042 = tpu.vector_load_idx %arg20[%broadcast_in_dim3A_1041] : memref<64xf32, #tpu.memory_space<vmem>>[vector<16xi32>], vector<16xf32>,
        %get3A_1043 = arith.constant 0 : i32
        %get3A_1044 = arith.index_cast %get3A_1043 : i32 to index
        %get3A_1045 = arith.index_cast %scan3A_1040 : i32 to index
        %get3A_1046 = arith.constant 0 : index
        %get3A_1047 = tpu.vector_load %arg19[%get3A_1044, %get3A_1045, %get3A_1046] {strides = array<i32>} : memref<2x64x128xf32, #tpu.memory_space<vmem>>, vector<16xf32>,
        %mul3A_1048 = arith.mulf %get3A_1047, %gather3A_1042 : vector<16xf32>
        %swap3A_1049 = arith.constant 0 : i32
        %swap3A_1050 = arith.index_cast %swap3A_1049 : i32 to index
        %swap3A_1051 = arith.index_cast %scan3A_1040 : i32 to index
        %swap3A_1052 = arith.constant 0 : index
        %swap3A_1053 = tpu.vector_load %arg19[%swap3A_1050, %swap3A_1051, %swap3A_1052] {strides = array<i32>} : memref<2x64x128xf32, #tpu.memory_space<vmem>>, vector<16xf32>,
        tpu.vector_store %arg19[%swap3A_1050, %swap3A_1051, %swap3A_1052], %mul3A_1048 {strides = array<i32>} : memref<2x64x128xf32, #tpu.memory_space<vmem>>, vector<16xf32>,
        %get3A_1054 = arith.constant 0 : i32
        %get3A_1055 = arith.index_cast %get3A_1054 : i32 to index
        %get3A_1056 = arith.index_cast %scan3A_1040 : i32 to index
        %get3A_1057 = arith.constant 16 : index
        %get3A_1058 = tpu.vector_load %arg19[%get3A_1055, %get3A_1056, %get3A_1057] {strides = array<i32>} : memref<2x64x128xf32, #tpu.memory_space<vmem>>, vector<16xf32>,
        %mul3A_1059 = arith.mulf %get3A_1058, %gather3A_1042 : vector<16xf32>
        %swap3A_1060 = arith.constant 0 : i32
        %swap3A_1061 = arith.index_cast %swap3A_1060 : i32 to index
        %swap3A_1062 = arith.index_cast %scan3A_1040 : i32 to index
        %swap3A_1063 = arith.constant 16 : index
        %swap3A_1064 = tpu.vector_load %arg19[%swap3A_1061, %swap3A_1062, %swap3A_1063] {strides = array<i32>} : memref<2x64x128xf32, #tpu.memory_space<vmem>>, vector<16xf32>,
        tpu.vector_store %arg19[%swap3A_1061, %swap3A_1062, %swap3A_1063], %mul3A_1059 {strides = array<i32>} : memref<2x64x128xf32, #tpu.memory_space<vmem>>, vector<16xf32>,
        %get3A_1065 = arith.constant 0 : i32
        %get3A_1066 = arith.index_cast %get3A_1065 : i32 to index
        %get3A_1067 = arith.index_cast %scan3A_1040 : i32 to index
        %get3A_1068 = arith.constant 32 : index
        %get3A_1069 = tpu.vector_load %arg19[%get3A_1066, %get3A_1067, %get3A_1068] {strides = array<i32>} : memref<2x64x128xf32, #tpu.memory_space<vmem>>, vector<16xf32>,
        %mul3A_1070 = arith.mulf %get3A_1069, %gather3A_1042 : vector<16xf32>
        %swap3A_1071 = arith.constant 0 : i32
        %swap3A_1072 = arith.index_cast %swap3A_1071 : i32 to index
        %swap3A_1073 = arith.index_cast %scan3A_1040 : i32 to index
        %swap3A_1074 = arith.constant 32 : index
        %swap3A_1075 = tpu.vector_load %arg19[%swap3A_1072, %swap3A_1073, %swap3A_1074] {strides = array<i32>} : memref<2x64x128xf32, #tpu.memory_space<vmem>>, vector<16xf32>,
        tpu.vector_store %arg19[%swap3A_1072, %swap3A_1073, %swap3A_1074], %mul3A_1070 {strides = array<i32>} : memref<2x64x128xf32, #tpu.memory_space<vmem>>, vector<16xf32>,
        %get3A_1076 = arith.constant 0 : i32
        %get3A_1077 = arith.index_cast %get3A_1076 : i32 to index
        %get3A_1078 = arith.index_cast %scan3A_1040 : i32 to index
        %get3A_1079 = arith.constant 48 : index
        %get3A_1080 = tpu.vector_load %arg19[%get3A_1077, %get3A_1078, %get3A_1079] {strides = array<i32>} : memref<2x64x128xf32, #tpu.memory_space<vmem>>, vector<16xf32>,
        %mul3A_1081 = arith.mulf %get3A_1080, %gather3A_1042 : vector<16xf32>
        %swap3A_1082 = arith.constant 0 : i32
        %swap3A_1083 = arith.index_cast %swap3A_1082 : i32 to index
        %swap3A_1084 = arith.index_cast %scan3A_1040 : i32 to index
        %swap3A_1085 = arith.constant 48 : index
        %swap3A_1086 = tpu.vector_load %arg19[%swap3A_1083, %swap3A_1084, %swap3A_1085] {strides = array<i32>} : memref<2x64x128xf32, #tpu.memory_space<vmem>>, vector<16xf32>,
        tpu.vector_store %arg19[%swap3A_1083, %swap3A_1084, %swap3A_1085], %mul3A_1081 {strides = array<i32>} : memref<2x64x128xf32, #tpu.memory_space<vmem>>, vector<16xf32>,
        %get3A_1087 = arith.constant 0 : i32
        %get3A_1088 = arith.index_cast %get3A_1087 : i32 to index
        %get3A_1089 = arith.index_cast %scan3A_1040 : i32 to index
        %get3A_1090 = arith.constant 64 : index
        %get3A_1091 = tpu.vector_load %arg19[%get3A_1088, %get3A_1089, %get3A_1090] {strides = array<i32>} : memref<2x64x128xf32, #tpu.memory_space<vmem>>, vector<16xf32>,
        %mul3A_1092 = arith.mulf %get3A_1091, %gather3A_1042 : vector<16xf32>
        %swap3A_1093 = arith.constant 0 : i32
        %swap3A_1094 = arith.index_cast %swap3A_1093 : i32 to index
        %swap3A_1095 = arith.index_cast %scan3A_1040 : i32 to index
        %swap3A_1096 = arith.constant 64 : index
        %swap3A_1097 = tpu.vector_load %arg19[%swap3A_1094, %swap3A_1095, %swap3A_1096] {strides = array<i32>} : memref<2x64x128xf32, #tpu.memory_space<vmem>>, vector<16xf32>,
        tpu.vector_store %arg19[%swap3A_1094, %swap3A_1095, %swap3A_1096], %mul3A_1092 {strides = array<i32>} : memref<2x64x128xf32, #tpu.memory_space<vmem>>, vector<16xf32>,
        %get3A_1098 = arith.constant 0 : i32
        %get3A_1099 = arith.index_cast %get3A_1098 : i32 to index
        %get3A_1100 = arith.index_cast %scan3A_1040 : i32 to index
        %get3A_1101 = arith.constant 80 : index
        %get3A_1102 = tpu.vector_load %arg19[%get3A_1099, %get3A_1100, %get3A_1101] {strides = array<i32>} : memref<2x64x128xf32, #tpu.memory_space<vmem>>, vector<16xf32>,
        %mul3A_1103 = arith.mulf %get3A_1102, %gather3A_1042 : vector<16xf32>
        %swap3A_1104 = arith.constant 0 : i32
        %swap3A_1105 = arith.index_cast %swap3A_1104 : i32 to index
        %swap3A_1106 = arith.index_cast %scan3A_1040 : i32 to index
        %swap3A_1107 = arith.constant 80 : index
        %swap3A_1108 = tpu.vector_load %arg19[%swap3A_1105, %swap3A_1106, %swap3A_1107] {strides = array<i32>} : memref<2x64x128xf32, #tpu.memory_space<vmem>>, vector<16xf32>,
        tpu.vector_store %arg19[%swap3A_1105, %swap3A_1106, %swap3A_1107], %mul3A_1103 {strides = array<i32>} : memref<2x64x128xf32, #tpu.memory_space<vmem>>, vector<16xf32>,
        %get3A_1109 = arith.constant 0 : i32
        %get3A_1110 = arith.index_cast %get3A_1109 : i32 to index
        %get3A_1111 = arith.index_cast %scan3A_1040 : i32 to index
        %get3A_1112 = arith.constant 96 : index
        %get3A_1113 = tpu.vector_load %arg19[%get3A_1110, %get3A_1111, %get3A_1112] {strides = array<i32>} : memref<2x64x128xf32, #tpu.memory_space<vmem>>, vector<16xf32>,
        %mul3A_1114 = arith.mulf %get3A_1113, %gather3A_1042 : vector<16xf32>
        %swap3A_1115 = arith.constant 0 : i32
        %swap3A_1116 = arith.index_cast %swap3A_1115 : i32 to index
        %swap3A_1117 = arith.index_cast %scan3A_1040 : i32 to index
        %swap3A_1118 = arith.constant 96 : index
        %swap3A_1119 = tpu.vector_load %arg19[%swap3A_1116, %swap3A_1117, %swap3A_1118] {strides = array<i32>} : memref<2x64x128xf32, #tpu.memory_space<vmem>>, vector<16xf32>,
        tpu.vector_store %arg19[%swap3A_1116, %swap3A_1117, %swap3A_1118], %mul3A_1114 {strides = array<i32>} : memref<2x64x128xf32, #tpu.memory_space<vmem>>, vector<16xf32>,
        %get3A_1120 = arith.constant 0 : i32
        %get3A_1121 = arith.index_cast %get3A_1120 : i32 to index
        %get3A_1122 = arith.index_cast %scan3A_1040 : i32 to index
        %get3A_1123 = arith.constant 112 : index
        %get3A_1124 = tpu.vector_load %arg19[%get3A_1121, %get3A_1122, %get3A_1123] {strides = array<i32>} : memref<2x64x128xf32, #tpu.memory_space<vmem>>, vector<16xf32>,
        %mul3A_1125 = arith.mulf %get3A_1124, %gather3A_1042 : vector<16xf32>
        %swap3A_1126 = arith.constant 0 : i32
        %swap3A_1127 = arith.index_cast %swap3A_1126 : i32 to index
        %swap3A_1128 = arith.index_cast %scan3A_1040 : i32 to index
        %swap3A_1129 = arith.constant 112 : index
        %swap3A_1130 = tpu.vector_load %arg19[%swap3A_1127, %swap3A_1128, %swap3A_1129] {strides = array<i32>} : memref<2x64x128xf32, #tpu.memory_space<vmem>>, vector<16xf32>,
        tpu.vector_store %arg19[%swap3A_1127, %swap3A_1128, %swap3A_1129], %mul3A_1125 {strides = array<i32>} : memref<2x64x128xf32, #tpu.memory_space<vmem>>, vector<16xf32>,
      }
      %scan3A_425 = arith.constant 64 : i32
      %dma_start3A_426 = arith.constant 0 : i32
      %dma_start3A_427 = arith.constant 0 : i32
      %dma_start3A_428 = arith.constant 0 : i32
      %dma_start3A_429 = arith.constant 0 : i32
      %dma_start3A_430 = tpu.memref_slice %arg19[%dma_start3A_426, %dma_start3A_428, %dma_start3A_429] : memref<2x64x128xf32, #tpu.memory_space<vmem>> -> memref<1x64x128xf32, #tpu.memory_space<vmem>>
      %dma_start3A_431 = tpu.memref_squeeze %dma_start3A_430 : memref<1x64x128xf32, #tpu.memory_space<vmem>> -> memref<64x128xf32, #tpu.memory_space<vmem>>
      %dma_start3A_432 = arith.constant 0 : i32
      %dma_start3A_433 = tpu.memref_slice %arg15[%dma_start3A_427, %dma_start3A_432] : memref<4x64xi32, #tpu.memory_space<vmem>> -> memref<1x64xi32, #tpu.memory_space<vmem>>
      %dma_start3A_434 = tpu.memref_squeeze %dma_start3A_433 : memref<1x64xi32, #tpu.memory_space<vmem>> -> memref<64xi32, #tpu.memory_space<vmem>>
      %dma_start3A_435 = arith.constant 0 : i32
      %dma_start3A_436 = arith.constant 0 : i32
      %dma_start3A_437 = tpu.memref_slice %arg10[%dma_start3A_435, %dma_start3A_436] : memref<10240x128xf32, #tpu.memory_space<vmem_shared>> -> memref<10240x128xf32, #tpu.memory_space<vmem_shared>>
      tpu.enqueue_indirect_dma source(%dma_start3A_431 : memref<64x128xf32, #tpu.memory_space<vmem>>) target(%dma_start3A_437 : memref<10240x128xf32, #tpu.memory_space<vmem_shared>>) offsets(%dma_start3A_434 : memref<64xi32, #tpu.memory_space<vmem>>) semaphore(%arg23 : memref<!tpu.dma_semaphore, #tpu.memory_space<semaphore_mem>>) {add = true}
      %get3A_438 = arith.constant 1 : i32
      %get3A_439 = arith.index_cast %get3A_438 : i32 to index
      %get3A_440 = arith.constant 0 : index
      %get3A_441 = tpu.vector_load %arg15[%get3A_439, %get3A_440] {strides = array<i32>} : memref<4x64xi32, #tpu.memory_space<vmem>>, vector<16xi32>,
      %get3A_442 = arith.constant 1 : i32
      %get3A_443 = arith.index_cast %get3A_442 : i32 to index
      %get3A_444 = arith.constant 0 : index
      %get3A_445 = tpu.vector_load %arg14[%get3A_443, %get3A_444] {strides = array<i32>} : memref<4x64xi32, #tpu.memory_space<vmem>>, vector<16xi32>,
      %gather3A_446 = tpu.vector_load_idx %arg12[%get3A_445] : memref<10240xf32, #tpu.memory_space<vmem>>[vector<16xi32>], vector<16xf32>,
      %gather3A_447 = tpu.vector_load_idx %arg13[%get3A_441] : memref<10240xf32, #tpu.memory_space<vmem>>[vector<16xi32>], vector<16xf32>,
      %add3A_448 = arith.addf %gather3A_446, %gather3A_447 : vector<16xf32>
      %ge3A_449 = arith.constant 0.000000e+00 : f32
      %ge3A_450 = vector.broadcast %ge3A_449 : f32 to vector<16xf32>
      %ge3A_451 = arith.cmpf oge, %add3A_448, %ge3A_450 : vector<16xf32>
      %mul3A_452 = arith.constant 2.000000e-01 : f32
      %mul3A_453 = vector.broadcast %mul3A_452 : f32 to vector<16xf32>
      %mul3A_454 = arith.mulf %mul3A_453, %add3A_448 : vector<16xf32>
      %select_n3A_455 = arith.select %ge3A_451, %add3A_448, %mul3A_454 : vector<16xi1>, vector<16xf32>
      %sub3A_456 = arith.subf %select_n3A_455, %get3A_88 : vector<16xf32>
      %exp3A_457 = math.exp %sub3A_456 : vector<16xf32>
      %swap3A_458 = arith.constant 0 : index
      %swap3A_459 = tpu.vector_load %arg20[%swap3A_458] {strides = array<i32>} : memref<64xf32, #tpu.memory_space<vmem>>, vector<16xf32>,
      tpu.vector_store %arg20[%swap3A_458], %exp3A_457 {strides = array<i32>} : memref<64xf32, #tpu.memory_space<vmem>>, vector<16xf32>,
      %shift_right_logical3A_460 = arith.constant 7 : i32
      %shift_right_logical3A_461 = vector.broadcast %shift_right_logical3A_460 : i32 to vector<16xi32>
      %shift_right_logical3A_462 = arith.shrui %get3A_441, %shift_right_logical3A_461 : vector<16xi32>
      %and3A_463 = arith.constant 127 : i32
      %and3A_464 = vector.broadcast %and3A_463 : i32 to vector<16xi32>
      %and3A_465 = arith.andi %get3A_441, %and3A_464 : vector<16xi32>
      tpu.vector_store_idx %arg17[%shift_right_logical3A_462, %and3A_465], %exp3A_457 {add = true} : memref<80x128xf32, #tpu.memory_space<vmem>>[vector<16xi32>, vector<16xi32>], vector<16xf32>,
      %get3A_466 = arith.constant 1 : i32
      %get3A_467 = arith.index_cast %get3A_466 : i32 to index
      %get3A_468 = arith.constant 16 : index
      %get3A_469 = tpu.vector_load %arg15[%get3A_467, %get3A_468] {strides = array<i32>} : memref<4x64xi32, #tpu.memory_space<vmem>>, vector<16xi32>,
      %get3A_470 = arith.constant 1 : i32
      %get3A_471 = arith.index_cast %get3A_470 : i32 to index
      %get3A_472 = arith.constant 16 : index
      %get3A_473 = tpu.vector_load %arg14[%get3A_471, %get3A_472] {strides = array<i32>} : memref<4x64xi32, #tpu.memory_space<vmem>>, vector<16xi32>,
      %gather3A_474 = tpu.vector_load_idx %arg12[%get3A_473] : memref<10240xf32, #tpu.memory_space<vmem>>[vector<16xi32>], vector<16xf32>,
      %gather3A_475 = tpu.vector_load_idx %arg13[%get3A_469] : memref<10240xf32, #tpu.memory_space<vmem>>[vector<16xi32>], vector<16xf32>,
      %add3A_476 = arith.addf %gather3A_474, %gather3A_475 : vector<16xf32>
      %ge3A_477 = arith.constant 0.000000e+00 : f32
      %ge3A_478 = vector.broadcast %ge3A_477 : f32 to vector<16xf32>
      %ge3A_479 = arith.cmpf oge, %add3A_476, %ge3A_478 : vector<16xf32>
      %mul3A_480 = arith.constant 2.000000e-01 : f32
      %mul3A_481 = vector.broadcast %mul3A_480 : f32 to vector<16xf32>
      %mul3A_482 = arith.mulf %mul3A_481, %add3A_476 : vector<16xf32>
      %select_n3A_483 = arith.select %ge3A_479, %add3A_476, %mul3A_482 : vector<16xi1>, vector<16xf32>
      %sub3A_484 = arith.subf %select_n3A_483, %get3A_88 : vector<16xf32>
      %exp3A_485 = math.exp %sub3A_484 : vector<16xf32>
      %swap3A_486 = arith.constant 16 : index
      %swap3A_487 = tpu.vector_load %arg20[%swap3A_486] {strides = array<i32>} : memref<64xf32, #tpu.memory_space<vmem>>, vector<16xf32>,
      tpu.vector_store %arg20[%swap3A_486], %exp3A_485 {strides = array<i32>} : memref<64xf32, #tpu.memory_space<vmem>>, vector<16xf32>,
      %shift_right_logical3A_488 = arith.constant 7 : i32
      %shift_right_logical3A_489 = vector.broadcast %shift_right_logical3A_488 : i32 to vector<16xi32>
      %shift_right_logical3A_490 = arith.shrui %get3A_469, %shift_right_logical3A_489 : vector<16xi32>
      %and3A_491 = arith.constant 127 : i32
      %and3A_492 = vector.broadcast %and3A_491 : i32 to vector<16xi32>
      %and3A_493 = arith.andi %get3A_469, %and3A_492 : vector<16xi32>
      tpu.vector_store_idx %arg17[%shift_right_logical3A_490, %and3A_493], %exp3A_485 {add = true} : memref<80x128xf32, #tpu.memory_space<vmem>>[vector<16xi32>, vector<16xi32>], vector<16xf32>,
      %get3A_494 = arith.constant 1 : i32
      %get3A_495 = arith.index_cast %get3A_494 : i32 to index
      %get3A_496 = arith.constant 32 : index
      %get3A_497 = tpu.vector_load %arg15[%get3A_495, %get3A_496] {strides = array<i32>} : memref<4x64xi32, #tpu.memory_space<vmem>>, vector<16xi32>,
      %get3A_498 = arith.constant 1 : i32
      %get3A_499 = arith.index_cast %get3A_498 : i32 to index
      %get3A_500 = arith.constant 32 : index
      %get3A_501 = tpu.vector_load %arg14[%get3A_499, %get3A_500] {strides = array<i32>} : memref<4x64xi32, #tpu.memory_space<vmem>>, vector<16xi32>,
      %gather3A_502 = tpu.vector_load_idx %arg12[%get3A_501] : memref<10240xf32, #tpu.memory_space<vmem>>[vector<16xi32>], vector<16xf32>,
      %gather3A_503 = tpu.vector_load_idx %arg13[%get3A_497] : memref<10240xf32, #tpu.memory_space<vmem>>[vector<16xi32>], vector<16xf32>,
      %add3A_504 = arith.addf %gather3A_502, %gather3A_503 : vector<16xf32>
      %ge3A_505 = arith.constant 0.000000e+00 : f32
      %ge3A_506 = vector.broadcast %ge3A_505 : f32 to vector<16xf32>
      %ge3A_507 = arith.cmpf oge, %add3A_504, %ge3A_506 : vector<16xf32>
      %mul3A_508 = arith.constant 2.000000e-01 : f32
      %mul3A_509 = vector.broadcast %mul3A_508 : f32 to vector<16xf32>
      %mul3A_510 = arith.mulf %mul3A_509, %add3A_504 : vector<16xf32>
      %select_n3A_511 = arith.select %ge3A_507, %add3A_504, %mul3A_510 : vector<16xi1>, vector<16xf32>
      %sub3A_512 = arith.subf %select_n3A_511, %get3A_88 : vector<16xf32>
      %exp3A_513 = math.exp %sub3A_512 : vector<16xf32>
      %swap3A_514 = arith.constant 32 : index
      %swap3A_515 = tpu.vector_load %arg20[%swap3A_514] {strides = array<i32>} : memref<64xf32, #tpu.memory_space<vmem>>, vector<16xf32>,
      tpu.vector_store %arg20[%swap3A_514], %exp3A_513 {strides = array<i32>} : memref<64xf32, #tpu.memory_space<vmem>>, vector<16xf32>,
      %shift_right_logical3A_516 = arith.constant 7 : i32
      %shift_right_logical3A_517 = vector.broadcast %shift_right_logical3A_516 : i32 to vector<16xi32>
      %shift_right_logical3A_518 = arith.shrui %get3A_497, %shift_right_logical3A_517 : vector<16xi32>
      %and3A_519 = arith.constant 127 : i32
      %and3A_520 = vector.broadcast %and3A_519 : i32 to vector<16xi32>
      %and3A_521 = arith.andi %get3A_497, %and3A_520 : vector<16xi32>
      tpu.vector_store_idx %arg17[%shift_right_logical3A_518, %and3A_521], %exp3A_513 {add = true} : memref<80x128xf32, #tpu.memory_space<vmem>>[vector<16xi32>, vector<16xi32>], vector<16xf32>,
      %get3A_522 = arith.constant 1 : i32
      %get3A_523 = arith.index_cast %get3A_522 : i32 to index
      %get3A_524 = arith.constant 48 : index
      %get3A_525 = tpu.vector_load %arg15[%get3A_523, %get3A_524] {strides = array<i32>} : memref<4x64xi32, #tpu.memory_space<vmem>>, vector<16xi32>,
      %get3A_526 = arith.constant 1 : i32
      %get3A_527 = arith.index_cast %get3A_526 : i32 to index
      %get3A_528 = arith.constant 48 : index
      %get3A_529 = tpu.vector_load %arg14[%get3A_527, %get3A_528] {strides = array<i32>} : memref<4x64xi32, #tpu.memory_space<vmem>>, vector<16xi32>,
      %gather3A_530 = tpu.vector_load_idx %arg12[%get3A_529] : memref<10240xf32, #tpu.memory_space<vmem>>[vector<16xi32>], vector<16xf32>,
      %gather3A_531 = tpu.vector_load_idx %arg13[%get3A_525] : memref<10240xf32, #tpu.memory_space<vmem>>[vector<16xi32>], vector<16xf32>,
      %add3A_532 = arith.addf %gather3A_530, %gather3A_531 : vector<16xf32>
      %ge3A_533 = arith.constant 0.000000e+00 : f32
      %ge3A_534 = vector.broadcast %ge3A_533 : f32 to vector<16xf32>
      %ge3A_535 = arith.cmpf oge, %add3A_532, %ge3A_534 : vector<16xf32>
      %mul3A_536 = arith.constant 2.000000e-01 : f32
      %mul3A_537 = vector.broadcast %mul3A_536 : f32 to vector<16xf32>
      %mul3A_538 = arith.mulf %mul3A_537, %add3A_532 : vector<16xf32>
      %select_n3A_539 = arith.select %ge3A_535, %add3A_532, %mul3A_538 : vector<16xi1>, vector<16xf32>
      %sub3A_540 = arith.subf %select_n3A_539, %get3A_88 : vector<16xf32>
      %exp3A_541 = math.exp %sub3A_540 : vector<16xf32>
      %swap3A_542 = arith.constant 48 : index
      %swap3A_543 = tpu.vector_load %arg20[%swap3A_542] {strides = array<i32>} : memref<64xf32, #tpu.memory_space<vmem>>, vector<16xf32>,
      tpu.vector_store %arg20[%swap3A_542], %exp3A_541 {strides = array<i32>} : memref<64xf32, #tpu.memory_space<vmem>>, vector<16xf32>,
      %shift_right_logical3A_544 = arith.constant 7 : i32
      %shift_right_logical3A_545 = vector.broadcast %shift_right_logical3A_544 : i32 to vector<16xi32>
      %shift_right_logical3A_546 = arith.shrui %get3A_525, %shift_right_logical3A_545 : vector<16xi32>
      %and3A_547 = arith.constant 127 : i32
      %and3A_548 = vector.broadcast %and3A_547 : i32 to vector<16xi32>
      %and3A_549 = arith.andi %get3A_525, %and3A_548 : vector<16xi32>
      tpu.vector_store_idx %arg17[%shift_right_logical3A_546, %and3A_549], %exp3A_541 {add = true} : memref<80x128xf32, #tpu.memory_space<vmem>>[vector<16xi32>, vector<16xi32>], vector<16xf32>,
      %dma_wait3A_550 = arith.constant 0 : i32
      %dma_wait3A_551 = arith.constant 0 : i32
      %dma_wait3A_552 = arith.constant 0 : i32
      %dma_wait3A_553 = arith.constant 0 : i32
      %dma_wait3A_554 = tpu.memref_slice %arg19[%dma_wait3A_550, %dma_wait3A_552, %dma_wait3A_553] : memref<2x64x128xf32, #tpu.memory_space<vmem>> -> memref<1x64x128xf32, #tpu.memory_space<vmem>>
      %dma_wait3A_555 = tpu.memref_squeeze %dma_wait3A_554 : memref<1x64x128xf32, #tpu.memory_space<vmem>> -> memref<64x128xf32, #tpu.memory_space<vmem>>
      %dma_wait3A_556 = arith.constant 0 : i32
      %dma_wait3A_557 = tpu.memref_slice %arg15[%dma_wait3A_551, %dma_wait3A_556] : memref<4x64xi32, #tpu.memory_space<vmem>> -> memref<1x64xi32, #tpu.memory_space<vmem>>
      %dma_wait3A_558 = tpu.memref_squeeze %dma_wait3A_557 : memref<1x64xi32, #tpu.memory_space<vmem>> -> memref<64xi32, #tpu.memory_space<vmem>>
      %dma_wait3A_559 = arith.constant 0 : i32
      %dma_wait3A_560 = arith.constant 0 : i32
      %dma_wait3A_561 = tpu.memref_slice %arg10[%dma_wait3A_559, %dma_wait3A_560] : memref<10240x128xf32, #tpu.memory_space<vmem_shared>> -> memref<10240x128xf32, #tpu.memory_space<vmem_shared>>
      tpu.wait_indirect_dma semaphore(%arg23 : memref<!tpu.dma_semaphore, #tpu.memory_space<semaphore_mem>>) src(%dma_wait3A_555 : memref<64x128xf32, #tpu.memory_space<vmem>>) dst(%dma_wait3A_561 : memref<10240x128xf32, #tpu.memory_space<vmem_shared>>)
      %mul3A_562 = arith.constant 4 : i32
      %mul3A_563 = arith.muli %mul3A_562, %scan3A_218 : i32
      %add3A_564 = arith.constant 1 : i32
      %add3A_565 = arith.addi %mul3A_563, %add3A_564 : i32
      %add3A_566 = arith.constant 2 : i32
      %add3A_567 = arith.addi %add3A_565, %add3A_566 : i32
      %dma_start3A_568 = arith.constant 0 : i32
      %dma_start3A_569 = arith.constant 3 : i32
      %dma_start3A_570 = arith.constant 0 : i32
      %dma_start3A_571 = tpu.memref_slice %arg14[%dma_start3A_569, %dma_start3A_570] : memref<4x64xi32, #tpu.memory_space<vmem>> -> memref<1x64xi32, #tpu.memory_space<vmem>>
      %dma_start3A_572 = tpu.memref_squeeze %dma_start3A_571 : memref<1x64xi32, #tpu.memory_space<vmem>> -> memref<64xi32, #tpu.memory_space<vmem>>
      %dma_start3A_573 = arith.constant 0 : i32
      %dma_start3A_574 = tpu.memref_slice %arg5[%add3A, %add3A_567, %dma_start3A_568, %dma_start3A_573] : memref<32x164x8x64xi32, #tpu.memory_space<hbm>> -> memref<1x1x1x64xi32, #tpu.memory_space<hbm>>
      %dma_start3A_575 = tpu.memref_squeeze %dma_start3A_574 : memref<1x1x1x64xi32, #tpu.memory_space<hbm>> -> memref<64xi32, #tpu.memory_space<hbm>>
      %dma_start3A_576 = arith.constant 0 : i32
      %dma_start3A_577 = tpu.memref_slice %arg14[%dma_start3A_569, %dma_start3A_576] : memref<4x64xi32, #tpu.memory_space<vmem>> -> memref<1x64xi32, #tpu.memory_space<vmem>>
      %dma_start3A_578 = tpu.memref_squeeze %dma_start3A_577 : memref<1x64xi32, #tpu.memory_space<vmem>> -> memref<64xi32, #tpu.memory_space<vmem>>
      %dma_start3A_579 = arith.constant 0 : i32
      %dma_start3A_580 = tpu.memref_slice %arg5[%add3A, %add3A_567, %dma_start3A_568, %dma_start3A_579] : memref<32x164x8x64xi32, #tpu.memory_space<hbm>> -> memref<1x1x1x64xi32, #tpu.memory_space<hbm>>
      %dma_start3A_581 = tpu.memref_squeeze %dma_start3A_580 : memref<1x1x1x64xi32, #tpu.memory_space<hbm>> -> memref<64xi32, #tpu.memory_space<hbm>>
      tpu.enqueue_dma source(%dma_start3A_581 : memref<64xi32, #tpu.memory_space<hbm>>) target(%dma_start3A_578 : memref<64xi32, #tpu.memory_space<vmem>>) target_semaphore(%arg28 : memref<!tpu.dma_semaphore, #tpu.memory_space<semaphore_mem>>)
      %dma_start3A_582 = arith.constant 0 : i32
      %dma_start3A_583 = arith.constant 3 : i32
      %dma_start3A_584 = arith.constant 0 : i32
      %dma_start3A_585 = tpu.memref_slice %arg15[%dma_start3A_583, %dma_start3A_584] : memref<4x64xi32, #tpu.memory_space<vmem>> -> memref<1x64xi32, #tpu.memory_space<vmem>>
      %dma_start3A_586 = tpu.memref_squeeze %dma_start3A_585 : memref<1x64xi32, #tpu.memory_space<vmem>> -> memref<64xi32, #tpu.memory_space<vmem>>
      %dma_start3A_587 = arith.constant 0 : i32
      %dma_start3A_588 = tpu.memref_slice %arg6[%add3A, %add3A_567, %dma_start3A_582, %dma_start3A_587] : memref<32x164x8x64xi32, #tpu.memory_space<hbm>> -> memref<1x1x1x64xi32, #tpu.memory_space<hbm>>
      %dma_start3A_589 = tpu.memref_squeeze %dma_start3A_588 : memref<1x1x1x64xi32, #tpu.memory_space<hbm>> -> memref<64xi32, #tpu.memory_space<hbm>>
      %dma_start3A_590 = arith.constant 0 : i32
      %dma_start3A_591 = tpu.memref_slice %arg15[%dma_start3A_583, %dma_start3A_590] : memref<4x64xi32, #tpu.memory_space<vmem>> -> memref<1x64xi32, #tpu.memory_space<vmem>>
      %dma_start3A_592 = tpu.memref_squeeze %dma_start3A_591 : memref<1x64xi32, #tpu.memory_space<vmem>> -> memref<64xi32, #tpu.memory_space<vmem>>
      %dma_start3A_593 = arith.constant 0 : i32
      %dma_start3A_594 = tpu.memref_slice %arg6[%add3A, %add3A_567, %dma_start3A_582, %dma_start3A_593] : memref<32x164x8x64xi32, #tpu.memory_space<hbm>> -> memref<1x1x1x64xi32, #tpu.memory_space<hbm>>
      %dma_start3A_595 = tpu.memref_squeeze %dma_start3A_594 : memref<1x1x1x64xi32, #tpu.memory_space<hbm>> -> memref<64xi32, #tpu.memory_space<hbm>>
      tpu.enqueue_dma source(%dma_start3A_595 : memref<64xi32, #tpu.memory_space<hbm>>) target(%dma_start3A_592 : memref<64xi32, #tpu.memory_space<vmem>>) target_semaphore(%arg28 : memref<!tpu.dma_semaphore, #tpu.memory_space<semaphore_mem>>)
      %mul3A_596 = arith.constant 4 : i32
      %mul3A_597 = arith.muli %mul3A_596, %scan3A_218 : i32
      %add3A_598 = arith.constant 1 : i32
      %add3A_599 = arith.addi %mul3A_597, %add3A_598 : i32
      %add3A_600 = arith.constant 1 : i32
      %add3A_601 = arith.addi %add3A_599, %add3A_600 : i32
      %dma_wait3A_602 = arith.constant 0 : i32
      %dma_wait3A_603 = arith.constant 2 : i32
      %dma_wait3A_604 = arith.constant 0 : i32
      %dma_wait3A_605 = tpu.memref_slice %arg14[%dma_wait3A_603, %dma_wait3A_604] : memref<4x64xi32, #tpu.memory_space<vmem>> -> memref<1x64xi32, #tpu.memory_space<vmem>>
      %dma_wait3A_606 = tpu.memref_squeeze %dma_wait3A_605 : memref<1x64xi32, #tpu.memory_space<vmem>> -> memref<64xi32, #tpu.memory_space<vmem>>
      %dma_wait3A_607 = arith.constant 0 : i32
      %dma_wait3A_608 = tpu.memref_slice %arg5[%add3A, %add3A_601, %dma_wait3A_602, %dma_wait3A_607] : memref<32x164x8x64xi32, #tpu.memory_space<hbm>> -> memref<1x1x1x64xi32, #tpu.memory_space<hbm>>
      %dma_wait3A_609 = tpu.memref_squeeze %dma_wait3A_608 : memref<1x1x1x64xi32, #tpu.memory_space<hbm>> -> memref<64xi32, #tpu.memory_space<hbm>>
      %dma_wait3A_610 = arith.constant 0 : i32
      %dma_wait3A_611 = tpu.memref_slice %arg14[%dma_wait3A_603, %dma_wait3A_610] : memref<4x64xi32, #tpu.memory_space<vmem>> -> memref<1x64xi32, #tpu.memory_space<vmem>>
      %dma_wait3A_612 = tpu.memref_squeeze %dma_wait3A_611 : memref<1x64xi32, #tpu.memory_space<vmem>> -> memref<64xi32, #tpu.memory_space<vmem>>
      %dma_wait3A_613 = arith.constant 0 : i32
      %dma_wait3A_614 = tpu.memref_slice %arg5[%add3A, %add3A_601, %dma_wait3A_602, %dma_wait3A_613] : memref<32x164x8x64xi32, #tpu.memory_space<hbm>> -> memref<1x1x1x64xi32, #tpu.memory_space<hbm>>
      %dma_wait3A_615 = tpu.memref_squeeze %dma_wait3A_614 : memref<1x1x1x64xi32, #tpu.memory_space<hbm>> -> memref<64xi32, #tpu.memory_space<hbm>>
      tpu.wait_dma2 semaphore(%arg27 : memref<!tpu.dma_semaphore, #tpu.memory_space<semaphore_mem>>) src(%dma_wait3A_615 : memref<64xi32, #tpu.memory_space<hbm>>) dst(%dma_wait3A_612 : memref<64xi32, #tpu.memory_space<vmem>>)
      %dma_wait3A_616 = arith.constant 0 : i32
      %dma_wait3A_617 = arith.constant 2 : i32
      %dma_wait3A_618 = arith.constant 0 : i32
      %dma_wait3A_619 = tpu.memref_slice %arg15[%dma_wait3A_617, %dma_wait3A_618] : memref<4x64xi32, #tpu.memory_space<vmem>> -> memref<1x64xi32, #tpu.memory_space<vmem>>
      %dma_wait3A_620 = tpu.memref_squeeze %dma_wait3A_619 : memref<1x64xi32, #tpu.memory_space<vmem>> -> memref<64xi32, #tpu.memory_space<vmem>>
      %dma_wait3A_621 = arith.constant 0 : i32
      %dma_wait3A_622 = tpu.memref_slice %arg6[%add3A, %add3A_601, %dma_wait3A_616, %dma_wait3A_621] : memref<32x164x8x64xi32, #tpu.memory_space<hbm>> -> memref<1x1x1x64xi32, #tpu.memory_space<hbm>>
      %dma_wait3A_623 = tpu.memref_squeeze %dma_wait3A_622 : memref<1x1x1x64xi32, #tpu.memory_space<hbm>> -> memref<64xi32, #tpu.memory_space<hbm>>
      %dma_wait3A_624 = arith.constant 0 : i32
      %dma_wait3A_625 = tpu.memref_slice %arg15[%dma_wait3A_617, %dma_wait3A_624] : memref<4x64xi32, #tpu.memory_space<vmem>> -> memref<1x64xi32, #tpu.memory_space<vmem>>
      %dma_wait3A_626 = tpu.memref_squeeze %dma_wait3A_625 : memref<1x64xi32, #tpu.memory_space<vmem>> -> memref<64xi32, #tpu.memory_space<vmem>>
      %dma_wait3A_627 = arith.constant 0 : i32
      %dma_wait3A_628 = tpu.memref_slice %arg6[%add3A, %add3A_601, %dma_wait3A_616, %dma_wait3A_627] : memref<32x164x8x64xi32, #tpu.memory_space<hbm>> -> memref<1x1x1x64xi32, #tpu.memory_space<hbm>>
      %dma_wait3A_629 = tpu.memref_squeeze %dma_wait3A_628 : memref<1x1x1x64xi32, #tpu.memory_space<hbm>> -> memref<64xi32, #tpu.memory_space<hbm>>
      tpu.wait_dma2 semaphore(%arg27 : memref<!tpu.dma_semaphore, #tpu.memory_space<semaphore_mem>>) src(%dma_wait3A_629 : memref<64xi32, #tpu.memory_space<hbm>>) dst(%dma_wait3A_626 : memref<64xi32, #tpu.memory_space<vmem>>)
      %dma_start3A_630 = arith.constant 2 : i32
      %dma_start3A_631 = arith.constant 0 : i32
      %dma_start3A_632 = arith.constant 0 : i32
      %dma_start3A_633 = arith.constant 0 : i32
      %dma_start3A_634 = tpu.memref_slice %arg19[%dma_start3A_631, %dma_start3A_632, %dma_start3A_633] : memref<2x64x128xf32, #tpu.memory_space<vmem>> -> memref<1x64x128xf32, #tpu.memory_space<vmem>>
      %dma_start3A_635 = tpu.memref_squeeze %dma_start3A_634 : memref<1x64x128xf32, #tpu.memory_space<vmem>> -> memref<64x128xf32, #tpu.memory_space<vmem>>
      %dma_start3A_636 = arith.constant 0 : i32
      %dma_start3A_637 = tpu.memref_slice %arg14[%dma_start3A_630, %dma_start3A_636] : memref<4x64xi32, #tpu.memory_space<vmem>> -> memref<1x64xi32, #tpu.memory_space<vmem>>
      %dma_start3A_638 = tpu.memref_squeeze %dma_start3A_637 : memref<1x64xi32, #tpu.memory_space<vmem>> -> memref<64xi32, #tpu.memory_space<vmem>>
      %dma_start3A_639 = arith.constant 0 : i32
      %dma_start3A_640 = arith.constant 0 : i32
      %dma_start3A_641 = tpu.memref_slice %arg2[%dma_start3A_639, %dma_start3A_640] : memref<10000x128xf32, #tpu.memory_space<hbm>> -> memref<10000x128xf32, #tpu.memory_space<hbm>>
      tpu.enqueue_indirect_dma source(%dma_start3A_641 : memref<10000x128xf32, #tpu.memory_space<hbm>>) target(%dma_start3A_635 : memref<64x128xf32, #tpu.memory_space<vmem>>) offsets(%dma_start3A_638 : memref<64xi32, #tpu.memory_space<vmem>>) semaphore(%arg21 : memref<!tpu.dma_semaphore, #tpu.memory_space<semaphore_mem>>)
      %dma_wait3A_642 = arith.constant 1 : i32
      %dma_wait3A_643 = arith.constant 1 : i32
      %dma_wait3A_644 = arith.constant 0 : i32
      %dma_wait3A_645 = arith.constant 0 : i32
      %dma_wait3A_646 = tpu.memref_slice %arg19[%dma_wait3A_643, %dma_wait3A_644, %dma_wait3A_645] : memref<2x64x128xf32, #tpu.memory_space<vmem>> -> memref<1x64x128xf32, #tpu.memory_space<vmem>>
      %dma_wait3A_647 = tpu.memref_squeeze %dma_wait3A_646 : memref<1x64x128xf32, #tpu.memory_space<vmem>> -> memref<64x128xf32, #tpu.memory_space<vmem>>
      %dma_wait3A_648 = arith.constant 0 : i32
      %dma_wait3A_649 = tpu.memref_slice %arg14[%dma_wait3A_642, %dma_wait3A_648] : memref<4x64xi32, #tpu.memory_space<vmem>> -> memref<1x64xi32, #tpu.memory_space<vmem>>
      %dma_wait3A_650 = tpu.memref_squeeze %dma_wait3A_649 : memref<1x64xi32, #tpu.memory_space<vmem>> -> memref<64xi32, #tpu.memory_space<vmem>>
      %dma_wait3A_651 = arith.constant 0 : i32
      %dma_wait3A_652 = arith.constant 0 : i32
      %dma_wait3A_653 = tpu.memref_slice %arg2[%dma_wait3A_651, %dma_wait3A_652] : memref<10000x128xf32, #tpu.memory_space<hbm>> -> memref<10000x128xf32, #tpu.memory_space<hbm>>
      tpu.wait_indirect_dma semaphore(%arg22 : memref<!tpu.dma_semaphore, #tpu.memory_space<semaphore_mem>>) src(%dma_wait3A_653 : memref<10000x128xf32, #tpu.memory_space<hbm>>) dst(%dma_wait3A_647 : memref<64x128xf32, #tpu.memory_space<vmem>>)
      %scan3A_654 = arith.constant 0 : i32
      %scan3A_655 = arith.constant 0 : i32
      %scan3A_656 = arith.constant 64 : i32
      %scan3A_657 = arith.addi %scan3A_655, %scan3A_656 : i32
      %scan3A_658 = arith.constant 1 : i32
      scf.for %scan3A_1040 = %scan3A_655 to %scan3A_657 step %scan3A_658  : i32 {
        %broadcast_in_dim3A_1041 = vector.broadcast %scan3A_1040 : i32 to vector<16xi32>
        %gather3A_1042 = tpu.vector_load_idx %arg20[%broadcast_in_dim3A_1041] : memref<64xf32, #tpu.memory_space<vmem>>[vector<16xi32>], vector<16xf32>,
        %get3A_1043 = arith.constant 1 : i32
        %get3A_1044 = arith.index_cast %get3A_1043 : i32 to index
        %get3A_1045 = arith.index_cast %scan3A_1040 : i32 to index
        %get3A_1046 = arith.constant 0 : index
        %get3A_1047 = tpu.vector_load %arg19[%get3A_1044, %get3A_1045, %get3A_1046] {strides = array<i32>} : memref<2x64x128xf32, #tpu.memory_space<vmem>>, vector<16xf32>,
        %mul3A_1048 = arith.mulf %get3A_1047, %gather3A_1042 : vector<16xf32>
        %swap3A_1049 = arith.constant 1 : i32
        %swap3A_1050 = arith.index_cast %swap3A_1049 : i32 to index
        %swap3A_1051 = arith.index_cast %scan3A_1040 : i32 to index
        %swap3A_1052 = arith.constant 0 : index
        %swap3A_1053 = tpu.vector_load %arg19[%swap3A_1050, %swap3A_1051, %swap3A_1052] {strides = array<i32>} : memref<2x64x128xf32, #tpu.memory_space<vmem>>, vector<16xf32>,
        tpu.vector_store %arg19[%swap3A_1050, %swap3A_1051, %swap3A_1052], %mul3A_1048 {strides = array<i32>} : memref<2x64x128xf32, #tpu.memory_space<vmem>>, vector<16xf32>,
        %get3A_1054 = arith.constant 1 : i32
        %get3A_1055 = arith.index_cast %get3A_1054 : i32 to index
        %get3A_1056 = arith.index_cast %scan3A_1040 : i32 to index
        %get3A_1057 = arith.constant 16 : index
        %get3A_1058 = tpu.vector_load %arg19[%get3A_1055, %get3A_1056, %get3A_1057] {strides = array<i32>} : memref<2x64x128xf32, #tpu.memory_space<vmem>>, vector<16xf32>,
        %mul3A_1059 = arith.mulf %get3A_1058, %gather3A_1042 : vector<16xf32>
        %swap3A_1060 = arith.constant 1 : i32
        %swap3A_1061 = arith.index_cast %swap3A_1060 : i32 to index
        %swap3A_1062 = arith.index_cast %scan3A_1040 : i32 to index
        %swap3A_1063 = arith.constant 16 : index
        %swap3A_1064 = tpu.vector_load %arg19[%swap3A_1061, %swap3A_1062, %swap3A_1063] {strides = array<i32>} : memref<2x64x128xf32, #tpu.memory_space<vmem>>, vector<16xf32>,
        tpu.vector_store %arg19[%swap3A_1061, %swap3A_1062, %swap3A_1063], %mul3A_1059 {strides = array<i32>} : memref<2x64x128xf32, #tpu.memory_space<vmem>>, vector<16xf32>,
        %get3A_1065 = arith.constant 1 : i32
        %get3A_1066 = arith.index_cast %get3A_1065 : i32 to index
        %get3A_1067 = arith.index_cast %scan3A_1040 : i32 to index
        %get3A_1068 = arith.constant 32 : index
        %get3A_1069 = tpu.vector_load %arg19[%get3A_1066, %get3A_1067, %get3A_1068] {strides = array<i32>} : memref<2x64x128xf32, #tpu.memory_space<vmem>>, vector<16xf32>,
        %mul3A_1070 = arith.mulf %get3A_1069, %gather3A_1042 : vector<16xf32>
        %swap3A_1071 = arith.constant 1 : i32
        %swap3A_1072 = arith.index_cast %swap3A_1071 : i32 to index
        %swap3A_1073 = arith.index_cast %scan3A_1040 : i32 to index
        %swap3A_1074 = arith.constant 32 : index
        %swap3A_1075 = tpu.vector_load %arg19[%swap3A_1072, %swap3A_1073, %swap3A_1074] {strides = array<i32>} : memref<2x64x128xf32, #tpu.memory_space<vmem>>, vector<16xf32>,
        tpu.vector_store %arg19[%swap3A_1072, %swap3A_1073, %swap3A_1074], %mul3A_1070 {strides = array<i32>} : memref<2x64x128xf32, #tpu.memory_space<vmem>>, vector<16xf32>,
        %get3A_1076 = arith.constant 1 : i32
        %get3A_1077 = arith.index_cast %get3A_1076 : i32 to index
        %get3A_1078 = arith.index_cast %scan3A_1040 : i32 to index
        %get3A_1079 = arith.constant 48 : index
        %get3A_1080 = tpu.vector_load %arg19[%get3A_1077, %get3A_1078, %get3A_1079] {strides = array<i32>} : memref<2x64x128xf32, #tpu.memory_space<vmem>>, vector<16xf32>,
        %mul3A_1081 = arith.mulf %get3A_1080, %gather3A_1042 : vector<16xf32>
        %swap3A_1082 = arith.constant 1 : i32
        %swap3A_1083 = arith.index_cast %swap3A_1082 : i32 to index
        %swap3A_1084 = arith.index_cast %scan3A_1040 : i32 to index
        %swap3A_1085 = arith.constant 48 : index
        %swap3A_1086 = tpu.vector_load %arg19[%swap3A_1083, %swap3A_1084, %swap3A_1085] {strides = array<i32>} : memref<2x64x128xf32, #tpu.memory_space<vmem>>, vector<16xf32>,
        tpu.vector_store %arg19[%swap3A_1083, %swap3A_1084, %swap3A_1085], %mul3A_1081 {strides = array<i32>} : memref<2x64x128xf32, #tpu.memory_space<vmem>>, vector<16xf32>,
        %get3A_1087 = arith.constant 1 : i32
        %get3A_1088 = arith.index_cast %get3A_1087 : i32 to index
        %get3A_1089 = arith.index_cast %scan3A_1040 : i32 to index
        %get3A_1090 = arith.constant 64 : index
        %get3A_1091 = tpu.vector_load %arg19[%get3A_1088, %get3A_1089, %get3A_1090] {strides = array<i32>} : memref<2x64x128xf32, #tpu.memory_space<vmem>>, vector<16xf32>,
        %mul3A_1092 = arith.mulf %get3A_1091, %gather3A_1042 : vector<16xf32>
        %swap3A_1093 = arith.constant 1 : i32
        %swap3A_1094 = arith.index_cast %swap3A_1093 : i32 to index
        %swap3A_1095 = arith.index_cast %scan3A_1040 : i32 to index
        %swap3A_1096 = arith.constant 64 : index
        %swap3A_1097 = tpu.vector_load %arg19[%swap3A_1094, %swap3A_1095, %swap3A_1096] {strides = array<i32>} : memref<2x64x128xf32, #tpu.memory_space<vmem>>, vector<16xf32>,
        tpu.vector_store %arg19[%swap3A_1094, %swap3A_1095, %swap3A_1096], %mul3A_1092 {strides = array<i32>} : memref<2x64x128xf32, #tpu.memory_space<vmem>>, vector<16xf32>,
        %get3A_1098 = arith.constant 1 : i32
        %get3A_1099 = arith.index_cast %get3A_1098 : i32 to index
        %get3A_1100 = arith.index_cast %scan3A_1040 : i32 to index
        %get3A_1101 = arith.constant 80 : index
        %get3A_1102 = tpu.vector_load %arg19[%get3A_1099, %get3A_1100, %get3A_1101] {strides = array<i32>} : memref<2x64x128xf32, #tpu.memory_space<vmem>>, vector<16xf32>,
        %mul3A_1103 = arith.mulf %get3A_1102, %gather3A_1042 : vector<16xf32>
        %swap3A_1104 = arith.constant 1 : i32
        %swap3A_1105 = arith.index_cast %swap3A_1104 : i32 to index
        %swap3A_1106 = arith.index_cast %scan3A_1040 : i32 to index
        %swap3A_1107 = arith.constant 80 : index
        %swap3A_1108 = tpu.vector_load %arg19[%swap3A_1105, %swap3A_1106, %swap3A_1107] {strides = array<i32>} : memref<2x64x128xf32, #tpu.memory_space<vmem>>, vector<16xf32>,
        tpu.vector_store %arg19[%swap3A_1105, %swap3A_1106, %swap3A_1107], %mul3A_1103 {strides = array<i32>} : memref<2x64x128xf32, #tpu.memory_space<vmem>>, vector<16xf32>,
        %get3A_1109 = arith.constant 1 : i32
        %get3A_1110 = arith.index_cast %get3A_1109 : i32 to index
        %get3A_1111 = arith.index_cast %scan3A_1040 : i32 to index
        %get3A_1112 = arith.constant 96 : index
        %get3A_1113 = tpu.vector_load %arg19[%get3A_1110, %get3A_1111, %get3A_1112] {strides = array<i32>} : memref<2x64x128xf32, #tpu.memory_space<vmem>>, vector<16xf32>,
        %mul3A_1114 = arith.mulf %get3A_1113, %gather3A_1042 : vector<16xf32>
        %swap3A_1115 = arith.constant 1 : i32
        %swap3A_1116 = arith.index_cast %swap3A_1115 : i32 to index
        %swap3A_1117 = arith.index_cast %scan3A_1040 : i32 to index
        %swap3A_1118 = arith.constant 96 : index
        %swap3A_1119 = tpu.vector_load %arg19[%swap3A_1116, %swap3A_1117, %swap3A_1118] {strides = array<i32>} : memref<2x64x128xf32, #tpu.memory_space<vmem>>, vector<16xf32>,
        tpu.vector_store %arg19[%swap3A_1116, %swap3A_1117, %swap3A_1118], %mul3A_1114 {strides = array<i32>} : memref<2x64x128xf32, #tpu.memory_space<vmem>>, vector<16xf32>,
        %get3A_1120 = arith.constant 1 : i32
        %get3A_1121 = arith.index_cast %get3A_1120 : i32 to index
        %get3A_1122 = arith.index_cast %scan3A_1040 : i32 to index
        %get3A_1123 = arith.constant 112 : index
        %get3A_1124 = tpu.vector_load %arg19[%get3A_1121, %get3A_1122, %get3A_1123] {strides = array<i32>} : memref<2x64x128xf32, #tpu.memory_space<vmem>>, vector<16xf32>,
        %mul3A_1125 = arith.mulf %get3A_1124, %gather3A_1042 : vector<16xf32>
        %swap3A_1126 = arith.constant 1 : i32
        %swap3A_1127 = arith.index_cast %swap3A_1126 : i32 to index
        %swap3A_1128 = arith.index_cast %scan3A_1040 : i32 to index
        %swap3A_1129 = arith.constant 112 : index
        %swap3A_1130 = tpu.vector_load %arg19[%swap3A_1127, %swap3A_1128, %swap3A_1129] {strides = array<i32>} : memref<2x64x128xf32, #tpu.memory_space<vmem>>, vector<16xf32>,
        tpu.vector_store %arg19[%swap3A_1127, %swap3A_1128, %swap3A_1129], %mul3A_1125 {strides = array<i32>} : memref<2x64x128xf32, #tpu.memory_space<vmem>>, vector<16xf32>,
      }
      %scan3A_659 = arith.constant 64 : i32
      %dma_start3A_660 = arith.constant 1 : i32
      %dma_start3A_661 = arith.constant 1 : i32
      %dma_start3A_662 = arith.constant 0 : i32
      %dma_start3A_663 = arith.constant 0 : i32
      %dma_start3A_664 = tpu.memref_slice %arg19[%dma_start3A_660, %dma_start3A_662, %dma_start3A_663] : memref<2x64x128xf32, #tpu.memory_space<vmem>> -> memref<1x64x128xf32, #tpu.memory_space<vmem>>
      %dma_start3A_665 = tpu.memref_squeeze %dma_start3A_664 : memref<1x64x128xf32, #tpu.memory_space<vmem>> -> memref<64x128xf32, #tpu.memory_space<vmem>>
      %dma_start3A_666 = arith.constant 0 : i32
      %dma_start3A_667 = tpu.memref_slice %arg15[%dma_start3A_661, %dma_start3A_666] : memref<4x64xi32, #tpu.memory_space<vmem>> -> memref<1x64xi32, #tpu.memory_space<vmem>>
      %dma_start3A_668 = tpu.memref_squeeze %dma_start3A_667 : memref<1x64xi32, #tpu.memory_space<vmem>> -> memref<64xi32, #tpu.memory_space<vmem>>
      %dma_start3A_669 = arith.constant 0 : i32
      %dma_start3A_670 = arith.constant 0 : i32
      %dma_start3A_671 = tpu.memref_slice %arg10[%dma_start3A_669, %dma_start3A_670] : memref<10240x128xf32, #tpu.memory_space<vmem_shared>> -> memref<10240x128xf32, #tpu.memory_space<vmem_shared>>
      tpu.enqueue_indirect_dma source(%dma_start3A_665 : memref<64x128xf32, #tpu.memory_space<vmem>>) target(%dma_start3A_671 : memref<10240x128xf32, #tpu.memory_space<vmem_shared>>) offsets(%dma_start3A_668 : memref<64xi32, #tpu.memory_space<vmem>>) semaphore(%arg24 : memref<!tpu.dma_semaphore, #tpu.memory_space<semaphore_mem>>) {add = true}
      %get3A_672 = arith.constant 2 : i32
      %get3A_673 = arith.index_cast %get3A_672 : i32 to index
      %get3A_674 = arith.constant 0 : index
      %get3A_675 = tpu.vector_load %arg15[%get3A_673, %get3A_674] {strides = array<i32>} : memref<4x64xi32, #tpu.memory_space<vmem>>, vector<16xi32>,
      %get3A_676 = arith.constant 2 : i32
      %get3A_677 = arith.index_cast %get3A_676 : i32 to index
      %get3A_678 = arith.constant 0 : index
      %get3A_679 = tpu.vector_load %arg14[%get3A_677, %get3A_678] {strides = array<i32>} : memref<4x64xi32, #tpu.memory_space<vmem>>, vector<16xi32>,
      %gather3A_680 = tpu.vector_load_idx %arg12[%get3A_679] : memref<10240xf32, #tpu.memory_space<vmem>>[vector<16xi32>], vector<16xf32>,
      %gather3A_681 = tpu.vector_load_idx %arg13[%get3A_675] : memref<10240xf32, #tpu.memory_space<vmem>>[vector<16xi32>], vector<16xf32>,
      %add3A_682 = arith.addf %gather3A_680, %gather3A_681 : vector<16xf32>
      %ge3A_683 = arith.constant 0.000000e+00 : f32
      %ge3A_684 = vector.broadcast %ge3A_683 : f32 to vector<16xf32>
      %ge3A_685 = arith.cmpf oge, %add3A_682, %ge3A_684 : vector<16xf32>
      %mul3A_686 = arith.constant 2.000000e-01 : f32
      %mul3A_687 = vector.broadcast %mul3A_686 : f32 to vector<16xf32>
      %mul3A_688 = arith.mulf %mul3A_687, %add3A_682 : vector<16xf32>
      %select_n3A_689 = arith.select %ge3A_685, %add3A_682, %mul3A_688 : vector<16xi1>, vector<16xf32>
      %sub3A_690 = arith.subf %select_n3A_689, %get3A_88 : vector<16xf32>
      %exp3A_691 = math.exp %sub3A_690 : vector<16xf32>
      %swap3A_692 = arith.constant 0 : index
      %swap3A_693 = tpu.vector_load %arg20[%swap3A_692] {strides = array<i32>} : memref<64xf32, #tpu.memory_space<vmem>>, vector<16xf32>,
      tpu.vector_store %arg20[%swap3A_692], %exp3A_691 {strides = array<i32>} : memref<64xf32, #tpu.memory_space<vmem>>, vector<16xf32>,
      %shift_right_logical3A_694 = arith.constant 7 : i32
      %shift_right_logical3A_695 = vector.broadcast %shift_right_logical3A_694 : i32 to vector<16xi32>
      %shift_right_logical3A_696 = arith.shrui %get3A_675, %shift_right_logical3A_695 : vector<16xi32>
      %and3A_697 = arith.constant 127 : i32
      %and3A_698 = vector.broadcast %and3A_697 : i32 to vector<16xi32>
      %and3A_699 = arith.andi %get3A_675, %and3A_698 : vector<16xi32>
      tpu.vector_store_idx %arg17[%shift_right_logical3A_696, %and3A_699], %exp3A_691 {add = true} : memref<80x128xf32, #tpu.memory_space<vmem>>[vector<16xi32>, vector<16xi32>], vector<16xf32>,
      %get3A_700 = arith.constant 2 : i32
      %get3A_701 = arith.index_cast %get3A_700 : i32 to index
      %get3A_702 = arith.constant 16 : index
      %get3A_703 = tpu.vector_load %arg15[%get3A_701, %get3A_702] {strides = array<i32>} : memref<4x64xi32, #tpu.memory_space<vmem>>, vector<16xi32>,
      %get3A_704 = arith.constant 2 : i32
      %get3A_705 = arith.index_cast %get3A_704 : i32 to index
      %get3A_706 = arith.constant 16 : index
      %get3A_707 = tpu.vector_load %arg14[%get3A_705, %get3A_706] {strides = array<i32>} : memref<4x64xi32, #tpu.memory_space<vmem>>, vector<16xi32>,
      %gather3A_708 = tpu.vector_load_idx %arg12[%get3A_707] : memref<10240xf32, #tpu.memory_space<vmem>>[vector<16xi32>], vector<16xf32>,
      %gather3A_709 = tpu.vector_load_idx %arg13[%get3A_703] : memref<10240xf32, #tpu.memory_space<vmem>>[vector<16xi32>], vector<16xf32>,
      %add3A_710 = arith.addf %gather3A_708, %gather3A_709 : vector<16xf32>
      %ge3A_711 = arith.constant 0.000000e+00 : f32
      %ge3A_712 = vector.broadcast %ge3A_711 : f32 to vector<16xf32>
      %ge3A_713 = arith.cmpf oge, %add3A_710, %ge3A_712 : vector<16xf32>
      %mul3A_714 = arith.constant 2.000000e-01 : f32
      %mul3A_715 = vector.broadcast %mul3A_714 : f32 to vector<16xf32>
      %mul3A_716 = arith.mulf %mul3A_715, %add3A_710 : vector<16xf32>
      %select_n3A_717 = arith.select %ge3A_713, %add3A_710, %mul3A_716 : vector<16xi1>, vector<16xf32>
      %sub3A_718 = arith.subf %select_n3A_717, %get3A_88 : vector<16xf32>
      %exp3A_719 = math.exp %sub3A_718 : vector<16xf32>
      %swap3A_720 = arith.constant 16 : index
      %swap3A_721 = tpu.vector_load %arg20[%swap3A_720] {strides = array<i32>} : memref<64xf32, #tpu.memory_space<vmem>>, vector<16xf32>,
      tpu.vector_store %arg20[%swap3A_720], %exp3A_719 {strides = array<i32>} : memref<64xf32, #tpu.memory_space<vmem>>, vector<16xf32>,
      %shift_right_logical3A_722 = arith.constant 7 : i32
      %shift_right_logical3A_723 = vector.broadcast %shift_right_logical3A_722 : i32 to vector<16xi32>
      %shift_right_logical3A_724 = arith.shrui %get3A_703, %shift_right_logical3A_723 : vector<16xi32>
      %and3A_725 = arith.constant 127 : i32
      %and3A_726 = vector.broadcast %and3A_725 : i32 to vector<16xi32>
      %and3A_727 = arith.andi %get3A_703, %and3A_726 : vector<16xi32>
      tpu.vector_store_idx %arg17[%shift_right_logical3A_724, %and3A_727], %exp3A_719 {add = true} : memref<80x128xf32, #tpu.memory_space<vmem>>[vector<16xi32>, vector<16xi32>], vector<16xf32>,
      %get3A_728 = arith.constant 2 : i32
      %get3A_729 = arith.index_cast %get3A_728 : i32 to index
      %get3A_730 = arith.constant 32 : index
      %get3A_731 = tpu.vector_load %arg15[%get3A_729, %get3A_730] {strides = array<i32>} : memref<4x64xi32, #tpu.memory_space<vmem>>, vector<16xi32>,
      %get3A_732 = arith.constant 2 : i32
      %get3A_733 = arith.index_cast %get3A_732 : i32 to index
      %get3A_734 = arith.constant 32 : index
      %get3A_735 = tpu.vector_load %arg14[%get3A_733, %get3A_734] {strides = array<i32>} : memref<4x64xi32, #tpu.memory_space<vmem>>, vector<16xi32>,
      %gather3A_736 = tpu.vector_load_idx %arg12[%get3A_735] : memref<10240xf32, #tpu.memory_space<vmem>>[vector<16xi32>], vector<16xf32>,
      %gather3A_737 = tpu.vector_load_idx %arg13[%get3A_731] : memref<10240xf32, #tpu.memory_space<vmem>>[vector<16xi32>], vector<16xf32>,
      %add3A_738 = arith.addf %gather3A_736, %gather3A_737 : vector<16xf32>
      %ge3A_739 = arith.constant 0.000000e+00 : f32
      %ge3A_740 = vector.broadcast %ge3A_739 : f32 to vector<16xf32>
      %ge3A_741 = arith.cmpf oge, %add3A_738, %ge3A_740 : vector<16xf32>
      %mul3A_742 = arith.constant 2.000000e-01 : f32
      %mul3A_743 = vector.broadcast %mul3A_742 : f32 to vector<16xf32>
      %mul3A_744 = arith.mulf %mul3A_743, %add3A_738 : vector<16xf32>
      %select_n3A_745 = arith.select %ge3A_741, %add3A_738, %mul3A_744 : vector<16xi1>, vector<16xf32>
      %sub3A_746 = arith.subf %select_n3A_745, %get3A_88 : vector<16xf32>
      %exp3A_747 = math.exp %sub3A_746 : vector<16xf32>
      %swap3A_748 = arith.constant 32 : index
      %swap3A_749 = tpu.vector_load %arg20[%swap3A_748] {strides = array<i32>} : memref<64xf32, #tpu.memory_space<vmem>>, vector<16xf32>,
      tpu.vector_store %arg20[%swap3A_748], %exp3A_747 {strides = array<i32>} : memref<64xf32, #tpu.memory_space<vmem>>, vector<16xf32>,
      %shift_right_logical3A_750 = arith.constant 7 : i32
      %shift_right_logical3A_751 = vector.broadcast %shift_right_logical3A_750 : i32 to vector<16xi32>
      %shift_right_logical3A_752 = arith.shrui %get3A_731, %shift_right_logical3A_751 : vector<16xi32>
      %and3A_753 = arith.constant 127 : i32
      %and3A_754 = vector.broadcast %and3A_753 : i32 to vector<16xi32>
      %and3A_755 = arith.andi %get3A_731, %and3A_754 : vector<16xi32>
      tpu.vector_store_idx %arg17[%shift_right_logical3A_752, %and3A_755], %exp3A_747 {add = true} : memref<80x128xf32, #tpu.memory_space<vmem>>[vector<16xi32>, vector<16xi32>], vector<16xf32>,
      %get3A_756 = arith.constant 2 : i32
      %get3A_757 = arith.index_cast %get3A_756 : i32 to index
      %get3A_758 = arith.constant 48 : index
      %get3A_759 = tpu.vector_load %arg15[%get3A_757, %get3A_758] {strides = array<i32>} : memref<4x64xi32, #tpu.memory_space<vmem>>, vector<16xi32>,
      %get3A_760 = arith.constant 2 : i32
      %get3A_761 = arith.index_cast %get3A_760 : i32 to index
      %get3A_762 = arith.constant 48 : index
      %get3A_763 = tpu.vector_load %arg14[%get3A_761, %get3A_762] {strides = array<i32>} : memref<4x64xi32, #tpu.memory_space<vmem>>, vector<16xi32>,
      %gather3A_764 = tpu.vector_load_idx %arg12[%get3A_763] : memref<10240xf32, #tpu.memory_space<vmem>>[vector<16xi32>], vector<16xf32>,
      %gather3A_765 = tpu.vector_load_idx %arg13[%get3A_759] : memref<10240xf32, #tpu.memory_space<vmem>>[vector<16xi32>], vector<16xf32>,
      %add3A_766 = arith.addf %gather3A_764, %gather3A_765 : vector<16xf32>
      %ge3A_767 = arith.constant 0.000000e+00 : f32
      %ge3A_768 = vector.broadcast %ge3A_767 : f32 to vector<16xf32>
      %ge3A_769 = arith.cmpf oge, %add3A_766, %ge3A_768 : vector<16xf32>
      %mul3A_770 = arith.constant 2.000000e-01 : f32
      %mul3A_771 = vector.broadcast %mul3A_770 : f32 to vector<16xf32>
      %mul3A_772 = arith.mulf %mul3A_771, %add3A_766 : vector<16xf32>
      %select_n3A_773 = arith.select %ge3A_769, %add3A_766, %mul3A_772 : vector<16xi1>, vector<16xf32>
      %sub3A_774 = arith.subf %select_n3A_773, %get3A_88 : vector<16xf32>
      %exp3A_775 = math.exp %sub3A_774 : vector<16xf32>
      %swap3A_776 = arith.constant 48 : index
      %swap3A_777 = tpu.vector_load %arg20[%swap3A_776] {strides = array<i32>} : memref<64xf32, #tpu.memory_space<vmem>>, vector<16xf32>,
      tpu.vector_store %arg20[%swap3A_776], %exp3A_775 {strides = array<i32>} : memref<64xf32, #tpu.memory_space<vmem>>, vector<16xf32>,
      %shift_right_logical3A_778 = arith.constant 7 : i32
      %shift_right_logical3A_779 = vector.broadcast %shift_right_logical3A_778 : i32 to vector<16xi32>
      %shift_right_logical3A_780 = arith.shrui %get3A_759, %shift_right_logical3A_779 : vector<16xi32>
      %and3A_781 = arith.constant 127 : i32
      %and3A_782 = vector.broadcast %and3A_781 : i32 to vector<16xi32>
      %and3A_783 = arith.andi %get3A_759, %and3A_782 : vector<16xi32>
      tpu.vector_store_idx %arg17[%shift_right_logical3A_780, %and3A_783], %exp3A_775 {add = true} : memref<80x128xf32, #tpu.memory_space<vmem>>[vector<16xi32>, vector<16xi32>], vector<16xf32>,
      %dma_wait3A_784 = arith.constant 1 : i32
      %dma_wait3A_785 = arith.constant 1 : i32
      %dma_wait3A_786 = arith.constant 0 : i32
      %dma_wait3A_787 = arith.constant 0 : i32
      %dma_wait3A_788 = tpu.memref_slice %arg19[%dma_wait3A_784, %dma_wait3A_786, %dma_wait3A_787] : memref<2x64x128xf32, #tpu.memory_space<vmem>> -> memref<1x64x128xf32, #tpu.memory_space<vmem>>
      %dma_wait3A_789 = tpu.memref_squeeze %dma_wait3A_788 : memref<1x64x128xf32, #tpu.memory_space<vmem>> -> memref<64x128xf32, #tpu.memory_space<vmem>>
      %dma_wait3A_790 = arith.constant 0 : i32
      %dma_wait3A_791 = tpu.memref_slice %arg15[%dma_wait3A_785, %dma_wait3A_790] : memref<4x64xi32, #tpu.memory_space<vmem>> -> memref<1x64xi32, #tpu.memory_space<vmem>>
      %dma_wait3A_792 = tpu.memref_squeeze %dma_wait3A_791 : memref<1x64xi32, #tpu.memory_space<vmem>> -> memref<64xi32, #tpu.memory_space<vmem>>
      %dma_wait3A_793 = arith.constant 0 : i32
      %dma_wait3A_794 = arith.constant 0 : i32
      %dma_wait3A_795 = tpu.memref_slice %arg10[%dma_wait3A_793, %dma_wait3A_794] : memref<10240x128xf32, #tpu.memory_space<vmem_shared>> -> memref<10240x128xf32, #tpu.memory_space<vmem_shared>>
      tpu.wait_indirect_dma semaphore(%arg24 : memref<!tpu.dma_semaphore, #tpu.memory_space<semaphore_mem>>) src(%dma_wait3A_789 : memref<64x128xf32, #tpu.memory_space<vmem>>) dst(%dma_wait3A_795 : memref<10240x128xf32, #tpu.memory_space<vmem_shared>>)
      %lt3A = arith.constant 40 : i32
      %lt3A_796 = arith.cmpi slt, %scan3A_218, %lt3A : i32
      %convert_element_type3A_797 = arith.extui %lt3A_796 : i1 to i32
      %cond3A_798 = arith.constant 0 : i32
      %cond3A_799 = arith.cmpi ne, %convert_element_type3A_797, %cond3A_798 : i32
      scf.if %cond3A_799 {
        %mul3A_1040 = arith.constant 4 : i32
        %mul3A_1041 = arith.muli %mul3A_1040, %scan3A_218 : i32
        %add3A_1042 = arith.constant 2 : i32
        %add3A_1043 = arith.addi %mul3A_1041, %add3A_1042 : i32
        %add3A_1044 = arith.constant 2 : i32
        %add3A_1045 = arith.addi %add3A_1043, %add3A_1044 : i32
        %dma_start3A_1046 = arith.constant 0 : i32
        %dma_start3A_1047 = arith.constant 0 : i32
        %dma_start3A_1048 = arith.constant 0 : i32
        %dma_start3A_1049 = tpu.memref_slice %arg14[%dma_start3A_1047, %dma_start3A_1048] : memref<4x64xi32, #tpu.memory_space<vmem>> -> memref<1x64xi32, #tpu.memory_space<vmem>>
        %dma_start3A_1050 = tpu.memref_squeeze %dma_start3A_1049 : memref<1x64xi32, #tpu.memory_space<vmem>> -> memref<64xi32, #tpu.memory_space<vmem>>
        %dma_start3A_1051 = arith.constant 0 : i32
        %dma_start3A_1052 = tpu.memref_slice %arg5[%add3A, %add3A_1045, %dma_start3A_1046, %dma_start3A_1051] : memref<32x164x8x64xi32, #tpu.memory_space<hbm>> -> memref<1x1x1x64xi32, #tpu.memory_space<hbm>>
        %dma_start3A_1053 = tpu.memref_squeeze %dma_start3A_1052 : memref<1x1x1x64xi32, #tpu.memory_space<hbm>> -> memref<64xi32, #tpu.memory_space<hbm>>
        %dma_start3A_1054 = arith.constant 0 : i32
        %dma_start3A_1055 = tpu.memref_slice %arg14[%dma_start3A_1047, %dma_start3A_1054] : memref<4x64xi32, #tpu.memory_space<vmem>> -> memref<1x64xi32, #tpu.memory_space<vmem>>
        %dma_start3A_1056 = tpu.memref_squeeze %dma_start3A_1055 : memref<1x64xi32, #tpu.memory_space<vmem>> -> memref<64xi32, #tpu.memory_space<vmem>>
        %dma_start3A_1057 = arith.constant 0 : i32
        %dma_start3A_1058 = tpu.memref_slice %arg5[%add3A, %add3A_1045, %dma_start3A_1046, %dma_start3A_1057] : memref<32x164x8x64xi32, #tpu.memory_space<hbm>> -> memref<1x1x1x64xi32, #tpu.memory_space<hbm>>
        %dma_start3A_1059 = tpu.memref_squeeze %dma_start3A_1058 : memref<1x1x1x64xi32, #tpu.memory_space<hbm>> -> memref<64xi32, #tpu.memory_space<hbm>>
        tpu.enqueue_dma source(%dma_start3A_1059 : memref<64xi32, #tpu.memory_space<hbm>>) target(%dma_start3A_1056 : memref<64xi32, #tpu.memory_space<vmem>>) target_semaphore(%arg25 : memref<!tpu.dma_semaphore, #tpu.memory_space<semaphore_mem>>)
        %dma_start3A_1060 = arith.constant 0 : i32
        %dma_start3A_1061 = arith.constant 0 : i32
        %dma_start3A_1062 = arith.constant 0 : i32
        %dma_start3A_1063 = tpu.memref_slice %arg15[%dma_start3A_1061, %dma_start3A_1062] : memref<4x64xi32, #tpu.memory_space<vmem>> -> memref<1x64xi32, #tpu.memory_space<vmem>>
        %dma_start3A_1064 = tpu.memref_squeeze %dma_start3A_1063 : memref<1x64xi32, #tpu.memory_space<vmem>> -> memref<64xi32, #tpu.memory_space<vmem>>
        %dma_start3A_1065 = arith.constant 0 : i32
        %dma_start3A_1066 = tpu.memref_slice %arg6[%add3A, %add3A_1045, %dma_start3A_1060, %dma_start3A_1065] : memref<32x164x8x64xi32, #tpu.memory_space<hbm>> -> memref<1x1x1x64xi32, #tpu.memory_space<hbm>>
        %dma_start3A_1067 = tpu.memref_squeeze %dma_start3A_1066 : memref<1x1x1x64xi32, #tpu.memory_space<hbm>> -> memref<64xi32, #tpu.memory_space<hbm>>
        %dma_start3A_1068 = arith.constant 0 : i32
        %dma_start3A_1069 = tpu.memref_slice %arg15[%dma_start3A_1061, %dma_start3A_1068] : memref<4x64xi32, #tpu.memory_space<vmem>> -> memref<1x64xi32, #tpu.memory_space<vmem>>
        %dma_start3A_1070 = tpu.memref_squeeze %dma_start3A_1069 : memref<1x64xi32, #tpu.memory_space<vmem>> -> memref<64xi32, #tpu.memory_space<vmem>>
        %dma_start3A_1071 = arith.constant 0 : i32
        %dma_start3A_1072 = tpu.memref_slice %arg6[%add3A, %add3A_1045, %dma_start3A_1060, %dma_start3A_1071] : memref<32x164x8x64xi32, #tpu.memory_space<hbm>> -> memref<1x1x1x64xi32, #tpu.memory_space<hbm>>
        %dma_start3A_1073 = tpu.memref_squeeze %dma_start3A_1072 : memref<1x1x1x64xi32, #tpu.memory_space<hbm>> -> memref<64xi32, #tpu.memory_space<hbm>>
        tpu.enqueue_dma source(%dma_start3A_1073 : memref<64xi32, #tpu.memory_space<hbm>>) target(%dma_start3A_1070 : memref<64xi32, #tpu.memory_space<vmem>>) target_semaphore(%arg25 : memref<!tpu.dma_semaphore, #tpu.memory_space<semaphore_mem>>)
      } else {
      }
      %mul3A_800 = arith.constant 4 : i32
      %mul3A_801 = arith.muli %mul3A_800, %scan3A_218 : i32
      %add3A_802 = arith.constant 2 : i32
      %add3A_803 = arith.addi %mul3A_801, %add3A_802 : i32
      %add3A_804 = arith.constant 1 : i32
      %add3A_805 = arith.addi %add3A_803, %add3A_804 : i32
      %dma_wait3A_806 = arith.constant 0 : i32
      %dma_wait3A_807 = arith.constant 3 : i32
      %dma_wait3A_808 = arith.constant 0 : i32
      %dma_wait3A_809 = tpu.memref_slice %arg14[%dma_wait3A_807, %dma_wait3A_808] : memref<4x64xi32, #tpu.memory_space<vmem>> -> memref<1x64xi32, #tpu.memory_space<vmem>>
      %dma_wait3A_810 = tpu.memref_squeeze %dma_wait3A_809 : memref<1x64xi32, #tpu.memory_space<vmem>> -> memref<64xi32, #tpu.memory_space<vmem>>
      %dma_wait3A_811 = arith.constant 0 : i32
      %dma_wait3A_812 = tpu.memref_slice %arg5[%add3A, %add3A_805, %dma_wait3A_806, %dma_wait3A_811] : memref<32x164x8x64xi32, #tpu.memory_space<hbm>> -> memref<1x1x1x64xi32, #tpu.memory_space<hbm>>
      %dma_wait3A_813 = tpu.memref_squeeze %dma_wait3A_812 : memref<1x1x1x64xi32, #tpu.memory_space<hbm>> -> memref<64xi32, #tpu.memory_space<hbm>>
      %dma_wait3A_814 = arith.constant 0 : i32
      %dma_wait3A_815 = tpu.memref_slice %arg14[%dma_wait3A_807, %dma_wait3A_814] : memref<4x64xi32, #tpu.memory_space<vmem>> -> memref<1x64xi32, #tpu.memory_space<vmem>>
      %dma_wait3A_816 = tpu.memref_squeeze %dma_wait3A_815 : memref<1x64xi32, #tpu.memory_space<vmem>> -> memref<64xi32, #tpu.memory_space<vmem>>
      %dma_wait3A_817 = arith.constant 0 : i32
      %dma_wait3A_818 = tpu.memref_slice %arg5[%add3A, %add3A_805, %dma_wait3A_806, %dma_wait3A_817] : memref<32x164x8x64xi32, #tpu.memory_space<hbm>> -> memref<1x1x1x64xi32, #tpu.memory_space<hbm>>
      %dma_wait3A_819 = tpu.memref_squeeze %dma_wait3A_818 : memref<1x1x1x64xi32, #tpu.memory_space<hbm>> -> memref<64xi32, #tpu.memory_space<hbm>>
      tpu.wait_dma2 semaphore(%arg28 : memref<!tpu.dma_semaphore, #tpu.memory_space<semaphore_mem>>) src(%dma_wait3A_819 : memref<64xi32, #tpu.memory_space<hbm>>) dst(%dma_wait3A_816 : memref<64xi32, #tpu.memory_space<vmem>>)
      %dma_wait3A_820 = arith.constant 0 : i32
      %dma_wait3A_821 = arith.constant 3 : i32
      %dma_wait3A_822 = arith.constant 0 : i32
      %dma_wait3A_823 = tpu.memref_slice %arg15[%dma_wait3A_821, %dma_wait3A_822] : memref<4x64xi32, #tpu.memory_space<vmem>> -> memref<1x64xi32, #tpu.memory_space<vmem>>
      %dma_wait3A_824 = tpu.memref_squeeze %dma_wait3A_823 : memref<1x64xi32, #tpu.memory_space<vmem>> -> memref<64xi32, #tpu.memory_space<vmem>>
      %dma_wait3A_825 = arith.constant 0 : i32
      %dma_wait3A_826 = tpu.memref_slice %arg6[%add3A, %add3A_805, %dma_wait3A_820, %dma_wait3A_825] : memref<32x164x8x64xi32, #tpu.memory_space<hbm>> -> memref<1x1x1x64xi32, #tpu.memory_space<hbm>>
      %dma_wait3A_827 = tpu.memref_squeeze %dma_wait3A_826 : memref<1x1x1x64xi32, #tpu.memory_space<hbm>> -> memref<64xi32, #tpu.memory_space<hbm>>
      %dma_wait3A_828 = arith.constant 0 : i32
      %dma_wait3A_829 = tpu.memref_slice %arg15[%dma_wait3A_821, %dma_wait3A_828] : memref<4x64xi32, #tpu.memory_space<vmem>> -> memref<1x64xi32, #tpu.memory_space<vmem>>
      %dma_wait3A_830 = tpu.memref_squeeze %dma_wait3A_829 : memref<1x64xi32, #tpu.memory_space<vmem>> -> memref<64xi32, #tpu.memory_space<vmem>>
      %dma_wait3A_831 = arith.constant 0 : i32
      %dma_wait3A_832 = tpu.memref_slice %arg6[%add3A, %add3A_805, %dma_wait3A_820, %dma_wait3A_831] : memref<32x164x8x64xi32, #tpu.memory_space<hbm>> -> memref<1x1x1x64xi32, #tpu.memory_space<hbm>>
      %dma_wait3A_833 = tpu.memref_squeeze %dma_wait3A_832 : memref<1x1x1x64xi32, #tpu.memory_space<hbm>> -> memref<64xi32, #tpu.memory_space<hbm>>
      tpu.wait_dma2 semaphore(%arg28 : memref<!tpu.dma_semaphore, #tpu.memory_space<semaphore_mem>>) src(%dma_wait3A_833 : memref<64xi32, #tpu.memory_space<hbm>>) dst(%dma_wait3A_830 : memref<64xi32, #tpu.memory_space<vmem>>)
      %dma_start3A_834 = arith.constant 3 : i32
      %dma_start3A_835 = arith.constant 1 : i32
      %dma_start3A_836 = arith.constant 0 : i32
      %dma_start3A_837 = arith.constant 0 : i32
      %dma_start3A_838 = tpu.memref_slice %arg19[%dma_start3A_835, %dma_start3A_836, %dma_start3A_837] : memref<2x64x128xf32, #tpu.memory_space<vmem>> -> memref<1x64x128xf32, #tpu.memory_space<vmem>>
      %dma_start3A_839 = tpu.memref_squeeze %dma_start3A_838 : memref<1x64x128xf32, #tpu.memory_space<vmem>> -> memref<64x128xf32, #tpu.memory_space<vmem>>
      %dma_start3A_840 = arith.constant 0 : i32
      %dma_start3A_841 = tpu.memref_slice %arg14[%dma_start3A_834, %dma_start3A_840] : memref<4x64xi32, #tpu.memory_space<vmem>> -> memref<1x64xi32, #tpu.memory_space<vmem>>
      %dma_start3A_842 = tpu.memref_squeeze %dma_start3A_841 : memref<1x64xi32, #tpu.memory_space<vmem>> -> memref<64xi32, #tpu.memory_space<vmem>>
      %dma_start3A_843 = arith.constant 0 : i32
      %dma_start3A_844 = arith.constant 0 : i32
      %dma_start3A_845 = tpu.memref_slice %arg2[%dma_start3A_843, %dma_start3A_844] : memref<10000x128xf32, #tpu.memory_space<hbm>> -> memref<10000x128xf32, #tpu.memory_space<hbm>>
      tpu.enqueue_indirect_dma source(%dma_start3A_845 : memref<10000x128xf32, #tpu.memory_space<hbm>>) target(%dma_start3A_839 : memref<64x128xf32, #tpu.memory_space<vmem>>) offsets(%dma_start3A_842 : memref<64xi32, #tpu.memory_space<vmem>>) semaphore(%arg22 : memref<!tpu.dma_semaphore, #tpu.memory_space<semaphore_mem>>)
      %dma_wait3A_846 = arith.constant 2 : i32
      %dma_wait3A_847 = arith.constant 0 : i32
      %dma_wait3A_848 = arith.constant 0 : i32
      %dma_wait3A_849 = arith.constant 0 : i32
      %dma_wait3A_850 = tpu.memref_slice %arg19[%dma_wait3A_847, %dma_wait3A_848, %dma_wait3A_849] : memref<2x64x128xf32, #tpu.memory_space<vmem>> -> memref<1x64x128xf32, #tpu.memory_space<vmem>>
      %dma_wait3A_851 = tpu.memref_squeeze %dma_wait3A_850 : memref<1x64x128xf32, #tpu.memory_space<vmem>> -> memref<64x128xf32, #tpu.memory_space<vmem>>
      %dma_wait3A_852 = arith.constant 0 : i32
      %dma_wait3A_853 = tpu.memref_slice %arg14[%dma_wait3A_846, %dma_wait3A_852] : memref<4x64xi32, #tpu.memory_space<vmem>> -> memref<1x64xi32, #tpu.memory_space<vmem>>
      %dma_wait3A_854 = tpu.memref_squeeze %dma_wait3A_853 : memref<1x64xi32, #tpu.memory_space<vmem>> -> memref<64xi32, #tpu.memory_space<vmem>>
      %dma_wait3A_855 = arith.constant 0 : i32
      %dma_wait3A_856 = arith.constant 0 : i32
      %dma_wait3A_857 = tpu.memref_slice %arg2[%dma_wait3A_855, %dma_wait3A_856] : memref<10000x128xf32, #tpu.memory_space<hbm>> -> memref<10000x128xf32, #tpu.memory_space<hbm>>
      tpu.wait_indirect_dma semaphore(%arg21 : memref<!tpu.dma_semaphore, #tpu.memory_space<semaphore_mem>>) src(%dma_wait3A_857 : memref<10000x128xf32, #tpu.memory_space<hbm>>) dst(%dma_wait3A_851 : memref<64x128xf32, #tpu.memory_space<vmem>>)
      %scan3A_858 = arith.constant 0 : i32
      %scan3A_859 = arith.constant 0 : i32
      %scan3A_860 = arith.constant 64 : i32
      %scan3A_861 = arith.addi %scan3A_859, %scan3A_860 : i32
      %scan3A_862 = arith.constant 1 : i32
      scf.for %scan3A_1040 = %scan3A_859 to %scan3A_861 step %scan3A_862  : i32 {
        %broadcast_in_dim3A_1041 = vector.broadcast %scan3A_1040 : i32 to vector<16xi32>
        %gather3A_1042 = tpu.vector_load_idx %arg20[%broadcast_in_dim3A_1041] : memref<64xf32, #tpu.memory_space<vmem>>[vector<16xi32>], vector<16xf32>,
        %get3A_1043 = arith.constant 0 : i32
        %get3A_1044 = arith.index_cast %get3A_1043 : i32 to index
        %get3A_1045 = arith.index_cast %scan3A_1040 : i32 to index
        %get3A_1046 = arith.constant 0 : index
        %get3A_1047 = tpu.vector_load %arg19[%get3A_1044, %get3A_1045, %get3A_1046] {strides = array<i32>} : memref<2x64x128xf32, #tpu.memory_space<vmem>>, vector<16xf32>,
        %mul3A_1048 = arith.mulf %get3A_1047, %gather3A_1042 : vector<16xf32>
        %swap3A_1049 = arith.constant 0 : i32
        %swap3A_1050 = arith.index_cast %swap3A_1049 : i32 to index
        %swap3A_1051 = arith.index_cast %scan3A_1040 : i32 to index
        %swap3A_1052 = arith.constant 0 : index
        %swap3A_1053 = tpu.vector_load %arg19[%swap3A_1050, %swap3A_1051, %swap3A_1052] {strides = array<i32>} : memref<2x64x128xf32, #tpu.memory_space<vmem>>, vector<16xf32>,
        tpu.vector_store %arg19[%swap3A_1050, %swap3A_1051, %swap3A_1052], %mul3A_1048 {strides = array<i32>} : memref<2x64x128xf32, #tpu.memory_space<vmem>>, vector<16xf32>,
        %get3A_1054 = arith.constant 0 : i32
        %get3A_1055 = arith.index_cast %get3A_1054 : i32 to index
        %get3A_1056 = arith.index_cast %scan3A_1040 : i32 to index
        %get3A_1057 = arith.constant 16 : index
        %get3A_1058 = tpu.vector_load %arg19[%get3A_1055, %get3A_1056, %get3A_1057] {strides = array<i32>} : memref<2x64x128xf32, #tpu.memory_space<vmem>>, vector<16xf32>,
        %mul3A_1059 = arith.mulf %get3A_1058, %gather3A_1042 : vector<16xf32>
        %swap3A_1060 = arith.constant 0 : i32
        %swap3A_1061 = arith.index_cast %swap3A_1060 : i32 to index
        %swap3A_1062 = arith.index_cast %scan3A_1040 : i32 to index
        %swap3A_1063 = arith.constant 16 : index
        %swap3A_1064 = tpu.vector_load %arg19[%swap3A_1061, %swap3A_1062, %swap3A_1063] {strides = array<i32>} : memref<2x64x128xf32, #tpu.memory_space<vmem>>, vector<16xf32>,
        tpu.vector_store %arg19[%swap3A_1061, %swap3A_1062, %swap3A_1063], %mul3A_1059 {strides = array<i32>} : memref<2x64x128xf32, #tpu.memory_space<vmem>>, vector<16xf32>,
        %get3A_1065 = arith.constant 0 : i32
        %get3A_1066 = arith.index_cast %get3A_1065 : i32 to index
        %get3A_1067 = arith.index_cast %scan3A_1040 : i32 to index
        %get3A_1068 = arith.constant 32 : index
        %get3A_1069 = tpu.vector_load %arg19[%get3A_1066, %get3A_1067, %get3A_1068] {strides = array<i32>} : memref<2x64x128xf32, #tpu.memory_space<vmem>>, vector<16xf32>,
        %mul3A_1070 = arith.mulf %get3A_1069, %gather3A_1042 : vector<16xf32>
        %swap3A_1071 = arith.constant 0 : i32
        %swap3A_1072 = arith.index_cast %swap3A_1071 : i32 to index
        %swap3A_1073 = arith.index_cast %scan3A_1040 : i32 to index
        %swap3A_1074 = arith.constant 32 : index
        %swap3A_1075 = tpu.vector_load %arg19[%swap3A_1072, %swap3A_1073, %swap3A_1074] {strides = array<i32>} : memref<2x64x128xf32, #tpu.memory_space<vmem>>, vector<16xf32>,
        tpu.vector_store %arg19[%swap3A_1072, %swap3A_1073, %swap3A_1074], %mul3A_1070 {strides = array<i32>} : memref<2x64x128xf32, #tpu.memory_space<vmem>>, vector<16xf32>,
        %get3A_1076 = arith.constant 0 : i32
        %get3A_1077 = arith.index_cast %get3A_1076 : i32 to index
        %get3A_1078 = arith.index_cast %scan3A_1040 : i32 to index
        %get3A_1079 = arith.constant 48 : index
        %get3A_1080 = tpu.vector_load %arg19[%get3A_1077, %get3A_1078, %get3A_1079] {strides = array<i32>} : memref<2x64x128xf32, #tpu.memory_space<vmem>>, vector<16xf32>,
        %mul3A_1081 = arith.mulf %get3A_1080, %gather3A_1042 : vector<16xf32>
        %swap3A_1082 = arith.constant 0 : i32
        %swap3A_1083 = arith.index_cast %swap3A_1082 : i32 to index
        %swap3A_1084 = arith.index_cast %scan3A_1040 : i32 to index
        %swap3A_1085 = arith.constant 48 : index
        %swap3A_1086 = tpu.vector_load %arg19[%swap3A_1083, %swap3A_1084, %swap3A_1085] {strides = array<i32>} : memref<2x64x128xf32, #tpu.memory_space<vmem>>, vector<16xf32>,
        tpu.vector_store %arg19[%swap3A_1083, %swap3A_1084, %swap3A_1085], %mul3A_1081 {strides = array<i32>} : memref<2x64x128xf32, #tpu.memory_space<vmem>>, vector<16xf32>,
        %get3A_1087 = arith.constant 0 : i32
        %get3A_1088 = arith.index_cast %get3A_1087 : i32 to index
        %get3A_1089 = arith.index_cast %scan3A_1040 : i32 to index
        %get3A_1090 = arith.constant 64 : index
        %get3A_1091 = tpu.vector_load %arg19[%get3A_1088, %get3A_1089, %get3A_1090] {strides = array<i32>} : memref<2x64x128xf32, #tpu.memory_space<vmem>>, vector<16xf32>,
        %mul3A_1092 = arith.mulf %get3A_1091, %gather3A_1042 : vector<16xf32>
        %swap3A_1093 = arith.constant 0 : i32
        %swap3A_1094 = arith.index_cast %swap3A_1093 : i32 to index
        %swap3A_1095 = arith.index_cast %scan3A_1040 : i32 to index
        %swap3A_1096 = arith.constant 64 : index
        %swap3A_1097 = tpu.vector_load %arg19[%swap3A_1094, %swap3A_1095, %swap3A_1096] {strides = array<i32>} : memref<2x64x128xf32, #tpu.memory_space<vmem>>, vector<16xf32>,
        tpu.vector_store %arg19[%swap3A_1094, %swap3A_1095, %swap3A_1096], %mul3A_1092 {strides = array<i32>} : memref<2x64x128xf32, #tpu.memory_space<vmem>>, vector<16xf32>,
        %get3A_1098 = arith.constant 0 : i32
        %get3A_1099 = arith.index_cast %get3A_1098 : i32 to index
        %get3A_1100 = arith.index_cast %scan3A_1040 : i32 to index
        %get3A_1101 = arith.constant 80 : index
        %get3A_1102 = tpu.vector_load %arg19[%get3A_1099, %get3A_1100, %get3A_1101] {strides = array<i32>} : memref<2x64x128xf32, #tpu.memory_space<vmem>>, vector<16xf32>,
        %mul3A_1103 = arith.mulf %get3A_1102, %gather3A_1042 : vector<16xf32>
        %swap3A_1104 = arith.constant 0 : i32
        %swap3A_1105 = arith.index_cast %swap3A_1104 : i32 to index
        %swap3A_1106 = arith.index_cast %scan3A_1040 : i32 to index
        %swap3A_1107 = arith.constant 80 : index
        %swap3A_1108 = tpu.vector_load %arg19[%swap3A_1105, %swap3A_1106, %swap3A_1107] {strides = array<i32>} : memref<2x64x128xf32, #tpu.memory_space<vmem>>, vector<16xf32>,
        tpu.vector_store %arg19[%swap3A_1105, %swap3A_1106, %swap3A_1107], %mul3A_1103 {strides = array<i32>} : memref<2x64x128xf32, #tpu.memory_space<vmem>>, vector<16xf32>,
        %get3A_1109 = arith.constant 0 : i32
        %get3A_1110 = arith.index_cast %get3A_1109 : i32 to index
        %get3A_1111 = arith.index_cast %scan3A_1040 : i32 to index
        %get3A_1112 = arith.constant 96 : index
        %get3A_1113 = tpu.vector_load %arg19[%get3A_1110, %get3A_1111, %get3A_1112] {strides = array<i32>} : memref<2x64x128xf32, #tpu.memory_space<vmem>>, vector<16xf32>,
        %mul3A_1114 = arith.mulf %get3A_1113, %gather3A_1042 : vector<16xf32>
        %swap3A_1115 = arith.constant 0 : i32
        %swap3A_1116 = arith.index_cast %swap3A_1115 : i32 to index
        %swap3A_1117 = arith.index_cast %scan3A_1040 : i32 to index
        %swap3A_1118 = arith.constant 96 : index
        %swap3A_1119 = tpu.vector_load %arg19[%swap3A_1116, %swap3A_1117, %swap3A_1118] {strides = array<i32>} : memref<2x64x128xf32, #tpu.memory_space<vmem>>, vector<16xf32>,
        tpu.vector_store %arg19[%swap3A_1116, %swap3A_1117, %swap3A_1118], %mul3A_1114 {strides = array<i32>} : memref<2x64x128xf32, #tpu.memory_space<vmem>>, vector<16xf32>,
        %get3A_1120 = arith.constant 0 : i32
        %get3A_1121 = arith.index_cast %get3A_1120 : i32 to index
        %get3A_1122 = arith.index_cast %scan3A_1040 : i32 to index
        %get3A_1123 = arith.constant 112 : index
        %get3A_1124 = tpu.vector_load %arg19[%get3A_1121, %get3A_1122, %get3A_1123] {strides = array<i32>} : memref<2x64x128xf32, #tpu.memory_space<vmem>>, vector<16xf32>,
        %mul3A_1125 = arith.mulf %get3A_1124, %gather3A_1042 : vector<16xf32>
        %swap3A_1126 = arith.constant 0 : i32
        %swap3A_1127 = arith.index_cast %swap3A_1126 : i32 to index
        %swap3A_1128 = arith.index_cast %scan3A_1040 : i32 to index
        %swap3A_1129 = arith.constant 112 : index
        %swap3A_1130 = tpu.vector_load %arg19[%swap3A_1127, %swap3A_1128, %swap3A_1129] {strides = array<i32>} : memref<2x64x128xf32, #tpu.memory_space<vmem>>, vector<16xf32>,
        tpu.vector_store %arg19[%swap3A_1127, %swap3A_1128, %swap3A_1129], %mul3A_1125 {strides = array<i32>} : memref<2x64x128xf32, #tpu.memory_space<vmem>>, vector<16xf32>,
      }
      %scan3A_863 = arith.constant 64 : i32
      %dma_start3A_864 = arith.constant 0 : i32
      %dma_start3A_865 = arith.constant 2 : i32
      %dma_start3A_866 = arith.constant 0 : i32
      %dma_start3A_867 = arith.constant 0 : i32
      %dma_start3A_868 = tpu.memref_slice %arg19[%dma_start3A_864, %dma_start3A_866, %dma_start3A_867] : memref<2x64x128xf32, #tpu.memory_space<vmem>> -> memref<1x64x128xf32, #tpu.memory_space<vmem>>
      %dma_start3A_869 = tpu.memref_squeeze %dma_start3A_868 : memref<1x64x128xf32, #tpu.memory_space<vmem>> -> memref<64x128xf32, #tpu.memory_space<vmem>>
      %dma_start3A_870 = arith.constant 0 : i32
      %dma_start3A_871 = tpu.memref_slice %arg15[%dma_start3A_865, %dma_start3A_870] : memref<4x64xi32, #tpu.memory_space<vmem>> -> memref<1x64xi32, #tpu.memory_space<vmem>>
      %dma_start3A_872 = tpu.memref_squeeze %dma_start3A_871 : memref<1x64xi32, #tpu.memory_space<vmem>> -> memref<64xi32, #tpu.memory_space<vmem>>
      %dma_start3A_873 = arith.constant 0 : i32
      %dma_start3A_874 = arith.constant 0 : i32
      %dma_start3A_875 = tpu.memref_slice %arg10[%dma_start3A_873, %dma_start3A_874] : memref<10240x128xf32, #tpu.memory_space<vmem_shared>> -> memref<10240x128xf32, #tpu.memory_space<vmem_shared>>
      tpu.enqueue_indirect_dma source(%dma_start3A_869 : memref<64x128xf32, #tpu.memory_space<vmem>>) target(%dma_start3A_875 : memref<10240x128xf32, #tpu.memory_space<vmem_shared>>) offsets(%dma_start3A_872 : memref<64xi32, #tpu.memory_space<vmem>>) semaphore(%arg23 : memref<!tpu.dma_semaphore, #tpu.memory_space<semaphore_mem>>) {add = true}
      %get3A_876 = arith.constant 3 : i32
      %get3A_877 = arith.index_cast %get3A_876 : i32 to index
      %get3A_878 = arith.constant 0 : index
      %get3A_879 = tpu.vector_load %arg15[%get3A_877, %get3A_878] {strides = array<i32>} : memref<4x64xi32, #tpu.memory_space<vmem>>, vector<16xi32>,
      %get3A_880 = arith.constant 3 : i32
      %get3A_881 = arith.index_cast %get3A_880 : i32 to index
      %get3A_882 = arith.constant 0 : index
      %get3A_883 = tpu.vector_load %arg14[%get3A_881, %get3A_882] {strides = array<i32>} : memref<4x64xi32, #tpu.memory_space<vmem>>, vector<16xi32>,
      %gather3A_884 = tpu.vector_load_idx %arg12[%get3A_883] : memref<10240xf32, #tpu.memory_space<vmem>>[vector<16xi32>], vector<16xf32>,
      %gather3A_885 = tpu.vector_load_idx %arg13[%get3A_879] : memref<10240xf32, #tpu.memory_space<vmem>>[vector<16xi32>], vector<16xf32>,
      %add3A_886 = arith.addf %gather3A_884, %gather3A_885 : vector<16xf32>
      %ge3A_887 = arith.constant 0.000000e+00 : f32
      %ge3A_888 = vector.broadcast %ge3A_887 : f32 to vector<16xf32>
      %ge3A_889 = arith.cmpf oge, %add3A_886, %ge3A_888 : vector<16xf32>
      %mul3A_890 = arith.constant 2.000000e-01 : f32
      %mul3A_891 = vector.broadcast %mul3A_890 : f32 to vector<16xf32>
      %mul3A_892 = arith.mulf %mul3A_891, %add3A_886 : vector<16xf32>
      %select_n3A_893 = arith.select %ge3A_889, %add3A_886, %mul3A_892 : vector<16xi1>, vector<16xf32>
      %sub3A_894 = arith.subf %select_n3A_893, %get3A_88 : vector<16xf32>
      %exp3A_895 = math.exp %sub3A_894 : vector<16xf32>
      %swap3A_896 = arith.constant 0 : index
      %swap3A_897 = tpu.vector_load %arg20[%swap3A_896] {strides = array<i32>} : memref<64xf32, #tpu.memory_space<vmem>>, vector<16xf32>,
      tpu.vector_store %arg20[%swap3A_896], %exp3A_895 {strides = array<i32>} : memref<64xf32, #tpu.memory_space<vmem>>, vector<16xf32>,
      %shift_right_logical3A_898 = arith.constant 7 : i32
      %shift_right_logical3A_899 = vector.broadcast %shift_right_logical3A_898 : i32 to vector<16xi32>
      %shift_right_logical3A_900 = arith.shrui %get3A_879, %shift_right_logical3A_899 : vector<16xi32>
      %and3A_901 = arith.constant 127 : i32
      %and3A_902 = vector.broadcast %and3A_901 : i32 to vector<16xi32>
      %and3A_903 = arith.andi %get3A_879, %and3A_902 : vector<16xi32>
      tpu.vector_store_idx %arg17[%shift_right_logical3A_900, %and3A_903], %exp3A_895 {add = true} : memref<80x128xf32, #tpu.memory_space<vmem>>[vector<16xi32>, vector<16xi32>], vector<16xf32>,
      %get3A_904 = arith.constant 3 : i32
      %get3A_905 = arith.index_cast %get3A_904 : i32 to index
      %get3A_906 = arith.constant 16 : index
      %get3A_907 = tpu.vector_load %arg15[%get3A_905, %get3A_906] {strides = array<i32>} : memref<4x64xi32, #tpu.memory_space<vmem>>, vector<16xi32>,
      %get3A_908 = arith.constant 3 : i32
      %get3A_909 = arith.index_cast %get3A_908 : i32 to index
      %get3A_910 = arith.constant 16 : index
      %get3A_911 = tpu.vector_load %arg14[%get3A_909, %get3A_910] {strides = array<i32>} : memref<4x64xi32, #tpu.memory_space<vmem>>, vector<16xi32>,
      %gather3A_912 = tpu.vector_load_idx %arg12[%get3A_911] : memref<10240xf32, #tpu.memory_space<vmem>>[vector<16xi32>], vector<16xf32>,
      %gather3A_913 = tpu.vector_load_idx %arg13[%get3A_907] : memref<10240xf32, #tpu.memory_space<vmem>>[vector<16xi32>], vector<16xf32>,
      %add3A_914 = arith.addf %gather3A_912, %gather3A_913 : vector<16xf32>
      %ge3A_915 = arith.constant 0.000000e+00 : f32
      %ge3A_916 = vector.broadcast %ge3A_915 : f32 to vector<16xf32>
      %ge3A_917 = arith.cmpf oge, %add3A_914, %ge3A_916 : vector<16xf32>
      %mul3A_918 = arith.constant 2.000000e-01 : f32
      %mul3A_919 = vector.broadcast %mul3A_918 : f32 to vector<16xf32>
      %mul3A_920 = arith.mulf %mul3A_919, %add3A_914 : vector<16xf32>
      %select_n3A_921 = arith.select %ge3A_917, %add3A_914, %mul3A_920 : vector<16xi1>, vector<16xf32>
      %sub3A_922 = arith.subf %select_n3A_921, %get3A_88 : vector<16xf32>
      %exp3A_923 = math.exp %sub3A_922 : vector<16xf32>
      %swap3A_924 = arith.constant 16 : index
      %swap3A_925 = tpu.vector_load %arg20[%swap3A_924] {strides = array<i32>} : memref<64xf32, #tpu.memory_space<vmem>>, vector<16xf32>,
      tpu.vector_store %arg20[%swap3A_924], %exp3A_923 {strides = array<i32>} : memref<64xf32, #tpu.memory_space<vmem>>, vector<16xf32>,
      %shift_right_logical3A_926 = arith.constant 7 : i32
      %shift_right_logical3A_927 = vector.broadcast %shift_right_logical3A_926 : i32 to vector<16xi32>
      %shift_right_logical3A_928 = arith.shrui %get3A_907, %shift_right_logical3A_927 : vector<16xi32>
      %and3A_929 = arith.constant 127 : i32
      %and3A_930 = vector.broadcast %and3A_929 : i32 to vector<16xi32>
      %and3A_931 = arith.andi %get3A_907, %and3A_930 : vector<16xi32>
      tpu.vector_store_idx %arg17[%shift_right_logical3A_928, %and3A_931], %exp3A_923 {add = true} : memref<80x128xf32, #tpu.memory_space<vmem>>[vector<16xi32>, vector<16xi32>], vector<16xf32>,
      %get3A_932 = arith.constant 3 : i32
      %get3A_933 = arith.index_cast %get3A_932 : i32 to index
      %get3A_934 = arith.constant 32 : index
      %get3A_935 = tpu.vector_load %arg15[%get3A_933, %get3A_934] {strides = array<i32>} : memref<4x64xi32, #tpu.memory_space<vmem>>, vector<16xi32>,
      %get3A_936 = arith.constant 3 : i32
      %get3A_937 = arith.index_cast %get3A_936 : i32 to index
      %get3A_938 = arith.constant 32 : index
      %get3A_939 = tpu.vector_load %arg14[%get3A_937, %get3A_938] {strides = array<i32>} : memref<4x64xi32, #tpu.memory_space<vmem>>, vector<16xi32>,
      %gather3A_940 = tpu.vector_load_idx %arg12[%get3A_939] : memref<10240xf32, #tpu.memory_space<vmem>>[vector<16xi32>], vector<16xf32>,
      %gather3A_941 = tpu.vector_load_idx %arg13[%get3A_935] : memref<10240xf32, #tpu.memory_space<vmem>>[vector<16xi32>], vector<16xf32>,
      %add3A_942 = arith.addf %gather3A_940, %gather3A_941 : vector<16xf32>
      %ge3A_943 = arith.constant 0.000000e+00 : f32
      %ge3A_944 = vector.broadcast %ge3A_943 : f32 to vector<16xf32>
      %ge3A_945 = arith.cmpf oge, %add3A_942, %ge3A_944 : vector<16xf32>
      %mul3A_946 = arith.constant 2.000000e-01 : f32
      %mul3A_947 = vector.broadcast %mul3A_946 : f32 to vector<16xf32>
      %mul3A_948 = arith.mulf %mul3A_947, %add3A_942 : vector<16xf32>
      %select_n3A_949 = arith.select %ge3A_945, %add3A_942, %mul3A_948 : vector<16xi1>, vector<16xf32>
      %sub3A_950 = arith.subf %select_n3A_949, %get3A_88 : vector<16xf32>
      %exp3A_951 = math.exp %sub3A_950 : vector<16xf32>
      %swap3A_952 = arith.constant 32 : index
      %swap3A_953 = tpu.vector_load %arg20[%swap3A_952] {strides = array<i32>} : memref<64xf32, #tpu.memory_space<vmem>>, vector<16xf32>,
      tpu.vector_store %arg20[%swap3A_952], %exp3A_951 {strides = array<i32>} : memref<64xf32, #tpu.memory_space<vmem>>, vector<16xf32>,
      %shift_right_logical3A_954 = arith.constant 7 : i32
      %shift_right_logical3A_955 = vector.broadcast %shift_right_logical3A_954 : i32 to vector<16xi32>
      %shift_right_logical3A_956 = arith.shrui %get3A_935, %shift_right_logical3A_955 : vector<16xi32>
      %and3A_957 = arith.constant 127 : i32
      %and3A_958 = vector.broadcast %and3A_957 : i32 to vector<16xi32>
      %and3A_959 = arith.andi %get3A_935, %and3A_958 : vector<16xi32>
      tpu.vector_store_idx %arg17[%shift_right_logical3A_956, %and3A_959], %exp3A_951 {add = true} : memref<80x128xf32, #tpu.memory_space<vmem>>[vector<16xi32>, vector<16xi32>], vector<16xf32>,
      %get3A_960 = arith.constant 3 : i32
      %get3A_961 = arith.index_cast %get3A_960 : i32 to index
      %get3A_962 = arith.constant 48 : index
      %get3A_963 = tpu.vector_load %arg15[%get3A_961, %get3A_962] {strides = array<i32>} : memref<4x64xi32, #tpu.memory_space<vmem>>, vector<16xi32>,
      %get3A_964 = arith.constant 3 : i32
      %get3A_965 = arith.index_cast %get3A_964 : i32 to index
      %get3A_966 = arith.constant 48 : index
      %get3A_967 = tpu.vector_load %arg14[%get3A_965, %get3A_966] {strides = array<i32>} : memref<4x64xi32, #tpu.memory_space<vmem>>, vector<16xi32>,
      %gather3A_968 = tpu.vector_load_idx %arg12[%get3A_967] : memref<10240xf32, #tpu.memory_space<vmem>>[vector<16xi32>], vector<16xf32>,
      %gather3A_969 = tpu.vector_load_idx %arg13[%get3A_963] : memref<10240xf32, #tpu.memory_space<vmem>>[vector<16xi32>], vector<16xf32>,
      %add3A_970 = arith.addf %gather3A_968, %gather3A_969 : vector<16xf32>
      %ge3A_971 = arith.constant 0.000000e+00 : f32
      %ge3A_972 = vector.broadcast %ge3A_971 : f32 to vector<16xf32>
      %ge3A_973 = arith.cmpf oge, %add3A_970, %ge3A_972 : vector<16xf32>
      %mul3A_974 = arith.constant 2.000000e-01 : f32
      %mul3A_975 = vector.broadcast %mul3A_974 : f32 to vector<16xf32>
      %mul3A_976 = arith.mulf %mul3A_975, %add3A_970 : vector<16xf32>
      %select_n3A_977 = arith.select %ge3A_973, %add3A_970, %mul3A_976 : vector<16xi1>, vector<16xf32>
      %sub3A_978 = arith.subf %select_n3A_977, %get3A_88 : vector<16xf32>
      %exp3A_979 = math.exp %sub3A_978 : vector<16xf32>
      %swap3A_980 = arith.constant 48 : index
      %swap3A_981 = tpu.vector_load %arg20[%swap3A_980] {strides = array<i32>} : memref<64xf32, #tpu.memory_space<vmem>>, vector<16xf32>,
      tpu.vector_store %arg20[%swap3A_980], %exp3A_979 {strides = array<i32>} : memref<64xf32, #tpu.memory_space<vmem>>, vector<16xf32>,
      %shift_right_logical3A_982 = arith.constant 7 : i32
      %shift_right_logical3A_983 = vector.broadcast %shift_right_logical3A_982 : i32 to vector<16xi32>
      %shift_right_logical3A_984 = arith.shrui %get3A_963, %shift_right_logical3A_983 : vector<16xi32>
      %and3A_985 = arith.constant 127 : i32
      %and3A_986 = vector.broadcast %and3A_985 : i32 to vector<16xi32>
      %and3A_987 = arith.andi %get3A_963, %and3A_986 : vector<16xi32>
      tpu.vector_store_idx %arg17[%shift_right_logical3A_984, %and3A_987], %exp3A_979 {add = true} : memref<80x128xf32, #tpu.memory_space<vmem>>[vector<16xi32>, vector<16xi32>], vector<16xf32>,
      %dma_wait3A_988 = arith.constant 0 : i32
      %dma_wait3A_989 = arith.constant 2 : i32
      %dma_wait3A_990 = arith.constant 0 : i32
      %dma_wait3A_991 = arith.constant 0 : i32
      %dma_wait3A_992 = tpu.memref_slice %arg19[%dma_wait3A_988, %dma_wait3A_990, %dma_wait3A_991] : memref<2x64x128xf32, #tpu.memory_space<vmem>> -> memref<1x64x128xf32, #tpu.memory_space<vmem>>
      %dma_wait3A_993 = tpu.memref_squeeze %dma_wait3A_992 : memref<1x64x128xf32, #tpu.memory_space<vmem>> -> memref<64x128xf32, #tpu.memory_space<vmem>>
      %dma_wait3A_994 = arith.constant 0 : i32
      %dma_wait3A_995 = tpu.memref_slice %arg15[%dma_wait3A_989, %dma_wait3A_994] : memref<4x64xi32, #tpu.memory_space<vmem>> -> memref<1x64xi32, #tpu.memory_space<vmem>>
      %dma_wait3A_996 = tpu.memref_squeeze %dma_wait3A_995 : memref<1x64xi32, #tpu.memory_space<vmem>> -> memref<64xi32, #tpu.memory_space<vmem>>
      %dma_wait3A_997 = arith.constant 0 : i32
      %dma_wait3A_998 = arith.constant 0 : i32
      %dma_wait3A_999 = tpu.memref_slice %arg10[%dma_wait3A_997, %dma_wait3A_998] : memref<10240x128xf32, #tpu.memory_space<vmem_shared>> -> memref<10240x128xf32, #tpu.memory_space<vmem_shared>>
      tpu.wait_indirect_dma semaphore(%arg23 : memref<!tpu.dma_semaphore, #tpu.memory_space<semaphore_mem>>) src(%dma_wait3A_993 : memref<64x128xf32, #tpu.memory_space<vmem>>) dst(%dma_wait3A_999 : memref<10240x128xf32, #tpu.memory_space<vmem_shared>>)
      %lt3A_1000 = arith.constant 40 : i32
      %lt3A_1001 = arith.cmpi slt, %scan3A_218, %lt3A_1000 : i32
      %convert_element_type3A_1002 = arith.extui %lt3A_1001 : i1 to i32
      %cond3A_1003 = arith.constant 0 : i32
      %cond3A_1004 = arith.cmpi ne, %convert_element_type3A_1002, %cond3A_1003 : i32
      scf.if %cond3A_1004 {
        %mul3A_1040 = arith.constant 4 : i32
        %mul3A_1041 = arith.muli %mul3A_1040, %scan3A_218 : i32
        %add3A_1042 = arith.constant 3 : i32
        %add3A_1043 = arith.addi %mul3A_1041, %add3A_1042 : i32
        %add3A_1044 = arith.constant 2 : i32
        %add3A_1045 = arith.addi %add3A_1043, %add3A_1044 : i32
        %dma_start3A_1046 = arith.constant 0 : i32
        %dma_start3A_1047 = arith.constant 1 : i32
        %dma_start3A_1048 = arith.constant 0 : i32
        %dma_start3A_1049 = tpu.memref_slice %arg14[%dma_start3A_1047, %dma_start3A_1048] : memref<4x64xi32, #tpu.memory_space<vmem>> -> memref<1x64xi32, #tpu.memory_space<vmem>>
        %dma_start3A_1050 = tpu.memref_squeeze %dma_start3A_1049 : memref<1x64xi32, #tpu.memory_space<vmem>> -> memref<64xi32, #tpu.memory_space<vmem>>
        %dma_start3A_1051 = arith.constant 0 : i32
        %dma_start3A_1052 = tpu.memref_slice %arg5[%add3A, %add3A_1045, %dma_start3A_1046, %dma_start3A_1051] : memref<32x164x8x64xi32, #tpu.memory_space<hbm>> -> memref<1x1x1x64xi32, #tpu.memory_space<hbm>>
        %dma_start3A_1053 = tpu.memref_squeeze %dma_start3A_1052 : memref<1x1x1x64xi32, #tpu.memory_space<hbm>> -> memref<64xi32, #tpu.memory_space<hbm>>
        %dma_start3A_1054 = arith.constant 0 : i32
        %dma_start3A_1055 = tpu.memref_slice %arg14[%dma_start3A_1047, %dma_start3A_1054] : memref<4x64xi32, #tpu.memory_space<vmem>> -> memref<1x64xi32, #tpu.memory_space<vmem>>
        %dma_start3A_1056 = tpu.memref_squeeze %dma_start3A_1055 : memref<1x64xi32, #tpu.memory_space<vmem>> -> memref<64xi32, #tpu.memory_space<vmem>>
        %dma_start3A_1057 = arith.constant 0 : i32
        %dma_start3A_1058 = tpu.memref_slice %arg5[%add3A, %add3A_1045, %dma_start3A_1046, %dma_start3A_1057] : memref<32x164x8x64xi32, #tpu.memory_space<hbm>> -> memref<1x1x1x64xi32, #tpu.memory_space<hbm>>
        %dma_start3A_1059 = tpu.memref_squeeze %dma_start3A_1058 : memref<1x1x1x64xi32, #tpu.memory_space<hbm>> -> memref<64xi32, #tpu.memory_space<hbm>>
        tpu.enqueue_dma source(%dma_start3A_1059 : memref<64xi32, #tpu.memory_space<hbm>>) target(%dma_start3A_1056 : memref<64xi32, #tpu.memory_space<vmem>>) target_semaphore(%arg26 : memref<!tpu.dma_semaphore, #tpu.memory_space<semaphore_mem>>)
        %dma_start3A_1060 = arith.constant 0 : i32
        %dma_start3A_1061 = arith.constant 1 : i32
        %dma_start3A_1062 = arith.constant 0 : i32
        %dma_start3A_1063 = tpu.memref_slice %arg15[%dma_start3A_1061, %dma_start3A_1062] : memref<4x64xi32, #tpu.memory_space<vmem>> -> memref<1x64xi32, #tpu.memory_space<vmem>>
        %dma_start3A_1064 = tpu.memref_squeeze %dma_start3A_1063 : memref<1x64xi32, #tpu.memory_space<vmem>> -> memref<64xi32, #tpu.memory_space<vmem>>
        %dma_start3A_1065 = arith.constant 0 : i32
        %dma_start3A_1066 = tpu.memref_slice %arg6[%add3A, %add3A_1045, %dma_start3A_1060, %dma_start3A_1065] : memref<32x164x8x64xi32, #tpu.memory_space<hbm>> -> memref<1x1x1x64xi32, #tpu.memory_space<hbm>>
        %dma_start3A_1067 = tpu.memref_squeeze %dma_start3A_1066 : memref<1x1x1x64xi32, #tpu.memory_space<hbm>> -> memref<64xi32, #tpu.memory_space<hbm>>
        %dma_start3A_1068 = arith.constant 0 : i32
        %dma_start3A_1069 = tpu.memref_slice %arg15[%dma_start3A_1061, %dma_start3A_1068] : memref<4x64xi32, #tpu.memory_space<vmem>> -> memref<1x64xi32, #tpu.memory_space<vmem>>
        %dma_start3A_1070 = tpu.memref_squeeze %dma_start3A_1069 : memref<1x64xi32, #tpu.memory_space<vmem>> -> memref<64xi32, #tpu.memory_space<vmem>>
        %dma_start3A_1071 = arith.constant 0 : i32
        %dma_start3A_1072 = tpu.memref_slice %arg6[%add3A, %add3A_1045, %dma_start3A_1060, %dma_start3A_1071] : memref<32x164x8x64xi32, #tpu.memory_space<hbm>> -> memref<1x1x1x64xi32, #tpu.memory_space<hbm>>
        %dma_start3A_1073 = tpu.memref_squeeze %dma_start3A_1072 : memref<1x1x1x64xi32, #tpu.memory_space<hbm>> -> memref<64xi32, #tpu.memory_space<hbm>>
        tpu.enqueue_dma source(%dma_start3A_1073 : memref<64xi32, #tpu.memory_space<hbm>>) target(%dma_start3A_1070 : memref<64xi32, #tpu.memory_space<vmem>>) target_semaphore(%arg26 : memref<!tpu.dma_semaphore, #tpu.memory_space<semaphore_mem>>)
      } else {
      }
      %lt3A_1005 = arith.constant 40 : i32
      %lt3A_1006 = arith.cmpi slt, %scan3A_218, %lt3A_1005 : i32
      %convert_element_type3A_1007 = arith.extui %lt3A_1006 : i1 to i32
      %cond3A_1008 = arith.constant 0 : i32
      %cond3A_1009 = arith.cmpi ne, %convert_element_type3A_1007, %cond3A_1008 : i32
      scf.if %cond3A_1009 {
        %mul3A_1040 = arith.constant 4 : i32
        %mul3A_1041 = arith.muli %mul3A_1040, %scan3A_218 : i32
        %add3A_1042 = arith.constant 3 : i32
        %add3A_1043 = arith.addi %mul3A_1041, %add3A_1042 : i32
        %add3A_1044 = arith.constant 1 : i32
        %add3A_1045 = arith.addi %add3A_1043, %add3A_1044 : i32
        %dma_wait3A_1046 = arith.constant 0 : i32
        %dma_wait3A_1047 = arith.constant 0 : i32
        %dma_wait3A_1048 = arith.constant 0 : i32
        %dma_wait3A_1049 = tpu.memref_slice %arg14[%dma_wait3A_1047, %dma_wait3A_1048] : memref<4x64xi32, #tpu.memory_space<vmem>> -> memref<1x64xi32, #tpu.memory_space<vmem>>
        %dma_wait3A_1050 = tpu.memref_squeeze %dma_wait3A_1049 : memref<1x64xi32, #tpu.memory_space<vmem>> -> memref<64xi32, #tpu.memory_space<vmem>>
        %dma_wait3A_1051 = arith.constant 0 : i32
        %dma_wait3A_1052 = tpu.memref_slice %arg5[%add3A, %add3A_1045, %dma_wait3A_1046, %dma_wait3A_1051] : memref<32x164x8x64xi32, #tpu.memory_space<hbm>> -> memref<1x1x1x64xi32, #tpu.memory_space<hbm>>
        %dma_wait3A_1053 = tpu.memref_squeeze %dma_wait3A_1052 : memref<1x1x1x64xi32, #tpu.memory_space<hbm>> -> memref<64xi32, #tpu.memory_space<hbm>>
        %dma_wait3A_1054 = arith.constant 0 : i32
        %dma_wait3A_1055 = tpu.memref_slice %arg14[%dma_wait3A_1047, %dma_wait3A_1054] : memref<4x64xi32, #tpu.memory_space<vmem>> -> memref<1x64xi32, #tpu.memory_space<vmem>>
        %dma_wait3A_1056 = tpu.memref_squeeze %dma_wait3A_1055 : memref<1x64xi32, #tpu.memory_space<vmem>> -> memref<64xi32, #tpu.memory_space<vmem>>
        %dma_wait3A_1057 = arith.constant 0 : i32
        %dma_wait3A_1058 = tpu.memref_slice %arg5[%add3A, %add3A_1045, %dma_wait3A_1046, %dma_wait3A_1057] : memref<32x164x8x64xi32, #tpu.memory_space<hbm>> -> memref<1x1x1x64xi32, #tpu.memory_space<hbm>>
        %dma_wait3A_1059 = tpu.memref_squeeze %dma_wait3A_1058 : memref<1x1x1x64xi32, #tpu.memory_space<hbm>> -> memref<64xi32, #tpu.memory_space<hbm>>
        tpu.wait_dma2 semaphore(%arg25 : memref<!tpu.dma_semaphore, #tpu.memory_space<semaphore_mem>>) src(%dma_wait3A_1059 : memref<64xi32, #tpu.memory_space<hbm>>) dst(%dma_wait3A_1056 : memref<64xi32, #tpu.memory_space<vmem>>)
        %dma_wait3A_1060 = arith.constant 0 : i32
        %dma_wait3A_1061 = arith.constant 0 : i32
        %dma_wait3A_1062 = arith.constant 0 : i32
        %dma_wait3A_1063 = tpu.memref_slice %arg15[%dma_wait3A_1061, %dma_wait3A_1062] : memref<4x64xi32, #tpu.memory_space<vmem>> -> memref<1x64xi32, #tpu.memory_space<vmem>>
        %dma_wait3A_1064 = tpu.memref_squeeze %dma_wait3A_1063 : memref<1x64xi32, #tpu.memory_space<vmem>> -> memref<64xi32, #tpu.memory_space<vmem>>
        %dma_wait3A_1065 = arith.constant 0 : i32
        %dma_wait3A_1066 = tpu.memref_slice %arg6[%add3A, %add3A_1045, %dma_wait3A_1060, %dma_wait3A_1065] : memref<32x164x8x64xi32, #tpu.memory_space<hbm>> -> memref<1x1x1x64xi32, #tpu.memory_space<hbm>>
        %dma_wait3A_1067 = tpu.memref_squeeze %dma_wait3A_1066 : memref<1x1x1x64xi32, #tpu.memory_space<hbm>> -> memref<64xi32, #tpu.memory_space<hbm>>
        %dma_wait3A_1068 = arith.constant 0 : i32
        %dma_wait3A_1069 = tpu.memref_slice %arg15[%dma_wait3A_1061, %dma_wait3A_1068] : memref<4x64xi32, #tpu.memory_space<vmem>> -> memref<1x64xi32, #tpu.memory_space<vmem>>
        %dma_wait3A_1070 = tpu.memref_squeeze %dma_wait3A_1069 : memref<1x64xi32, #tpu.memory_space<vmem>> -> memref<64xi32, #tpu.memory_space<vmem>>
        %dma_wait3A_1071 = arith.constant 0 : i32
        %dma_wait3A_1072 = tpu.memref_slice %arg6[%add3A, %add3A_1045, %dma_wait3A_1060, %dma_wait3A_1071] : memref<32x164x8x64xi32, #tpu.memory_space<hbm>> -> memref<1x1x1x64xi32, #tpu.memory_space<hbm>>
        %dma_wait3A_1073 = tpu.memref_squeeze %dma_wait3A_1072 : memref<1x1x1x64xi32, #tpu.memory_space<hbm>> -> memref<64xi32, #tpu.memory_space<hbm>>
        tpu.wait_dma2 semaphore(%arg25 : memref<!tpu.dma_semaphore, #tpu.memory_space<semaphore_mem>>) src(%dma_wait3A_1073 : memref<64xi32, #tpu.memory_space<hbm>>) dst(%dma_wait3A_1070 : memref<64xi32, #tpu.memory_space<vmem>>)
        %dma_start3A_1074 = arith.constant 0 : i32
        %dma_start3A_1075 = arith.constant 0 : i32
        %dma_start3A_1076 = arith.constant 0 : i32
        %dma_start3A_1077 = arith.constant 0 : i32
        %dma_start3A_1078 = tpu.memref_slice %arg19[%dma_start3A_1075, %dma_start3A_1076, %dma_start3A_1077] : memref<2x64x128xf32, #tpu.memory_space<vmem>> -> memref<1x64x128xf32, #tpu.memory_space<vmem>>
        %dma_start3A_1079 = tpu.memref_squeeze %dma_start3A_1078 : memref<1x64x128xf32, #tpu.memory_space<vmem>> -> memref<64x128xf32, #tpu.memory_space<vmem>>
        %dma_start3A_1080 = arith.constant 0 : i32
        %dma_start3A_1081 = tpu.memref_slice %arg14[%dma_start3A_1074, %dma_start3A_1080] : memref<4x64xi32, #tpu.memory_space<vmem>> -> memref<1x64xi32, #tpu.memory_space<vmem>>
        %dma_start3A_1082 = tpu.memref_squeeze %dma_start3A_1081 : memref<1x64xi32, #tpu.memory_space<vmem>> -> memref<64xi32, #tpu.memory_space<vmem>>
        %dma_start3A_1083 = arith.constant 0 : i32
        %dma_start3A_1084 = arith.constant 0 : i32
        %dma_start3A_1085 = tpu.memref_slice %arg2[%dma_start3A_1083, %dma_start3A_1084] : memref<10000x128xf32, #tpu.memory_space<hbm>> -> memref<10000x128xf32, #tpu.memory_space<hbm>>
        tpu.enqueue_indirect_dma source(%dma_start3A_1085 : memref<10000x128xf32, #tpu.memory_space<hbm>>) target(%dma_start3A_1079 : memref<64x128xf32, #tpu.memory_space<vmem>>) offsets(%dma_start3A_1082 : memref<64xi32, #tpu.memory_space<vmem>>) semaphore(%arg21 : memref<!tpu.dma_semaphore, #tpu.memory_space<semaphore_mem>>)
      } else {
      }
      %dma_wait3A_1010 = arith.constant 3 : i32
      %dma_wait3A_1011 = arith.constant 1 : i32
      %dma_wait3A_1012 = arith.constant 0 : i32
      %dma_wait3A_1013 = arith.constant 0 : i32
      %dma_wait3A_1014 = tpu.memref_slice %arg19[%dma_wait3A_1011, %dma_wait3A_1012, %dma_wait3A_1013] : memref<2x64x128xf32, #tpu.memory_space<vmem>> -> memref<1x64x128xf32, #tpu.memory_space<vmem>>
      %dma_wait3A_1015 = tpu.memref_squeeze %dma_wait3A_1014 : memref<1x64x128xf32, #tpu.memory_space<vmem>> -> memref<64x128xf32, #tpu.memory_space<vmem>>
      %dma_wait3A_1016 = arith.constant 0 : i32
      %dma_wait3A_1017 = tpu.memref_slice %arg14[%dma_wait3A_1010, %dma_wait3A_1016] : memref<4x64xi32, #tpu.memory_space<vmem>> -> memref<1x64xi32, #tpu.memory_space<vmem>>
      %dma_wait3A_1018 = tpu.memref_squeeze %dma_wait3A_1017 : memref<1x64xi32, #tpu.memory_space<vmem>> -> memref<64xi32, #tpu.memory_space<vmem>>
      %dma_wait3A_1019 = arith.constant 0 : i32
      %dma_wait3A_1020 = arith.constant 0 : i32
      %dma_wait3A_1021 = tpu.memref_slice %arg2[%dma_wait3A_1019, %dma_wait3A_1020] : memref<10000x128xf32, #tpu.memory_space<hbm>> -> memref<10000x128xf32, #tpu.memory_space<hbm>>
      tpu.wait_indirect_dma semaphore(%arg22 : memref<!tpu.dma_semaphore, #tpu.memory_space<semaphore_mem>>) src(%dma_wait3A_1021 : memref<10000x128xf32, #tpu.memory_space<hbm>>) dst(%dma_wait3A_1015 : memref<64x128xf32, #tpu.memory_space<vmem>>)
      %scan3A_1022 = arith.constant 0 : i32
      %scan3A_1023 = arith.constant 0 : i32
      %scan3A_1024 = arith.constant 64 : i32
      %scan3A_1025 = arith.addi %scan3A_1023, %scan3A_1024 : i32
      %scan3A_1026 = arith.constant 1 : i32
      scf.for %scan3A_1040 = %scan3A_1023 to %scan3A_1025 step %scan3A_1026  : i32 {
        %broadcast_in_dim3A_1041 = vector.broadcast %scan3A_1040 : i32 to vector<16xi32>
        %gather3A_1042 = tpu.vector_load_idx %arg20[%broadcast_in_dim3A_1041] : memref<64xf32, #tpu.memory_space<vmem>>[vector<16xi32>], vector<16xf32>,
        %get3A_1043 = arith.constant 1 : i32
        %get3A_1044 = arith.index_cast %get3A_1043 : i32 to index
        %get3A_1045 = arith.index_cast %scan3A_1040 : i32 to index
        %get3A_1046 = arith.constant 0 : index
        %get3A_1047 = tpu.vector_load %arg19[%get3A_1044, %get3A_1045, %get3A_1046] {strides = array<i32>} : memref<2x64x128xf32, #tpu.memory_space<vmem>>, vector<16xf32>,
        %mul3A_1048 = arith.mulf %get3A_1047, %gather3A_1042 : vector<16xf32>
        %swap3A_1049 = arith.constant 1 : i32
        %swap3A_1050 = arith.index_cast %swap3A_1049 : i32 to index
        %swap3A_1051 = arith.index_cast %scan3A_1040 : i32 to index
        %swap3A_1052 = arith.constant 0 : index
        %swap3A_1053 = tpu.vector_load %arg19[%swap3A_1050, %swap3A_1051, %swap3A_1052] {strides = array<i32>} : memref<2x64x128xf32, #tpu.memory_space<vmem>>, vector<16xf32>,
        tpu.vector_store %arg19[%swap3A_1050, %swap3A_1051, %swap3A_1052], %mul3A_1048 {strides = array<i32>} : memref<2x64x128xf32, #tpu.memory_space<vmem>>, vector<16xf32>,
        %get3A_1054 = arith.constant 1 : i32
        %get3A_1055 = arith.index_cast %get3A_1054 : i32 to index
        %get3A_1056 = arith.index_cast %scan3A_1040 : i32 to index
        %get3A_1057 = arith.constant 16 : index
        %get3A_1058 = tpu.vector_load %arg19[%get3A_1055, %get3A_1056, %get3A_1057] {strides = array<i32>} : memref<2x64x128xf32, #tpu.memory_space<vmem>>, vector<16xf32>,
        %mul3A_1059 = arith.mulf %get3A_1058, %gather3A_1042 : vector<16xf32>
        %swap3A_1060 = arith.constant 1 : i32
        %swap3A_1061 = arith.index_cast %swap3A_1060 : i32 to index
        %swap3A_1062 = arith.index_cast %scan3A_1040 : i32 to index
        %swap3A_1063 = arith.constant 16 : index
        %swap3A_1064 = tpu.vector_load %arg19[%swap3A_1061, %swap3A_1062, %swap3A_1063] {strides = array<i32>} : memref<2x64x128xf32, #tpu.memory_space<vmem>>, vector<16xf32>,
        tpu.vector_store %arg19[%swap3A_1061, %swap3A_1062, %swap3A_1063], %mul3A_1059 {strides = array<i32>} : memref<2x64x128xf32, #tpu.memory_space<vmem>>, vector<16xf32>,
        %get3A_1065 = arith.constant 1 : i32
        %get3A_1066 = arith.index_cast %get3A_1065 : i32 to index
        %get3A_1067 = arith.index_cast %scan3A_1040 : i32 to index
        %get3A_1068 = arith.constant 32 : index
        %get3A_1069 = tpu.vector_load %arg19[%get3A_1066, %get3A_1067, %get3A_1068] {strides = array<i32>} : memref<2x64x128xf32, #tpu.memory_space<vmem>>, vector<16xf32>,
        %mul3A_1070 = arith.mulf %get3A_1069, %gather3A_1042 : vector<16xf32>
        %swap3A_1071 = arith.constant 1 : i32
        %swap3A_1072 = arith.index_cast %swap3A_1071 : i32 to index
        %swap3A_1073 = arith.index_cast %scan3A_1040 : i32 to index
        %swap3A_1074 = arith.constant 32 : index
        %swap3A_1075 = tpu.vector_load %arg19[%swap3A_1072, %swap3A_1073, %swap3A_1074] {strides = array<i32>} : memref<2x64x128xf32, #tpu.memory_space<vmem>>, vector<16xf32>,
        tpu.vector_store %arg19[%swap3A_1072, %swap3A_1073, %swap3A_1074], %mul3A_1070 {strides = array<i32>} : memref<2x64x128xf32, #tpu.memory_space<vmem>>, vector<16xf32>,
        %get3A_1076 = arith.constant 1 : i32
        %get3A_1077 = arith.index_cast %get3A_1076 : i32 to index
        %get3A_1078 = arith.index_cast %scan3A_1040 : i32 to index
        %get3A_1079 = arith.constant 48 : index
        %get3A_1080 = tpu.vector_load %arg19[%get3A_1077, %get3A_1078, %get3A_1079] {strides = array<i32>} : memref<2x64x128xf32, #tpu.memory_space<vmem>>, vector<16xf32>,
        %mul3A_1081 = arith.mulf %get3A_1080, %gather3A_1042 : vector<16xf32>
        %swap3A_1082 = arith.constant 1 : i32
        %swap3A_1083 = arith.index_cast %swap3A_1082 : i32 to index
        %swap3A_1084 = arith.index_cast %scan3A_1040 : i32 to index
        %swap3A_1085 = arith.constant 48 : index
        %swap3A_1086 = tpu.vector_load %arg19[%swap3A_1083, %swap3A_1084, %swap3A_1085] {strides = array<i32>} : memref<2x64x128xf32, #tpu.memory_space<vmem>>, vector<16xf32>,
        tpu.vector_store %arg19[%swap3A_1083, %swap3A_1084, %swap3A_1085], %mul3A_1081 {strides = array<i32>} : memref<2x64x128xf32, #tpu.memory_space<vmem>>, vector<16xf32>,
        %get3A_1087 = arith.constant 1 : i32
        %get3A_1088 = arith.index_cast %get3A_1087 : i32 to index
        %get3A_1089 = arith.index_cast %scan3A_1040 : i32 to index
        %get3A_1090 = arith.constant 64 : index
        %get3A_1091 = tpu.vector_load %arg19[%get3A_1088, %get3A_1089, %get3A_1090] {strides = array<i32>} : memref<2x64x128xf32, #tpu.memory_space<vmem>>, vector<16xf32>,
        %mul3A_1092 = arith.mulf %get3A_1091, %gather3A_1042 : vector<16xf32>
        %swap3A_1093 = arith.constant 1 : i32
        %swap3A_1094 = arith.index_cast %swap3A_1093 : i32 to index
        %swap3A_1095 = arith.index_cast %scan3A_1040 : i32 to index
        %swap3A_1096 = arith.constant 64 : index
        %swap3A_1097 = tpu.vector_load %arg19[%swap3A_1094, %swap3A_1095, %swap3A_1096] {strides = array<i32>} : memref<2x64x128xf32, #tpu.memory_space<vmem>>, vector<16xf32>,
        tpu.vector_store %arg19[%swap3A_1094, %swap3A_1095, %swap3A_1096], %mul3A_1092 {strides = array<i32>} : memref<2x64x128xf32, #tpu.memory_space<vmem>>, vector<16xf32>,
        %get3A_1098 = arith.constant 1 : i32
        %get3A_1099 = arith.index_cast %get3A_1098 : i32 to index
        %get3A_1100 = arith.index_cast %scan3A_1040 : i32 to index
        %get3A_1101 = arith.constant 80 : index
        %get3A_1102 = tpu.vector_load %arg19[%get3A_1099, %get3A_1100, %get3A_1101] {strides = array<i32>} : memref<2x64x128xf32, #tpu.memory_space<vmem>>, vector<16xf32>,
        %mul3A_1103 = arith.mulf %get3A_1102, %gather3A_1042 : vector<16xf32>
        %swap3A_1104 = arith.constant 1 : i32
        %swap3A_1105 = arith.index_cast %swap3A_1104 : i32 to index
        %swap3A_1106 = arith.index_cast %scan3A_1040 : i32 to index
        %swap3A_1107 = arith.constant 80 : index
        %swap3A_1108 = tpu.vector_load %arg19[%swap3A_1105, %swap3A_1106, %swap3A_1107] {strides = array<i32>} : memref<2x64x128xf32, #tpu.memory_space<vmem>>, vector<16xf32>,
        tpu.vector_store %arg19[%swap3A_1105, %swap3A_1106, %swap3A_1107], %mul3A_1103 {strides = array<i32>} : memref<2x64x128xf32, #tpu.memory_space<vmem>>, vector<16xf32>,
        %get3A_1109 = arith.constant 1 : i32
        %get3A_1110 = arith.index_cast %get3A_1109 : i32 to index
        %get3A_1111 = arith.index_cast %scan3A_1040 : i32 to index
        %get3A_1112 = arith.constant 96 : index
        %get3A_1113 = tpu.vector_load %arg19[%get3A_1110, %get3A_1111, %get3A_1112] {strides = array<i32>} : memref<2x64x128xf32, #tpu.memory_space<vmem>>, vector<16xf32>,
        %mul3A_1114 = arith.mulf %get3A_1113, %gather3A_1042 : vector<16xf32>
        %swap3A_1115 = arith.constant 1 : i32
        %swap3A_1116 = arith.index_cast %swap3A_1115 : i32 to index
        %swap3A_1117 = arith.index_cast %scan3A_1040 : i32 to index
        %swap3A_1118 = arith.constant 96 : index
        %swap3A_1119 = tpu.vector_load %arg19[%swap3A_1116, %swap3A_1117, %swap3A_1118] {strides = array<i32>} : memref<2x64x128xf32, #tpu.memory_space<vmem>>, vector<16xf32>,
        tpu.vector_store %arg19[%swap3A_1116, %swap3A_1117, %swap3A_1118], %mul3A_1114 {strides = array<i32>} : memref<2x64x128xf32, #tpu.memory_space<vmem>>, vector<16xf32>,
        %get3A_1120 = arith.constant 1 : i32
        %get3A_1121 = arith.index_cast %get3A_1120 : i32 to index
        %get3A_1122 = arith.index_cast %scan3A_1040 : i32 to index
        %get3A_1123 = arith.constant 112 : index
        %get3A_1124 = tpu.vector_load %arg19[%get3A_1121, %get3A_1122, %get3A_1123] {strides = array<i32>} : memref<2x64x128xf32, #tpu.memory_space<vmem>>, vector<16xf32>,
        %mul3A_1125 = arith.mulf %get3A_1124, %gather3A_1042 : vector<16xf32>
        %swap3A_1126 = arith.constant 1 : i32
        %swap3A_1127 = arith.index_cast %swap3A_1126 : i32 to index
        %swap3A_1128 = arith.index_cast %scan3A_1040 : i32 to index
        %swap3A_1129 = arith.constant 112 : index
        %swap3A_1130 = tpu.vector_load %arg19[%swap3A_1127, %swap3A_1128, %swap3A_1129] {strides = array<i32>} : memref<2x64x128xf32, #tpu.memory_space<vmem>>, vector<16xf32>,
        tpu.vector_store %arg19[%swap3A_1127, %swap3A_1128, %swap3A_1129], %mul3A_1125 {strides = array<i32>} : memref<2x64x128xf32, #tpu.memory_space<vmem>>, vector<16xf32>,
      }
      %scan3A_1027 = arith.constant 64 : i32
      %dma_start3A_1028 = arith.constant 1 : i32
      %dma_start3A_1029 = arith.constant 3 : i32
      %dma_start3A_1030 = arith.constant 0 : i32
      %dma_start3A_1031 = arith.constant 0 : i32
      %dma_start3A_1032 = tpu.memref_slice %arg19[%dma_start3A_1028, %dma_start3A_1030, %dma_start3A_1031] : memref<2x64x128xf32, #tpu.memory_space<vmem>> -> memref<1x64x128xf32, #tpu.memory_space<vmem>>
      %dma_start3A_1033 = tpu.memref_squeeze %dma_start3A_1032 : memref<1x64x128xf32, #tpu.memory_space<vmem>> -> memref<64x128xf32, #tpu.memory_space<vmem>>
      %dma_start3A_1034 = arith.constant 0 : i32
      %dma_start3A_1035 = tpu.memref_slice %arg15[%dma_start3A_1029, %dma_start3A_1034] : memref<4x64xi32, #tpu.memory_space<vmem>> -> memref<1x64xi32, #tpu.memory_space<vmem>>
      %dma_start3A_1036 = tpu.memref_squeeze %dma_start3A_1035 : memref<1x64xi32, #tpu.memory_space<vmem>> -> memref<64xi32, #tpu.memory_space<vmem>>
      %dma_start3A_1037 = arith.constant 0 : i32
      %dma_start3A_1038 = arith.constant 0 : i32
      %dma_start3A_1039 = tpu.memref_slice %arg10[%dma_start3A_1037, %dma_start3A_1038] : memref<10240x128xf32, #tpu.memory_space<vmem_shared>> -> memref<10240x128xf32, #tpu.memory_space<vmem_shared>>
      tpu.enqueue_indirect_dma source(%dma_start3A_1033 : memref<64x128xf32, #tpu.memory_space<vmem>>) target(%dma_start3A_1039 : memref<10240x128xf32, #tpu.memory_space<vmem_shared>>) offsets(%dma_start3A_1036 : memref<64xi32, #tpu.memory_space<vmem>>) semaphore(%arg24 : memref<!tpu.dma_semaphore, #tpu.memory_space<semaphore_mem>>) {add = true}
    }
    %scan3A_194 = arith.constant 41 : i32
    %dma_wait3A_195 = arith.constant 1 : i32
    %dma_wait3A_196 = arith.constant 3 : i32
    %dma_wait3A_197 = arith.constant 0 : i32
    %dma_wait3A_198 = arith.constant 0 : i32
    %dma_wait3A_199 = tpu.memref_slice %arg19[%dma_wait3A_195, %dma_wait3A_197, %dma_wait3A_198] : memref<2x64x128xf32, #tpu.memory_space<vmem>> -> memref<1x64x128xf32, #tpu.memory_space<vmem>>
    %dma_wait3A_200 = tpu.memref_squeeze %dma_wait3A_199 : memref<1x64x128xf32, #tpu.memory_space<vmem>> -> memref<64x128xf32, #tpu.memory_space<vmem>>
    %dma_wait3A_201 = arith.constant 0 : i32
    %dma_wait3A_202 = tpu.memref_slice %arg15[%dma_wait3A_196, %dma_wait3A_201] : memref<4x64xi32, #tpu.memory_space<vmem>> -> memref<1x64xi32, #tpu.memory_space<vmem>>
    %dma_wait3A_203 = tpu.memref_squeeze %dma_wait3A_202 : memref<1x64xi32, #tpu.memory_space<vmem>> -> memref<64xi32, #tpu.memory_space<vmem>>
    %dma_wait3A_204 = arith.constant 0 : i32
    %dma_wait3A_205 = arith.constant 0 : i32
    %dma_wait3A_206 = tpu.memref_slice %arg10[%dma_wait3A_204, %dma_wait3A_205] : memref<10240x128xf32, #tpu.memory_space<vmem_shared>> -> memref<10240x128xf32, #tpu.memory_space<vmem_shared>>
    tpu.wait_indirect_dma semaphore(%arg24 : memref<!tpu.dma_semaphore, #tpu.memory_space<semaphore_mem>>) src(%dma_wait3A_200 : memref<64x128xf32, #tpu.memory_space<vmem>>) dst(%dma_wait3A_206 : memref<10240x128xf32, #tpu.memory_space<vmem_shared>>)
    %barrier3A_207 = arith.constant 0 : index
    tpu.barrier barrier_id(%barrier3A_207)
    "tpu.region"() ({
      %run_scoped3A_218 = tpu.sem_alloc : memref<!tpu.dma_semaphore, #tpu.memory_space<semaphore_mem>>
      %dma_start3A_219 = arith.constant 0 : i32
      %dma_start3A_220 = arith.constant 0 : i32
      %dma_start3A_221 = tpu.memref_slice %arg11[%dma_start3A_219, %dma_start3A_220] : memref<80x128xf32, #tpu.memory_space<vmem_shared>> -> memref<80x128xf32, #tpu.memory_space<vmem_shared>>
      tpu.enqueue_indirect_dma source(%arg17 : memref<80x128xf32, #tpu.memory_space<vmem>>) target(%dma_start3A_221 : memref<80x128xf32, #tpu.memory_space<vmem_shared>>) offsets(%arg18 : memref<80xi32, #tpu.memory_space<vmem>>) semaphore(%run_scoped3A_218 : memref<!tpu.dma_semaphore, #tpu.memory_space<semaphore_mem>>) {add = true}
      %dma_wait3A_222 = arith.constant 0 : i32
      %dma_wait3A_223 = arith.constant 0 : i32
      %dma_wait3A_224 = tpu.memref_slice %arg11[%dma_wait3A_222, %dma_wait3A_223] : memref<80x128xf32, #tpu.memory_space<vmem_shared>> -> memref<80x128xf32, #tpu.memory_space<vmem_shared>>
      tpu.wait_indirect_dma semaphore(%run_scoped3A_218 : memref<!tpu.dma_semaphore, #tpu.memory_space<semaphore_mem>>) src(%arg17 : memref<80x128xf32, #tpu.memory_space<vmem>>) dst(%dma_wait3A_224 : memref<80x128xf32, #tpu.memory_space<vmem_shared>>)
      tpu.yield
    }) : () -> ()
    %barrier3A_208 = arith.constant 0 : index
    tpu.barrier barrier_id(%barrier3A_208)
    %mul3A_209 = arith.constant 640 : i32
    %mul3A_210 = arith.muli %arg1, %mul3A_209 : i32
    %mul3A_211 = arith.constant 640 : i32
    %mul3A_212 = arith.muli %arg1, %mul3A_211 : i32
    "tpu.region"() ({
      %run_scoped3A_218 = tpu.sem_alloc : memref<!tpu.dma_semaphore, #tpu.memory_space<semaphore_mem>>
      %dma_start3A_219 = arith.constant 0 : i32
      %dma_start3A_220 = tpu.memref_slice %arg8[%arg0, %mul3A_212, %dma_start3A_219] : memref<2x10240x128xf32, #tpu.memory_space<hbm>> -> memref<1x640x128xf32, #tpu.memory_space<hbm>>
      %dma_start3A_221 = tpu.memref_squeeze %dma_start3A_220 : memref<1x640x128xf32, #tpu.memory_space<hbm>> -> memref<640x128xf32, #tpu.memory_space<hbm>>
      %dma_start3A_222 = arith.constant 0 : i32
      %dma_start3A_223 = tpu.memref_slice %arg10[%mul3A_210, %dma_start3A_222] : memref<10240x128xf32, #tpu.memory_space<vmem_shared>> -> memref<640x128xf32, #tpu.memory_space<vmem_shared>>
      tpu.enqueue_dma source(%dma_start3A_223 : memref<640x128xf32, #tpu.memory_space<vmem_shared>>) target(%dma_start3A_221 : memref<640x128xf32, #tpu.memory_space<hbm>>) target_semaphore(%run_scoped3A_218 : memref<!tpu.dma_semaphore, #tpu.memory_space<semaphore_mem>>)
      %dma_wait3A_224 = arith.constant 0 : i32
      %dma_wait3A_225 = tpu.memref_slice %arg8[%arg0, %mul3A_212, %dma_wait3A_224] : memref<2x10240x128xf32, #tpu.memory_space<hbm>> -> memref<1x640x128xf32, #tpu.memory_space<hbm>>
      %dma_wait3A_226 = tpu.memref_squeeze %dma_wait3A_225 : memref<1x640x128xf32, #tpu.memory_space<hbm>> -> memref<640x128xf32, #tpu.memory_space<hbm>>
      %dma_wait3A_227 = arith.constant 0 : i32
      %dma_wait3A_228 = tpu.memref_slice %arg10[%mul3A_210, %dma_wait3A_227] : memref<10240x128xf32, #tpu.memory_space<vmem_shared>> -> memref<640x128xf32, #tpu.memory_space<vmem_shared>>
      tpu.wait_dma2 semaphore(%run_scoped3A_218 : memref<!tpu.dma_semaphore, #tpu.memory_space<semaphore_mem>>) src(%dma_wait3A_228 : memref<640x128xf32, #tpu.memory_space<vmem_shared>>) dst(%dma_wait3A_226 : memref<640x128xf32, #tpu.memory_space<hbm>>)
      tpu.yield
    }) : () -> ()
    %eq3A_213 = arith.constant 0 : i32
    %eq3A_214 = arith.cmpi eq, %arg1, %eq3A_213 : i32
    %convert_element_type3A_215 = arith.extui %eq3A_214 : i1 to i32
    %cond3A_216 = arith.constant 0 : i32
    %cond3A_217 = arith.cmpi ne, %convert_element_type3A_215, %cond3A_216 : i32
    scf.if %cond3A_217 {
      "tpu.region"() ({
        %run_scoped3A_218 = tpu.sem_alloc : memref<!tpu.dma_semaphore, #tpu.memory_space<semaphore_mem>>
        %dma_start3A_219 = arith.constant 0 : i32
        %dma_start3A_220 = arith.constant 0 : i32
        %dma_start3A_221 = tpu.memref_slice %arg9[%arg0, %dma_start3A_219, %dma_start3A_220] : memref<2x80x128xf32, #tpu.memory_space<hbm>> -> memref<1x80x128xf32, #tpu.memory_space<hbm>>
        %dma_start3A_222 = tpu.memref_squeeze %dma_start3A_221 : memref<1x80x128xf32, #tpu.memory_space<hbm>> -> memref<80x128xf32, #tpu.memory_space<hbm>>
        tpu.enqueue_dma source(%arg11 : memref<80x128xf32, #tpu.memory_space<vmem_shared>>) target(%dma_start3A_222 : memref<80x128xf32, #tpu.memory_space<hbm>>) target_semaphore(%run_scoped3A_218 : memref<!tpu.dma_semaphore, #tpu.memory_space<semaphore_mem>>)
        %dma_wait3A_223 = arith.constant 0 : i32
        %dma_wait3A_224 = arith.constant 0 : i32
        %dma_wait3A_225 = tpu.memref_slice %arg9[%arg0, %dma_wait3A_223, %dma_wait3A_224] : memref<2x80x128xf32, #tpu.memory_space<hbm>> -> memref<1x80x128xf32, #tpu.memory_space<hbm>>
        %dma_wait3A_226 = tpu.memref_squeeze %dma_wait3A_225 : memref<1x80x128xf32, #tpu.memory_space<hbm>> -> memref<80x128xf32, #tpu.memory_space<hbm>>
        tpu.wait_dma2 semaphore(%run_scoped3A_218 : memref<!tpu.dma_semaphore, #tpu.memory_space<semaphore_mem>>) src(%arg11 : memref<80x128xf32, #tpu.memory_space<vmem_shared>>) dst(%dma_wait3A_226 : memref<80x128xf32, #tpu.memory_space<hbm>>)
        tpu.yield
      }) : () -> ()
    } else {
    }
    return
  }
}

module attributes {stable_mosaic.version = 14 : i64} {
  func.func @_stage1_body(%arg0: i32, %arg1: memref<1000x128xf32, #tpu.memory_space<vmem>>, %arg2: memref<128x128xf32, #tpu.memory_space<vmem>>, %arg3: memref<128x8xf32, #tpu.memory_space<vmem>>, %arg4: memref<128x8xf32, #tpu.memory_space<vmem>>, %arg5: memref<1000x128xf32, #tpu.memory_space<vmem>>, %arg6: memref<1000x8xf32, #tpu.memory_space<vmem>>, %arg7: memref<1000x8xf32, #tpu.memory_space<vmem>>, %arg8: memref<1x1xf32, #tpu.memory_space<smem>>, %arg9: memref<2xf32, #tpu.memory_space<smem>>) attributes {dimension_semantics = [#tpu.dimension_semantics<arbitrary>], iteration_bounds = array<i64: 10>, scalar_prefetch = 0 : i64, scratch_operands = 1 : i64, tpu.core_type = #tpu.core_type<tc>, window_params = [{transform_indices = @transform_0, window_bounds = array<i64: 1000, 128>}, {pipeline_mode = #tpu.pipeline_mode<synchronous>, transform_indices = @transform_1, window_bounds = array<i64: 128, 128>}, {pipeline_mode = #tpu.pipeline_mode<synchronous>, transform_indices = @transform_2, window_bounds = array<i64: 128, 8>}, {pipeline_mode = #tpu.pipeline_mode<synchronous>, transform_indices = @transform_3, window_bounds = array<i64: 128, 8>}, {transform_indices = @transform_4, window_bounds = array<i64: 1000, 128>}, {transform_indices = @transform_5, window_bounds = array<i64: 1000, 8>}, {transform_indices = @transform_6, window_bounds = array<i64: 1000, 8>}, {transform_indices = @transform_7, window_bounds = array<i64: 1, 1>}]} {
    %get3A = arith.constant 0 : index
    %get3A_0 = arith.constant 0 : index
    %get3A_1 = vector.load %arg1[%get3A, %get3A_0] : memref<1000x128xf32, #tpu.memory_space<vmem>>, vector<1000x128xf32>
    %get3A_2 = arith.constant 0 : index
    %get3A_3 = arith.constant 0 : index
    %get3A_4 = vector.load %arg2[%get3A_2, %get3A_3] : memref<128x128xf32, #tpu.memory_space<vmem>>, vector<128x128xf32>
    %dot_general3A = arith.constant dense<0.000000e+00> : vector<1000x128xf32>
    %dot_general3A_5 = tpu.matmul %get3A_1, %get3A_4, %dot_general3A {dimension_numbers = #tpu.dot_dimension_numbers<[1], [0], [0], [1], [0, 0, 1, 1], [], []>, transpose_lhs_hint = false} : vector<1000x128xf32>, vector<128x128xf32>, vector<1000x128xf32> -> vector<1000x128xf32>
    %swap3A = arith.constant 0 : index
    %swap3A_6 = arith.constant 0 : index
    %swap3A_7 = vector.load %arg5[%swap3A, %swap3A_6] : memref<1000x128xf32, #tpu.memory_space<vmem>>, vector<1000x128xf32>
    tpu.vector_store %arg5[%swap3A, %swap3A_6], %dot_general3A_5 {strides = array<i32>} : memref<1000x128xf32, #tpu.memory_space<vmem>>, vector<1000x128xf32>,
    %get3A_8 = arith.constant 0 : index
    %get3A_9 = arith.constant 0 : index
    %get3A_10 = vector.load %arg3[%get3A_8, %get3A_9] : memref<128x8xf32, #tpu.memory_space<vmem>>, vector<128x8xf32>
    %dot_general3A_11 = arith.constant dense<0.000000e+00> : vector<1000x8xf32>
    %dot_general3A_12 = tpu.matmul %dot_general3A_5, %get3A_10, %dot_general3A_11 {dimension_numbers = #tpu.dot_dimension_numbers<[1], [0], [0], [1], [0, 0, 1, 1], [], []>, transpose_lhs_hint = false} : vector<1000x128xf32>, vector<128x8xf32>, vector<1000x8xf32> -> vector<1000x8xf32>
    %get3A_13 = arith.constant 0 : index
    %get3A_14 = arith.constant 0 : index
    %get3A_15 = vector.load %arg4[%get3A_13, %get3A_14] : memref<128x8xf32, #tpu.memory_space<vmem>>, vector<128x8xf32>
    %dot_general3A_16 = arith.constant dense<0.000000e+00> : vector<1000x8xf32>
    %dot_general3A_17 = tpu.matmul %dot_general3A_5, %get3A_15, %dot_general3A_16 {dimension_numbers = #tpu.dot_dimension_numbers<[1], [0], [0], [1], [0, 0, 1, 1], [], []>, transpose_lhs_hint = false} : vector<1000x128xf32>, vector<128x8xf32>, vector<1000x8xf32> -> vector<1000x8xf32>
    %swap3A_18 = arith.constant 0 : index
    %swap3A_19 = arith.constant 0 : index
    %swap3A_20 = vector.load %arg6[%swap3A_18, %swap3A_19] : memref<1000x8xf32, #tpu.memory_space<vmem>>, vector<1000x8xf32>
    tpu.vector_store %arg6[%swap3A_18, %swap3A_19], %dot_general3A_12 {strides = array<i32>} : memref<1000x8xf32, #tpu.memory_space<vmem>>, vector<1000x8xf32>,
    %swap3A_21 = arith.constant 0 : index
    %swap3A_22 = arith.constant 0 : index
    %swap3A_23 = vector.load %arg7[%swap3A_21, %swap3A_22] : memref<1000x8xf32, #tpu.memory_space<vmem>>, vector<1000x8xf32>
    tpu.vector_store %arg7[%swap3A_21, %swap3A_22], %dot_general3A_17 {strides = array<i32>} : memref<1000x8xf32, #tpu.memory_space<vmem>>, vector<1000x8xf32>,
    %eq3A = arith.constant 0 : i32
    %eq3A_24 = arith.cmpi eq, %arg0, %eq3A : i32
    %convert_element_type3A = arith.extui %eq3A_24 : i1 to i32
    %cond3A = arith.constant 0 : i32
    %cond3A_25 = arith.cmpi ne, %convert_element_type3A, %cond3A : i32
    scf.if %cond3A_25 {
      %swap3A_49 = arith.constant 0xFF800000 : f32
      %swap3A_50 = arith.constant 0 : index
      %swap3A_51 = memref.load %arg9[%swap3A_50] : memref<2xf32, #tpu.memory_space<smem>>
      memref.store %swap3A_49, %arg9[%swap3A_50] : memref<2xf32, #tpu.memory_space<smem>>
      %swap3A_52 = arith.constant 0xFF800000 : f32
      %swap3A_53 = arith.constant 1 : index
      %swap3A_54 = memref.load %arg9[%swap3A_53] : memref<2xf32, #tpu.memory_space<smem>>
      memref.store %swap3A_52, %arg9[%swap3A_53] : memref<2xf32, #tpu.memory_space<smem>>
    } else {
    }
    %get3A_26 = arith.constant 0 : index
    %get3A_27 = memref.load %arg9[%get3A_26] : memref<2xf32, #tpu.memory_space<smem>>
    %reduce_max3A = vector.shape_cast %dot_general3A_12 : vector<1000x8xf32> to vector<1x1000x8xf32>
    %reduce_max3A_28 = arith.constant dense<0xFF800000> : vector<1xf32>
    %reduce_max3A_29 = vector.multi_reduction <maximumf>, %reduce_max3A, %reduce_max3A_28 [1, 2] : vector<1x1000x8xf32> to vector<1xf32>
    %reduce_max3A_30 = vector.shape_cast %reduce_max3A_29 : vector<1xf32> to vector<1x1x1xf32>
    %reduce_max3A_31 = vector.extract %reduce_max3A_30[0, 0, 0] : f32 from vector<1x1x1xf32>
    %max3A = arith.maximumf %get3A_27, %reduce_max3A_31 : f32
    %swap3A_32 = arith.constant 0 : index
    %swap3A_33 = memref.load %arg9[%swap3A_32] : memref<2xf32, #tpu.memory_space<smem>>
    memref.store %max3A, %arg9[%swap3A_32] : memref<2xf32, #tpu.memory_space<smem>>
    %get3A_34 = arith.constant 1 : index
    %get3A_35 = memref.load %arg9[%get3A_34] : memref<2xf32, #tpu.memory_space<smem>>
    %reduce_max3A_36 = vector.shape_cast %dot_general3A_17 : vector<1000x8xf32> to vector<1x1000x8xf32>
    %reduce_max3A_37 = arith.constant dense<0xFF800000> : vector<1xf32>
    %reduce_max3A_38 = vector.multi_reduction <maximumf>, %reduce_max3A_36, %reduce_max3A_37 [1, 2] : vector<1x1000x8xf32> to vector<1xf32>
    %reduce_max3A_39 = vector.shape_cast %reduce_max3A_38 : vector<1xf32> to vector<1x1x1xf32>
    %reduce_max3A_40 = vector.extract %reduce_max3A_39[0, 0, 0] : f32 from vector<1x1x1xf32>
    %max3A_41 = arith.maximumf %get3A_35, %reduce_max3A_40 : f32
    %swap3A_42 = arith.constant 1 : index
    %swap3A_43 = memref.load %arg9[%swap3A_42] : memref<2xf32, #tpu.memory_space<smem>>
    memref.store %max3A_41, %arg9[%swap3A_42] : memref<2xf32, #tpu.memory_space<smem>>
    %eq3A_44 = arith.constant 9 : i32
    %eq3A_45 = arith.cmpi eq, %arg0, %eq3A_44 : i32
    %convert_element_type3A_46 = arith.extui %eq3A_45 : i1 to i32
    %cond3A_47 = arith.constant 0 : i32
    %cond3A_48 = arith.cmpi ne, %convert_element_type3A_46, %cond3A_47 : i32
    scf.if %cond3A_48 {
      %get3A_49 = arith.constant 0 : index
      %get3A_50 = memref.load %arg9[%get3A_49] : memref<2xf32, #tpu.memory_space<smem>>
      %get3A_51 = arith.constant 1 : index
      %get3A_52 = memref.load %arg9[%get3A_51] : memref<2xf32, #tpu.memory_space<smem>>
      %add3A = arith.addf %get3A_50, %get3A_52 : f32
      %ge3A = arith.constant 0.000000e+00 : f32
      %ge3A_53 = arith.cmpf oge, %add3A, %ge3A : f32
      %mul3A = arith.constant 2.000000e-01 : f32
      %mul3A_54 = arith.mulf %mul3A, %add3A : f32
      %select_n3A = arith.select %ge3A_53, %add3A, %mul3A_54 : f32
      %swap3A_55 = arith.constant 0 : index
      %swap3A_56 = arith.constant 0 : index
      %swap3A_57 = memref.load %arg8[%swap3A_55, %swap3A_56] : memref<1x1xf32, #tpu.memory_space<smem>>
      memref.store %select_n3A, %arg8[%swap3A_55, %swap3A_56] : memref<1x1xf32, #tpu.memory_space<smem>>
    } else {
    }
    return
  }
  func.func @transform_0(%arg0: i32) -> (i32, i32) {
    %c0_i32 = arith.constant 0 : i32
    %c0_i32_0 = arith.constant 0 : i32
    return %arg0, %c0_i32 : i32, i32
  }
  func.func @transform_1(%arg0: i32) -> (i32, i32) {
    %c0_i32 = arith.constant 0 : i32
    %c0_i32_0 = arith.constant 0 : i32
    %c0_i32_1 = arith.constant 0 : i32
    return %c0_i32, %c0_i32_0 : i32, i32
  }
  func.func @transform_2(%arg0: i32) -> (i32, i32) {
    %c0_i32 = arith.constant 0 : i32
    %c0_i32_0 = arith.constant 0 : i32
    %c0_i32_1 = arith.constant 0 : i32
    return %c0_i32, %c0_i32_0 : i32, i32
  }
  func.func @transform_3(%arg0: i32) -> (i32, i32) {
    %c0_i32 = arith.constant 0 : i32
    %c0_i32_0 = arith.constant 0 : i32
    %c0_i32_1 = arith.constant 0 : i32
    return %c0_i32, %c0_i32_0 : i32, i32
  }
  func.func @transform_4(%arg0: i32) -> (i32, i32) {
    %c0_i32 = arith.constant 0 : i32
    %c0_i32_0 = arith.constant 0 : i32
    return %arg0, %c0_i32 : i32, i32
  }
  func.func @transform_5(%arg0: i32) -> (i32, i32) {
    %c0_i32 = arith.constant 0 : i32
    %c0_i32_0 = arith.constant 0 : i32
    return %arg0, %c0_i32 : i32, i32
  }
  func.func @transform_6(%arg0: i32) -> (i32, i32) {
    %c0_i32 = arith.constant 0 : i32
    %c0_i32_0 = arith.constant 0 : i32
    return %arg0, %c0_i32 : i32, i32
  }
  func.func @transform_7(%arg0: i32) -> (i32, i32) {
    %c0_i32 = arith.constant 0 : i32
    %c0_i32_0 = arith.constant 0 : i32
    %c0_i32_1 = arith.constant 0 : i32
    return %c0_i32, %c0_i32_0 : i32, i32
  }
}

module attributes {stable_mosaic.version = 14 : i64} {
  func.func @_stage3_body(%arg0: i32, %arg1: memref<1024x128xf32, #tpu.memory_space<vmem>>, %arg2: memref<1024x128xf32, #tpu.memory_space<vmem>>, %arg3: memref<1024x1xf32, #tpu.memory_space<vmem>>, %arg4: memref<1024x1xf32, #tpu.memory_space<vmem>>, %arg5: memref<1x8x1024xi32, #tpu.memory_space<vmem>>, %arg6: memref<1x128xf32, #tpu.memory_space<vmem>>, %arg7: memref<128x128xf32, #tpu.memory_space<vmem>>, %arg8: memref<1x128xf32, #tpu.memory_space<vmem>>, %arg9: memref<64x128xf32, #tpu.memory_space<vmem>>, %arg10: memref<64x128xf32, #tpu.memory_space<vmem>>, %arg11: memref<64x128xf32, #tpu.memory_space<vmem>>) attributes {dimension_semantics = [#tpu.dimension_semantics<arbitrary>], iteration_bounds = array<i64: 10>, scalar_prefetch = 0 : i64, scratch_operands = 2 : i64, tpu.core_type = #tpu.core_type<tc>, window_params = [{transform_indices = @transform_0, window_bounds = array<i64: 1024, 128>}, {transform_indices = @transform_1, window_bounds = array<i64: 1024, 128>}, {transform_indices = @transform_2, window_bounds = array<i64: 1024, 1>}, {transform_indices = @transform_3, window_bounds = array<i64: 1024, 1>}, {transform_indices = @transform_4, window_bounds = array<i64: 1, 8, 1024>}, {pipeline_mode = #tpu.pipeline_mode<synchronous>, transform_indices = @transform_5, window_bounds = array<i64: 1, 128>}, {pipeline_mode = #tpu.pipeline_mode<synchronous>, transform_indices = @transform_6, window_bounds = array<i64: 128, 128>}, {pipeline_mode = #tpu.pipeline_mode<synchronous>, transform_indices = @transform_7, window_bounds = array<i64: 1, 128>}, {pipeline_mode = #tpu.pipeline_mode<synchronous>, transform_indices = @transform_8, window_bounds = array<i64: 64, 128>}]} {
    %get3A = arith.constant 0 : index
    %get3A_0 = arith.constant 0 : index
    %get3A_1 = vector.load %arg1[%get3A, %get3A_0] : memref<1024x128xf32, #tpu.memory_space<vmem>>, vector<1024x128xf32>
    %get3A_2 = arith.constant 0 : index
    %get3A_3 = arith.constant 0 : index
    %get3A_4 = vector.load %arg2[%get3A_2, %get3A_3] : memref<1024x128xf32, #tpu.memory_space<vmem>>, vector<1024x128xf32>
    %add3A = arith.addf %get3A_1, %get3A_4 : vector<1024x128xf32>
    %get3A_5 = arith.constant 0 : index
    %get3A_6 = arith.constant 0 : index
    %get3A_7 = vector.load %arg3[%get3A_5, %get3A_6] : memref<1024x1xf32, #tpu.memory_space<vmem>>, vector<1024x1xf32>
    %get3A_8 = arith.constant 0 : index
    %get3A_9 = arith.constant 0 : index
    %get3A_10 = vector.load %arg4[%get3A_8, %get3A_9] : memref<1024x1xf32, #tpu.memory_space<vmem>>, vector<1024x1xf32>
    %add3A_11 = arith.addf %get3A_7, %get3A_10 : vector<1024x1xf32>
    %broadcast_in_dim3A = vector.shape_cast %add3A_11 : vector<1024x1xf32> to vector<1024x1xf32>
    %broadcast_in_dim3A_12 = vector.broadcast %broadcast_in_dim3A : vector<1024x1xf32> to vector<1024x128xf32>
    %max3A = arith.constant 1.000000e-30 : f32
    %max3A_13 = vector.broadcast %max3A : f32 to vector<1024x128xf32>
    %max3A_14 = arith.maximumf %broadcast_in_dim3A_12, %max3A_13 : vector<1024x128xf32>
    %div3A = arith.divf %add3A, %max3A_14 : vector<1024x128xf32>
    %get3A_15 = arith.constant 0 : index
    %get3A_16 = arith.constant 0 : index
    %get3A_17 = vector.load %arg6[%get3A_15, %get3A_16] : memref<1x128xf32, #tpu.memory_space<vmem>>, vector<1x128xf32>
    %add3A_18 = vector.broadcast %get3A_17 : vector<1x128xf32> to vector<1024x128xf32>
    %add3A_19 = arith.addf %div3A, %add3A_18 : vector<1024x128xf32>
    %max3A_20 = arith.constant 0.000000e+00 : f32
    %max3A_21 = vector.broadcast %max3A_20 : f32 to vector<1024x128xf32>
    %max3A_22 = arith.maximumf %add3A_19, %max3A_21 : vector<1024x128xf32>
    %get3A_23 = arith.constant 0 : index
    %get3A_24 = arith.constant 0 : index
    %get3A_25 = arith.constant 0 : index
    %get3A_26 = vector.load %arg5[%get3A_23, %get3A_24, %get3A_25] : memref<1x8x1024xi32, #tpu.memory_space<vmem>>, vector<1x1x1024xi32>
    %get3A_27 = vector.shape_cast %get3A_26 : vector<1x1x1024xi32> to vector<1x1024xi32>
    %iota3A = tpu.iota {dimensions = array<i32: 0>} : vector<64x1024xi32>
    %eq3A = vector.broadcast %get3A_27 : vector<1x1024xi32> to vector<64x1024xi32>
    %eq3A_28 = arith.cmpi eq, %iota3A, %eq3A : vector<64x1024xi32>
    %convert_element_type3A = arith.extui %eq3A_28 : vector<64x1024xi1> to vector<64x1024xi32>
    %convert_element_type3A_29 = arith.sitofp %convert_element_type3A : vector<64x1024xi32> to vector<64x1024xf32>
    %dot_general3A = arith.constant dense<0.000000e+00> : vector<64x128xf32>
    %dot_general3A_30 = tpu.matmul %convert_element_type3A_29, %max3A_22, %dot_general3A {dimension_numbers = #tpu.dot_dimension_numbers<[1], [0], [0], [1], [0, 0, 1, 1], [], []>, transpose_lhs_hint = false} : vector<64x1024xf32>, vector<1024x128xf32>, vector<64x128xf32> -> vector<64x128xf32>
    %reduce_sum3A = arith.constant dense<0.000000e+00> : vector<64xf32>
    %reduce_sum3A_31 = vector.multi_reduction <add>, %convert_element_type3A_29, %reduce_sum3A [1] : vector<64x1024xf32> to vector<64xf32>
    %broadcast_in_dim3A_32 = vector.shape_cast %reduce_sum3A_31 : vector<64xf32> to vector<64x1xf32>
    %eq3A_33 = arith.constant 0 : i32
    %eq3A_34 = arith.cmpi eq, %arg0, %eq3A_33 : i32
    %convert_element_type3A_35 = arith.extui %eq3A_34 : i1 to i32
    %cond3A = arith.constant 0 : i32
    %cond3A_36 = arith.cmpi ne, %convert_element_type3A_35, %cond3A : i32
    scf.if %cond3A_36 {
      %broadcast_in_dim3A_57 = arith.constant 0.000000e+00 : f32
      %broadcast_in_dim3A_58 = vector.broadcast %broadcast_in_dim3A_57 : f32 to vector<64x128xf32>
      %swap3A_59 = arith.constant 0 : index
      %swap3A_60 = arith.constant 0 : index
      %swap3A_61 = vector.load %arg10[%swap3A_59, %swap3A_60] : memref<64x128xf32, #tpu.memory_space<vmem>>, vector<64x128xf32>
      tpu.vector_store %arg10[%swap3A_59, %swap3A_60], %broadcast_in_dim3A_58 {strides = array<i32>} : memref<64x128xf32, #tpu.memory_space<vmem>>, vector<64x128xf32>,
      %broadcast_in_dim3A_62 = arith.constant 0.000000e+00 : f32
      %broadcast_in_dim3A_63 = vector.broadcast %broadcast_in_dim3A_62 : f32 to vector<64x128xf32>
      %swap3A_64 = arith.constant 0 : index
      %swap3A_65 = arith.constant 0 : index
      %swap3A_66 = vector.load %arg11[%swap3A_64, %swap3A_65] : memref<64x128xf32, #tpu.memory_space<vmem>>, vector<64x128xf32>
      tpu.vector_store %arg11[%swap3A_64, %swap3A_65], %broadcast_in_dim3A_63 {strides = array<i32>} : memref<64x128xf32, #tpu.memory_space<vmem>>, vector<64x128xf32>,
    } else {
    }
    %get3A_37 = arith.constant 0 : index
    %get3A_38 = arith.constant 0 : index
    %get3A_39 = vector.load %arg10[%get3A_37, %get3A_38] : memref<64x128xf32, #tpu.memory_space<vmem>>, vector<64x128xf32>
    %add3A_40 = arith.addf %get3A_39, %dot_general3A_30 : vector<64x128xf32>
    %swap3A = arith.constant 0 : index
    %swap3A_41 = arith.constant 0 : index
    %swap3A_42 = vector.load %arg10[%swap3A, %swap3A_41] : memref<64x128xf32, #tpu.memory_space<vmem>>, vector<64x128xf32>
    tpu.vector_store %arg10[%swap3A, %swap3A_41], %add3A_40 {strides = array<i32>} : memref<64x128xf32, #tpu.memory_space<vmem>>, vector<64x128xf32>,
    %get3A_43 = arith.constant 0 : index
    %get3A_44 = arith.constant 0 : index
    %get3A_45 = vector.load %arg11[%get3A_43, %get3A_44] : memref<64x128xf32, #tpu.memory_space<vmem>>, vector<64x128xf32>
    %broadcast_in_dim3A_46 = vector.shape_cast %broadcast_in_dim3A_32 : vector<64x1xf32> to vector<64x1xf32>
    %broadcast_in_dim3A_47 = vector.broadcast %broadcast_in_dim3A_46 : vector<64x1xf32> to vector<64x128xf32>
    %add3A_48 = arith.addf %get3A_45, %broadcast_in_dim3A_47 : vector<64x128xf32>
    %swap3A_49 = arith.constant 0 : index
    %swap3A_50 = arith.constant 0 : index
    %swap3A_51 = vector.load %arg11[%swap3A_49, %swap3A_50] : memref<64x128xf32, #tpu.memory_space<vmem>>, vector<64x128xf32>
    tpu.vector_store %arg11[%swap3A_49, %swap3A_50], %add3A_48 {strides = array<i32>} : memref<64x128xf32, #tpu.memory_space<vmem>>, vector<64x128xf32>,
    %eq3A_52 = arith.constant 9 : i32
    %eq3A_53 = arith.cmpi eq, %arg0, %eq3A_52 : i32
    %convert_element_type3A_54 = arith.extui %eq3A_53 : i1 to i32
    %cond3A_55 = arith.constant 0 : i32
    %cond3A_56 = arith.cmpi ne, %convert_element_type3A_54, %cond3A_55 : i32
    scf.if %cond3A_56 {
      %get3A_57 = arith.constant 0 : index
      %get3A_58 = arith.constant 0 : index
      %get3A_59 = vector.load %arg10[%get3A_57, %get3A_58] : memref<64x128xf32, #tpu.memory_space<vmem>>, vector<64x128xf32>
      %get3A_60 = arith.constant 0 : index
      %get3A_61 = arith.constant 0 : index
      %get3A_62 = vector.load %arg11[%get3A_60, %get3A_61] : memref<64x128xf32, #tpu.memory_space<vmem>>, vector<64x128xf32>
      %max3A_63 = arith.constant 1.000000e+00 : f32
      %max3A_64 = vector.broadcast %max3A_63 : f32 to vector<64x128xf32>
      %max3A_65 = arith.maximumf %get3A_62, %max3A_64 : vector<64x128xf32>
      %div3A_66 = arith.divf %get3A_59, %max3A_65 : vector<64x128xf32>
      %get3A_67 = arith.constant 0 : index
      %get3A_68 = arith.constant 0 : index
      %get3A_69 = vector.load %arg7[%get3A_67, %get3A_68] : memref<128x128xf32, #tpu.memory_space<vmem>>, vector<128x128xf32>
      %dot_general3A_70 = arith.constant dense<0.000000e+00> : vector<64x128xf32>
      %dot_general3A_71 = tpu.matmul %div3A_66, %get3A_69, %dot_general3A_70 {dimension_numbers = #tpu.dot_dimension_numbers<[1], [0], [0], [1], [0, 0, 1, 1], [], []>, transpose_lhs_hint = false} : vector<64x128xf32>, vector<128x128xf32>, vector<64x128xf32> -> vector<64x128xf32>
      %get3A_72 = arith.constant 0 : index
      %get3A_73 = arith.constant 0 : index
      %get3A_74 = vector.load %arg8[%get3A_72, %get3A_73] : memref<1x128xf32, #tpu.memory_space<vmem>>, vector<1x128xf32>
      %add3A_75 = vector.broadcast %get3A_74 : vector<1x128xf32> to vector<64x128xf32>
      %add3A_76 = arith.addf %dot_general3A_71, %add3A_75 : vector<64x128xf32>
      %swap3A_77 = arith.constant 0 : index
      %swap3A_78 = arith.constant 0 : index
      %swap3A_79 = vector.load %arg9[%swap3A_77, %swap3A_78] : memref<64x128xf32, #tpu.memory_space<vmem>>, vector<64x128xf32>
      tpu.vector_store %arg9[%swap3A_77, %swap3A_78], %add3A_76 {strides = array<i32>} : memref<64x128xf32, #tpu.memory_space<vmem>>, vector<64x128xf32>,
    } else {
    }
    return
  }
  func.func @transform_0(%arg0: i32) -> (i32, i32) {
    %c0_i32 = arith.constant 0 : i32
    %c0_i32_0 = arith.constant 0 : i32
    return %arg0, %c0_i32 : i32, i32
  }
  func.func @transform_1(%arg0: i32) -> (i32, i32) {
    %c0_i32 = arith.constant 0 : i32
    %c0_i32_0 = arith.constant 0 : i32
    return %arg0, %c0_i32 : i32, i32
  }
  func.func @transform_2(%arg0: i32) -> (i32, i32) {
    %c0_i32 = arith.constant 0 : i32
    %c0_i32_0 = arith.constant 0 : i32
    return %arg0, %c0_i32 : i32, i32
  }
  func.func @transform_3(%arg0: i32) -> (i32, i32) {
    %c0_i32 = arith.constant 0 : i32
    %c0_i32_0 = arith.constant 0 : i32
    return %arg0, %c0_i32 : i32, i32
  }
  func.func @transform_4(%arg0: i32) -> (i32, i32, i32) {
    %c0_i32 = arith.constant 0 : i32
    %c0_i32_0 = arith.constant 0 : i32
    %c0_i32_1 = arith.constant 0 : i32
    return %arg0, %c0_i32, %c0_i32_0 : i32, i32, i32
  }
  func.func @transform_5(%arg0: i32) -> (i32, i32) {
    %c0_i32 = arith.constant 0 : i32
    %c0_i32_0 = arith.constant 0 : i32
    %c0_i32_1 = arith.constant 0 : i32
    return %c0_i32, %c0_i32_0 : i32, i32
  }
  func.func @transform_6(%arg0: i32) -> (i32, i32) {
    %c0_i32 = arith.constant 0 : i32
    %c0_i32_0 = arith.constant 0 : i32
    %c0_i32_1 = arith.constant 0 : i32
    return %c0_i32, %c0_i32_0 : i32, i32
  }
  func.func @transform_7(%arg0: i32) -> (i32, i32) {
    %c0_i32 = arith.constant 0 : i32
    %c0_i32_0 = arith.constant 0 : i32
    %c0_i32_1 = arith.constant 0 : i32
    return %c0_i32, %c0_i32_0 : i32, i32
  }
  func.func @transform_8(%arg0: i32) -> (i32, i32) {
    %c0_i32 = arith.constant 0 : i32
    %c0_i32_0 = arith.constant 0 : i32
    %c0_i32_1 = arith.constant 0 : i32
    return %c0_i32, %c0_i32_0 : i32, i32
  }
}

</mosaic_0001>

<sc_bundles>
// kernel: kernel.5.cloned.1.call-start
scs
__scs_entry_jumppad:
0x0: {  	(pc) =	sbr.rel $0x88, $3  }
0x1: {  	(tag) =	ssettag $0x0;
	lr =	simm.s32 $0x1  }
0x2: {  	[smem:$0x3F98] =	sst lr;
	_ =	strace $0xD0000000  }
0x3: {  	_ = 	snop  }
0x4: {  	_ = 	snop  }
0x5: {  	_ = 	snop  }
0x6: {  	_ = 	snop  }
0x7: {  	_ = 	snop  }
__scs_overlays_trampoline_lowered:
0x8: {  	[smem:$0x3FA7] =	sst s0  }
0x9: {  	[smem:$0x3FA8] =	sst s1  }
0xa: {  	[smem:$0x3FA9] =	sst s2  }
0xb: {  	[smem:$0x3FAA] =	sst s3  }
0xc: {  	[smem:$0x3FAB] =	sst s4  }
0xd: {  	[smem:$0x3FAC] =	sst s5  }
0xe: {  	[smem:$0x3FAD] =	sst s6  }
0xf: {  	[smem:$0x3FAE] =	sst s7  }
0x10: {  	[smem:$0x3FAF] =	sst s8  }
0x11: {  	[smem:$0x3FB0] =	sst s9;
	s0 =	simm.s32 @!p0 $0x0  }
0x12: {  	s1 =	sld [smem:$0x3F96];
	s0 =	simm.s32 @p0 $0x1  }
0x13: {  	[smem:$0x3FB1] =	sst s0;
	s0 =	simm.s32 @!p1 $0x0  }
0x14: {  	s2 =	sld [smem:$0x3F95];
	s0 =	simm.s32 @p1 $0x1  }
0x15: {  	[smem:$0x3FB2] =	sst s0;
	s0 =	simm.s32 @!p2 $0x0  }
0x16: {  	s3 =	sld [smem:$0x3FDB];
	s0 =	simm.s32 @p2 $0x1  }
0x17: {  	s4 =	simm.s32 $0x1BF5;
	[smem:$0x3FB4] =	sst s0  }
0x18: {  	s0 =	sld [smem:$0x3F97];
	_ =	swait.ge [sflag:s4], $0x0  }
0x19: {  	s7 =	sld [smem:$0x3F98]  }
0x1a: {  	s8 =	sadd.s32 $0xFFFFE003, lr  }
0x1b: {  	s9 =	sadd.s32 $0xFFFFFEF7, lr;
	s5 =	simm.s32 $0xFFFFFFFF;
	p2 =	slt.u32 s8, $0xFFFFF086  }
0x1c: {  	p1 =	slt.u32 s9, $0xF7A;
	s5 =	simm.s32 @!p2 $0x0  }
0x1d: {  	s5 =	simm.s32 @p1 $0x1;
	p0 =	seq.s32 s7, s2  }
0x1e: {  	s7 =	smul.u32 @!p0 $0xF7A, s2;
	p2 =	seq.s32 @!p0 s5, $0x0  }
0x1f: {  	s9 =	smul.u32 $0xF7A, s1;
	s8 =	simm.s32 @!p0 $0x1BF5;
	p2 =	por !p2, p0  }
0x20: {  	[sflag:s8] =	ssyncset.s32 @!p0 $0xFFFFF086;
	s6 =	sadd.s32 @!p0 s3, s7;
	s7 =	simm.s32 @!p0 $0x108  }
0x21: {  	s3 =	sadd.s32 s3, s9;
	s6 =	sadd.s32 @!p0 $0x88, s6;
	s7 =	simm.s32 @p2 $0x1082  }
0x22: {  	[simem:s7], [sflag:s8] =	dma.local @!p0 [hbm:s6], $0xF7A  }
0x23: {  	s9 =	sor.u32 $0xD0000000, s2;
	s6 =	simm.s32 $0x108;
	_ =	swait.ge @!p0 [sflag:s8], $0x0  }
0x24: {  	s3 =	sadd.s32 $0x88, s3;
	s6 =	simm.s32 @!p1 $0x1082;
	[sflag:s4] =	ssyncset.s32 $0xFFFFF086  }
0x25: {  	[simem:s6], [sflag:s4] =	dma.local [hbm:s3], $0xF7A  }
0x26: {  	[smem:$0x3F98] =	sst s1;
	(tag) =	ssettag s2;
	_ =	strace s9  }
0x27: {  	s1 =	sld [smem:$0x3FA8]  }
0x28: {  	s2 =	sld [smem:$0x3FA9]  }
0x29: {  	s4 =	sld [smem:$0x3FAB]  }
0x2a: {  	p0 =	seq.s32 s5, $0x0;
	s5 =	sld [smem:$0x3FAC]  }
0x2b: {  	s6 =	sld [smem:$0x3FAD]  }
0x2c: {  	s7 =	sld [smem:$0x3FAE]  }
0x2d: {  	s3 =	simm.s32 $0x108;
	s8 =	sld [smem:$0x3FAF]  }
0x2e: {  	s3 =	simm.s32 @!p0 $0x1082;
	s9 =	sld [smem:$0x3FB0]  }
0x2f: {  	lr =	sadd.s32 s0, s3;
	s0 =	sld [smem:$0x3FA7]  }
0x30: {  	s3 =	sld [smem:$0x3FAA]  }
0x31: {  	[smem:$0x3FB3] =	sst s10  }
0x32: {  	s10 =	sld [smem:$0x3FB1];
	_ =	sdelay $0x3  }
0x33: {  	p0 =	seq.s32 s10, $0x1;
	s10 =	sld [smem:$0x3FB3];
	_ =	sdelay $0x3  }
0x34: {  	[smem:$0x3FB3] =	sst s10  }
0x35: {  	s10 =	sld [smem:$0x3FB2];
	_ =	sdelay $0x3  }
0x36: {  	p1 =	seq.s32 s10, $0x1;
	s10 =	sld [smem:$0x3FB3];
	_ =	sdelay $0x3  }
0x37: {  	[smem:$0x3FB3] =	sst s10  }
0x38: {  	s10 =	sld [smem:$0x3FB4]  }
0x39: {  	_ = 	snop;
	(pc) =	sbr.ind lr, $3  }
0x3a: {  	_ = 	snop  }
0x3b: {  	_ = 	snop  }
0x3c: {  	p2 =	seq.s32 s10, $0x1;
	s10 =	sld [smem:$0x3FB3]  }
0x3d: {  	_ =	shalt  }
0x3e: {  	_ =	shalt  }
0x3f: {  	_ =	shalt  }
0x40: {  	_ =	shalt  }
0x41: {  	_ =	shalt  }
0x42: {  	_ =	shalt  }
0x43: {  	_ =	shalt  }
0x44: {  	_ =	shalt  }
0x45: {  	_ =	shalt  }
0x46: {  	_ =	shalt  }
0x47: {  	_ =	shalt  }
0x48: {  	_ =	shalt  }
0x49: {  	_ =	shalt  }
0x4a: {  	_ =	shalt  }
0x4b: {  	_ =	shalt  }
0x4c: {  	_ =	shalt  }
0x4d: {  	_ =	shalt  }
0x4e: {  	_ =	shalt  }
0x4f: {  	_ =	shalt  }
0x50: {  	_ =	shalt  }
0x51: {  	_ =	shalt  }
0x52: {  	_ =	shalt  }
0x53: {  	_ =	shalt  }
0x54: {  	_ =	shalt  }
0x55: {  	_ =	shalt  }
0x56: {  	_ =	shalt  }
0x57: {  	_ =	shalt  }
0x58: {  	_ =	shalt  }
0x59: {  	_ =	shalt  }
0x5a: {  	_ =	shalt  }
0x5b: {  	_ =	shalt  }
0x5c: {  	_ =	shalt  }
0x5d: {  	_ =	shalt  }
0x5e: {  	_ =	shalt  }
0x5f: {  	_ =	shalt  }
0x60: {  	_ =	shalt  }
0x61: {  	_ =	shalt  }
0x62: {  	_ =	shalt  }
0x63: {  	_ =	shalt  }
0x64: {  	_ =	shalt  }
0x65: {  	_ =	shalt  }
0x66: {  	_ =	shalt  }
0x67: {  	_ =	shalt  }
0x68: {  	_ =	shalt  }
0x69: {  	_ =	shalt  }
0x6a: {  	_ =	shalt  }
0x6b: {  	_ =	shalt  }
0x6c: {  	_ =	shalt  }
0x6d: {  	_ =	shalt  }
0x6e: {  	_ =	shalt  }
0x6f: {  	_ =	shalt  }
0x70: {  	_ =	shalt  }
0x71: {  	_ =	shalt  }
0x72: {  	_ =	shalt  }
0x73: {  	_ =	shalt  }
0x74: {  	_ =	shalt  }
0x75: {  	_ =	shalt  }
0x76: {  	_ =	shalt  }
0x77: {  	_ =	shalt  }
0x78: {  	_ =	shalt  }
0x79: {  	_ =	shalt  }
0x7a: {  	_ =	shalt  }
0x7b: {  	_ =	shalt  }
0x7c: {  	_ =	shalt  }
0x7d: {  	_ =	shalt  }
0x7e: {  	_ =	shalt  }
0x7f: {  	_ =	shalt  }
0x80: {  	_ =	shalt  }
0x81: {  	_ =	shalt  }
0x82: {  	_ =	shalt  }
0x83: {  	_ =	shalt  }
0x84: {  	_ =	shalt  }
0x85: {  	_ =	shalt  }
0x86: {  	_ =	shalt  }
0x87: {  	_ =	shalt  }
.Lfunc_end0:
.L_simem_size_0:
called_computation_lowered:
.L_overlay_start_0:
0x88: {  	s2 =	sld [smem:$0x3FD9]  }
0x89: {  	s3 =	sld [smem:$0x3FFE];
	_ =	sdelay $0x1  }
0x8a: {  	s1 =	srdreg.scid  }
0x8b: {  	s0 =	sand.u32 $0x1, s1  }
0x8c: {  	s16 =	sshll.u32 s0, $0xA;
	s2 =	sadd.s32 s3, s2  }
0x8d: {  	s2 =	sadd.s32 s2, s16  }
0x8e: {  	[smem:$0x3FBF] =	sst s2  }
0x8f: {  	_ = 	snop  }
0x90: {  	(tm) =	ssettm $0x1  }
0x91: {  	s17 =	sld [smem:$0x3FFB];
	_ =	sdelay $0x3  }
0x92: {  	_ =	strace s17  }
0x93: {  	s2 =	sld [smem:$0x3FFC];
	_ =	sdelay $0x3  }
0x94: {  	_ =	strace s2  }
0x95: {  	s2 =	sld [smem:$0x3FFD];
	_ =	sdelay $0x3  }
0x96: {  	_ =	strace s2  }
0x97: {  	_ =	strace $0x8FFFFFFF  }
0x98: {  	s18 =	sld [smem:$0x3FDB];
	_ =	sdelay $0x1  }
0x99: {  	s19 =	simm.s32 $_scs_section_size  }
0x9a: {  	s4 =	simm.s32 $_size__tile_overlayer_lowered;
	s5 =	simm.s32 $_tile_overlayer_lowered  }
0x9b: {  	s22 =	simm.s32 $0x1BFF;
	s21 =	sshll.u32 s5, $0x1;
	s2 =	sadd.s32 s19, s18  }
0x9c: {  	s6 =	simm.s32 $0x0;
	s20 =	sshll.u32 s4, $0x1;
	s4 =	sadd.s32 s21, s2  }
0x9d: {  	[timem:s6], [sflag:s22] =	dma.local [hbm:s4], s20  }
0x9e: {  	_ =	swait.ge [sflag:s22], s20  }
0x9f: {  	s3 =	ssub.s32 $0x0, s20;
	[sflag:s22] =	ssyncset.done $0x0  }
0xa0: {  	[sflag:s22] =	ssyncadd.s32 s3;
	_ =	sdelay $0x1  }
0xa1: {  	s23 =	simm.s32 $0x1B8B  }
0xa2: {  	_ =	swait.ge [sflag:s23], $0x1  }
0xa3: {  	[sflag:s23] =	ssyncset.done $0x0  }
0xa4: {  	s25 =	simm.s32 $0x1B8E;
	s24 =	sld [smem:$0x3FFE];
	[sflag:s23] =	ssyncadd.s32 $0xFFFFFFFF  }
0xa5: {  	s26 =	simm.s32 $execute0_lowered;
	[smem:$0x3FD2] =	sst s25  }
0xa6: {  	s4 =	sshll.u32 s26, $0x1;
	_ =	strace $0x80000046;
	[dreg:$0x1] =	wrdreg $0xFFFFFFFF  }
0xa7: {  	s28 =	simm.s32 $_size_execute0_lowered;
	s2 =	sadd.s32 s2, s4;
	[dreg:$0x0] =	wrdreg $0x0  }
0xa8: {  	s4 =	sshll.u32 s28, $0x1;
	[dreg:$0x2] =	wrdreg s2  }
0xa9: {  	[dreg:$0x3] =	wrdreg s4  }
0xaa: {  	[dreg:$0x4] =	wrdreg $0xC0  }
0xab: {  	_ =	task [dreg:s6], $0x5FFFF  }
0xac: {  	[dreg:$0x1] =	wrdreg $0xFFFFFFFF  }
0xad: {  	[dreg:$0x0] =	wrdreg $0x60  }
0xae: {  	[dreg:$0x2] =	wrdreg s24  }
0xaf: {  	[dreg:$0x3] =	wrdreg $0x0  }
0xb0: {  	[dreg:$0x4] =	wrdreg $0x140000  }
0xb1: {  	[dreg:$0x5] =	wrdreg $0x9  }
0xb2: {  	_ =	task.clear_ibuf [dreg:s6], $0x6FFFF;
	_ =	strace $0x90000046  }
0xb3: {  	s29 =	simm.s32 $0x9;
	_ =	strace $0x80000048  }
0xb4: {  	_ =	swait.ge [sflag:s29], $0x1  }
0xb5: {  	[sflag:s29] =	ssyncadd.s32 $0xFFFFFFFF  }
0xb6: {  	_ =	strace $0x90000048  }
0xb7: {  	_ =	sfence  }
0xb8: {  	s30 =	sld [smem:$0x0];
	_ =	sdelay $0x2  }
0xb9: {  	s31 =	sshll.u32 s1, $0xD;
	s1 =	sshrl.u32 s1, $0x2  }
0xba: {  	s3 =	sand.u32 $0x4000, s31;
	s1 =	sadd.s32 s1, s30  }
0xbb: {  	s0 =	sor.u32 s3, s0;
	s1 =	sshll.u32 s1, $0x11  }
0xbc: {  	s0 =	sor.u32 s1, s0  }
0xbd: {  	s0 =	sadd.s32 $0x8F2B, s0  }
0xbe: {  	[sflag:s0] =	ssyncadd.remote.s32 $0x1  }
0xbf: {  	_ =	sfence.sel $0xFFFF  }
0xc0: {  	[dreg:$0x0] =	wrdreg $0xFFFFFFFF;
	(pc) =	sbr.abs _section_cstart, $3  }
0xc1: {  	[dreg:$0x1] =	wrdreg $0xFFFFFFFF  }
0xc2: {  	_ =	task.clear_ibuf [dreg:s6], $0x2FFFF;
	_ =	strace $0x9FFFFFFF  }
0xc3: {  	(tm) =	ssettm $0x7FFFFFFF  }
tec
execute0_lowered:
.L_overlay_start_1:
0x0: {  	(tag) =	ssettag $0x1  }
0x1: {  	s0 =	rddreg [dreg:$0x0]  }
0x2: {  	s1 =	rddreg [dreg:$0x1]  }
0x3: {  	s15 =	rddreg [dreg:$0x2];
	s3 =	simm.s32 $0x0;
	s2 =	srdreg.scid  }
0x4: {  	s11 =	stileid.u32;
	s28 =	simm.s32 $0x1;
	s29 =	simm.s32 $0x1FF80  }
0x5: {  	s30 =	simm.s32 $0x3;
	s31 =	simm.s32 $0x19400;
	[smem:$0x7FF] =	sst s3  }
0x6: {  	s2 =	sand.u32 $0x1, s2;
	s4 =	smul.u32 $0x14000, s11;
	s5 =	sadd.s32 $0xE00, s0  }
0x7: {  	s6 =	sadd.s32 $0x28000, s0;
	s16 =	sadd.s32 $0x28600, s0;
	s8 =	sadd.s32 $0x28C00, s0  }
0x8: {  	s9 =	sadd.s32 $0xCCC00, s0;
	s17 =	sadd.s32 $0x170C00, s0;
	s18 =	smul.u32 $0x50000, s11  }
0x9: {  	s14 =	smul.u32 $0x140000, s2;
	_ =	strace $0x80000047;
	[dreg:$0x4] =	wrdreg s6  }
0xa: {  	s19 =	smul.u32 $0x500, s2;
	s7 =	sshll.u32 s2, $0x4;
	s2 =	ssub.s32 $0x2, s2  }
0xb: {  	p0 =	sne.s32 s11, $0x0;
	[dreg:$0x5] =	wrdreg s16;
	s10 =	sshrl.u32 s2, $0x1  }
0xc: {  	[dreg:$0x6] =	wrdreg s17;
	s7 =	sor.u32 s11, s7;
	s2 =	ssub.s32 s2, s10  }
0xd: {  	s3 =	sadd.s32 s4, s14;
	s4 =	sshrl.u32 s18, $0x2;
	s17 =	smax.u32 s2, $0x1  }
0xe: {  	s11 =	simm.s32 $0x8;
	s16 =	sadd.s32 s4, s1;
	[dreg:$0x13] =	wrdreg s17  }
0xf: {  	s20 =	smul.u32 $0x29000, s7;
	s22 =	sadd.s32 $0x2000, s16;
	[dreg:$0x7] =	wrdreg s16  }
0x10: {  	s3 =	sshrl.u32 s3, $0x3;
	s23 =	sadd.s32 $0x4000, s16;
	[dreg:$0x8] =	wrdreg s22  }
0x11: {  	s4 =	simm.s32 $0x7;
	s24 =	sadd.s32 $0x6000, s16;
	[dreg:$0x9] =	wrdreg s23  }
0x12: {  	s2 =	simm.s32 $0x2;
	s13 =	sor.u32 $0x800, s20;
	[dreg:$0xa] =	wrdreg s24  }
0x13: {  	s3 =	sadd.s32 s3, s0;
	s14 =	sor.u32 $0xC00, s20;
	[dreg:$0xf] =	wrdreg s13  }
0x14: {  	s0 =	sadd.s32 s19, s0;
	s18 =	sadd.s32 $0x8000, s16;
	[dreg:$0x10] =	wrdreg s14  }
0x15: {  	s25 =	sshrl.u32 s20, $0x3;
	s19 =	sadd.s32 $0xA000, s16;
	[dreg:$0x14] =	wrdreg s18  }
0x16: {  	s21 =	sadd.s32 $0x1000, s20;
	s26 =	sadd.s32 s8, s25;
	[dreg:$0x15] =	wrdreg s19  }
0x17: {  	s17 =	simm.s32 $0x0;
	s10 =	sadd.s32 s9, s25;
	[dreg:$0xb] =	wrdreg s26  }
0x18: {  	s6 =	sor.u32 $0x80, s25;
	s3 =	sadd.s32 $0x170E00, s3;
	[dreg:$0xc] =	wrdreg s10  }
0x19: {  	s22 =	sadd.s32 $0x1400, s20;
	s0 =	sadd.s32 $0x1C0E00, s0;
	[dreg:$0x11] =	wrdreg s3  }
0x1a: {  	s20 =	sadd.s32 $0xC000, s16;
	s23 =	sadd.s32 $0xE000, s16;
	[dreg:$0x12] =	wrdreg s0  }
0x1b: {  	s24 =	sadd.s32 $0x10000, s16;
	s25 =	sadd.s32 $0x12000, s16;
	[dreg:$0x16] =	wrdreg s20  }
0x1c: {  	s19 =	simm.s32 $0x9;
	s18 =	simm.s32 $0x40;
	[dreg:$0x17] =	wrdreg s23  }
0x1d: {  	s13 =	simm.s32 $0x6;
	s12 =	sadd.s32 s8, s6;
	[dreg:$0x18] =	wrdreg s24  }
0x1e: {  	s6 =	sadd.s32 s9, s6;
	[dreg:$0x19] =	wrdreg s25;
	s26 =	sadd.s32 $0x2000, s15  }
0x1f: {  	s10 =	simm.s32 $0x16A80;
	s23 =	simm.s32 $0x19700;
	[dreg:$0xd] =	wrdreg s12  }
0x20: {  	v0 =	vlaneseq.u32;
	s24 =	simm.s32 $0x19380;
	s25 =	simm.s32 $0x19580;
	[dreg:$0xe] =	wrdreg s6  }
0x21: {  	v1 =	vimm.f32 $0.0e+00;
	v2 =	vor.u32 $0x10, v0;
	s0 =	simm.s32 $0x19600;
	s3 =	simm.s32 $0x4;
	[dreg:$0x1a] =	wrdreg s26  }
0x22: {  	v3 =	vor.u32 $0x20, v0;
	v4 =	vor.u32 $0x30, v0;
	v5 =	vor.u32 $0x40, v0;
	s6 =	simm.s32 $0x14280;
	s12 =	simm.s32 $0x1BF80;
	s26 =	simm.s32 $0x1DF80  }
.LBB2_1:
0x23: {  	[dreg:$0x1b] =	wrdreg s17  }
0x24: {  	s7 =	simm.s32 $0x0;
	s14 =	rddreg [dreg:$0x4]  }
0x25: {  	[tilespmem:s6], [sflag:$0x9] =	stream.linear.gather [hbm4b:s14+s7], $0x2800, $0x38;
	v63 =	vld [tilespmem:$0x0]  }
0x26: {  	_ =	swait.ge [sflag:s19], $0x2800  }
0x27: {  	[sflag:s19] =	ssyncset.done $0x0  }
0x28: {  	s20 =	rddreg [dreg:$0x5];
	[sflag:s19] =	ssyncadd.s32 $0xFFFFD800  }
0x29: {  	[tilespmem:s10], [sflag:$0x9] =	stream.linear.gather [hbm4b:s20+s7], $0x2800, $0x38;
	v63 =	vld [tilespmem:$0x0]  }
0x2a: {  	_ =	swait.ge [sflag:s19], $0x2800  }
0x2b: {  	[sflag:s19] =	ssyncset.done $0x0  }
0x2c: {  	s20 =	simm.s32 $0x19680;
	s17 =	rddreg [dreg:$0x6];
	[sflag:s19] =	ssyncadd.s32 $0xFFFFD800  }
0x2d: {  	[tilespmem:s20], [sflag:$0x9] =	stream.linear.gather [hbm4b:s17+s7], $0x80, $0x38;
	v63 =	vld [tilespmem:$0x0]  }
0x2e: {  	_ =	swait.ge [sflag:s19], $0x80  }
0x2f: {  	[sflag:s19] =	ssyncset.done $0x0  }
0x30: {  	s14 =	simm.s32 $0x200;
	s7 =	simm.s32 $0x0;
	[sflag:s19] =	ssyncadd.s32 $0xFFFFFF80  }
.LBB2_2:
0x31: {  	p1 =	sne.s32 s14, $0x7E00;
	[tilespmem:s7+$0x1BFF0] =	vst v1  }
0x32: {  	[tilespmem:s7+$0x1BF80] =	vst v1  }
0x33: {  	[tilespmem:s7+$0x1BF90] =	vst v1  }
.Ltmp0:
0x34: {  	[tilespmem:s7+$0x1BFA0] =	vst v1;
	(pc) =	sbr.rel @p1 .LBB2_2-.Ltmp0, $4  }
0x35: {  	[tilespmem:s7+$0x1BFB0] =	vst v1  }
0x36: {  	[tilespmem:s7+$0x1BFC0] =	vst v1  }
0x37: {  	[tilespmem:s7+$0x1BFD0] =	vst v1  }
0x38: {  	[tilespmem:s7+$0x1BFE0] =	vst v1;
	s7 =	sshra.s32 s14, $0x2;
	s14 =	sadd.s32 $0x200, s14  }
0x39: {  	[tilespmem:s7+$0x1BFF0] =	vst v1  }
0x3a: {  	[tilespmem:s7+$0x1BF80] =	vst v1  }
0x3b: {  	[tilespmem:s7+$0x1BF90] =	vst v1  }
0x3c: {  	[tilespmem:s7+$0x1BFA0] =	vst v1  }
0x3d: {  	[tilespmem:s7+$0x1BFB0] =	vst v1  }
0x3e: {  	[tilespmem:s7+$0x1BFC0] =	vst v1  }
0x3f: {  	[tilespmem:s7+$0x1BFD0] =	vst v1  }
0x40: {  	[tilespmem:s7+$0x1BFE0] =	vst v1;
	s7 =	simm.s32 $0x0;
	s14 =	simm.s32 $0x200  }
.LBB2_4:
0x41: {  	p1 =	sne.s32 s14, $0x9E00;
	[tilespmem:s7+$0x19770] =	vst v1  }
0x42: {  	[tilespmem:s7+$0x19700] =	vst v1  }
0x43: {  	[tilespmem:s7+$0x19710] =	vst v1  }
.Ltmp1:
0x44: {  	[tilespmem:s7+$0x19720] =	vst v1;
	(pc) =	sbr.rel @p1 .LBB2_4-.Ltmp1, $4  }
0x45: {  	[tilespmem:s7+$0x19730] =	vst v1  }
0x46: {  	[tilespmem:s7+$0x19740] =	vst v1  }
0x47: {  	[tilespmem:s7+$0x19750] =	vst v1  }
0x48: {  	[tilespmem:s7+$0x19760] =	vst v1;
	s7 =	sshra.s32 s14, $0x2;
	s14 =	sadd.s32 $0x200, s14  }
0x49: {  	[tilespmem:s7+$0x19770] =	vst v1  }
0x4a: {  	[tilespmem:s7+$0x19700] =	vst v1  }
0x4b: {  	[tilespmem:s7+$0x19710] =	vst v1  }
0x4c: {  	[tilespmem:s7+$0x19720] =	vst v1  }
0x4d: {  	[tilespmem:s7+$0x19730] =	vst v1  }
0x4e: {  	[tilespmem:s7+$0x19740] =	vst v1  }
0x4f: {  	[tilespmem:s7+$0x19750] =	vst v1  }
0x50: {  	[tilespmem:s7+$0x19760] =	vst v1  }
0x51: {  	[tilespmem:$0x1BF00] =	vst v0  }
0x52: {  	[tilespmem:$0x1BF10] =	vst v2  }
0x53: {  	[tilespmem:$0x1BF20] =	vst v3  }
0x54: {  	[tilespmem:$0x1BF30] =	vst v4  }
0x55: {  	[tilespmem:$0x1BF40] =	vst v5  }
0x56: {  	[spmem:s16] =	stream.linear.scatter [tilespmem:s12], [sflag:$0x9], $0x2000, $0x38;
	v63 =	vld [tilespmem:$0x0]  }
0x57: {  	_ =	swait.ge [sflag:s19], $0x2000  }
0x58: {  	[sflag:s19] =	ssyncset.done $0x0  }
0x59: {  	s17 =	rddreg [dreg:$0x8];
	[sflag:s19] =	ssyncadd.s32 $0xFFFFE000  }
0x5a: {  	[spmem:s17] =	stream.linear.scatter [tilespmem:s12], [sflag:$0x9], $0x2000, $0x38;
	v63 =	vld [tilespmem:$0x0]  }
0x5b: {  	_ =	swait.ge [sflag:s19], $0x2000  }
0x5c: {  	[sflag:s19] =	ssyncset.done $0x0  }
0x5d: {  	s20 =	rddreg [dreg:$0x9];
	[sflag:s19] =	ssyncadd.s32 $0xFFFFE000  }
0x5e: {  	[spmem:s20] =	stream.linear.scatter [tilespmem:s12], [sflag:$0x9], $0x2000, $0x38;
	v63 =	vld [tilespmem:$0x0]  }
0x5f: {  	_ =	swait.ge [sflag:s19], $0x2000  }
0x60: {  	[sflag:s19] =	ssyncset.done $0x0  }
0x61: {  	s14 =	rddreg [dreg:$0xa];
	[sflag:s19] =	ssyncadd.s32 $0xFFFFE000  }
0x62: {  	[spmem:s14] =	stream.linear.scatter [tilespmem:s12], [sflag:$0x9], $0x2000, $0x38;
	v63 =	vld [tilespmem:$0x0]  }
0x63: {  	_ =	swait.ge [sflag:s19], $0x2000  }
0x64: {  	[sflag:s19] =	ssyncset.done $0x0  }
0x65: {  	s16 =	rddreg [dreg:$0x14];
	[sflag:s19] =	ssyncadd.s32 $0xFFFFE000  }
0x66: {  	[spmem:s16] =	stream.linear.scatter [tilespmem:s12], [sflag:$0x9], $0x2000, $0x38;
	v63 =	vld [tilespmem:$0x0]  }
0x67: {  	_ =	swait.ge [sflag:s19], $0x2000  }
0x68: {  	[sflag:s19] =	ssyncset.done $0x0  }
0x69: {  	s17 =	rddreg [dreg:$0x15];
	[sflag:s19] =	ssyncadd.s32 $0xFFFFE000  }
0x6a: {  	[spmem:s17] =	stream.linear.scatter [tilespmem:s12], [sflag:$0x9], $0x2000, $0x38;
	v63 =	vld [tilespmem:$0x0]  }
0x6b: {  	_ =	swait.ge [sflag:s19], $0x2000  }
0x6c: {  	[sflag:s19] =	ssyncset.done $0x0  }
0x6d: {  	s20 =	rddreg [dreg:$0x16];
	[sflag:s19] =	ssyncadd.s32 $0xFFFFE000  }
0x6e: {  	[spmem:s20] =	stream.linear.scatter [tilespmem:s12], [sflag:$0x9], $0x2000, $0x38;
	v63 =	vld [tilespmem:$0x0]  }
0x6f: {  	_ =	swait.ge [sflag:s19], $0x2000  }
0x70: {  	[sflag:s19] =	ssyncset.done $0x0  }
0x71: {  	s14 =	rddreg [dreg:$0x17];
	[sflag:s19] =	ssyncadd.s32 $0xFFFFE000  }
0x72: {  	[spmem:s14] =	stream.linear.scatter [tilespmem:s12], [sflag:$0x9], $0x2000, $0x38;
	v63 =	vld [tilespmem:$0x0]  }
0x73: {  	_ =	swait.ge [sflag:s19], $0x2000  }
0x74: {  	[sflag:s19] =	ssyncset.done $0x0  }
0x75: {  	s16 =	rddreg [dreg:$0x18];
	[sflag:s19] =	ssyncadd.s32 $0xFFFFE000  }
0x76: {  	[spmem:s16] =	stream.linear.scatter [tilespmem:s12], [sflag:$0x9], $0x2000, $0x38;
	v63 =	vld [tilespmem:$0x0]  }
0x77: {  	_ =	swait.ge [sflag:s19], $0x2000  }
0x78: {  	[sflag:s19] =	ssyncset.done $0x0  }
0x79: {  	s17 =	rddreg [dreg:$0x19];
	[sflag:s19] =	ssyncadd.s32 $0xFFFFE000  }
0x7a: {  	[spmem:s17] =	stream.linear.scatter [tilespmem:s12], [sflag:$0x9], $0x2000, $0x38;
	v63 =	vld [tilespmem:$0x0]  }
0x7b: {  	_ =	swait.ge [sflag:s19], $0x2000  }
0x7c: {  	[sflag:s19] =	ssyncset.done $0x0  }
0x7d: {  	s7 =	simm.s32 @!p0 $0x1BF80;
	s14 =	simm.s32 @!p0 $0x9;
	[sflag:s19] =	ssyncadd.s32 $0xFFFFE000  }
0x7e: {  	[spmem:s15] =	stream.linear.scatter @!p0 [tilespmem:s7], [sflag:$0x9], $0x2000, $0x38;
	v63 =	vld [tilespmem:$0x0]  }
0x7f: {  	_ =	swait.ge @!p0 [sflag:s14], $0x2000  }
0x80: {  	[sflag:s14] =	ssyncset.done @!p0 $0x0  }
0x81: {  	s15 =	rddreg [dreg:$0x1a];
	[sflag:s14] =	ssyncadd.s32 @!p0 $0xFFFFE000  }
0x82: {  	[spmem:s15] =	stream.linear.scatter @!p0 [tilespmem:s7], [sflag:$0x9], $0x800, $0x38;
	v63 =	vld [tilespmem:$0x0]  }
0x83: {  	_ =	swait.ge @!p0 [sflag:s14], $0x800  }
0x84: {  	[sflag:s14] =	ssyncset.done @!p0 $0x0  }
0x85: {  	[sflag:s14] =	ssyncadd.s32 @!p0 $0xFFFFF800  }
0x86: {  	[bflag:$0x0] =	sbarrier.arrive $0xFFFF  }
0x87: {  	s17 =	simm.s32 $0x0;
	s14 =	simm.s32 $0x19280;
	s20 =	rddreg [dreg:$0xb]  }
0x88: {  	v6 =	vld [tilespmem:$0x19680];
	[tilespmem:s14], [sflag:$0x5] =	stream.linear.gather [hbm4b:s20+s17], $0x80, $0x38  }
0x89: {  	s16 =	simm.s32 $0x19480;
	s15 =	rddreg [dreg:$0xc]  }
0x8a: {  	[tilespmem:s16], [sflag:$0x5] =	stream.linear.gather [hbm4b:s15+s17], $0x80, $0x38;
	v63 =	vld [tilespmem:$0x0]  }
0x8b: {  	s19 =	rddreg [dreg:$0xd];
	s20 =	simm.s32 $0x19300  }
0x8c: {  	[tilespmem:s20], [sflag:$0x6] =	stream.linear.gather [hbm4b:s19+s17], $0x80, $0x38;
	v63 =	vld [tilespmem:$0x0]  }
0x8d: {  	s16 =	rddreg [dreg:$0xe];
	s19 =	simm.s32 $0x19500;
	s20 =	simm.s32 $0x5  }
0x8e: {  	[tilespmem:s19], [sflag:$0x6] =	stream.linear.gather [hbm4b:s16+s17], $0x80, $0x38;
	v63 =	vld [tilespmem:$0x0]  }
0x8f: {  	_ =	swait.ge [sflag:s20], $0x80  }
0x90: {  	[sflag:s20] =	ssyncset.done $0x0  }
0x91: {  	[sflag:s20] =	ssyncadd.s32 $0xFFFFFF80  }
0x92: {  	_ =	swait.ge [sflag:s20], $0x80  }
0x93: {  	[sflag:s20] =	ssyncset.done $0x0  }
0x94: {  	[sflag:s20] =	ssyncadd.s32 $0xFFFFFF80  }
0x95: {  	[tilespmem:s12], [sflag:$0x1] =	stream.indirect.gather [hbm4b:s5+s18], $0x80, s14, s18, $0xb8;
	v63 =	vld [tilespmem:$0x0]  }
0x96: {  	s14 =	simm.s32 $0x0  }
.LBB2_6:
0x97: {  	v7 =	vld [tilespmem:$0x19280]  }
0x98: {  	v8 =	vld [tilespmem:$0x19480];
	_ =	sdelay $0x6  }
0x99: {  	v7 =	vld.idx.msk [tilespmem:v7+s6+$0x0], $0xffff  }
0x9a: {  	v9 =	vld.idx.msk [tilespmem:v8+s10+$0x0], $0xffff;
	_ =	sdelay $0x4  }
0x9b: {  	v7 =	vadd.f32 v9, v7;
	_ =	sdelay $0x1  }
0x9c: {  	v9 =	vmul.f32 $2.000000030e-01, v7  }
0x9d: {  	vm0 =	vge.f32 v7, $0.0e+00  }
0x9e: {  	v7 =	vsel vm0, v7, v9  }
0x9f: {  	v7 =	vsub.f32 v7, v6;
	_ =	sdelay $0x1  }
0xa0: {  	v7 =	vmul.f32 $1.442695020e+00, v7;
	_ =	sdelay $0x1  }
0xa1: {  	(erf) = vpow2.f32 v7;
	_ =	sdelay $0x8  }
0xa2: {  	v7 =	vpop (erf)  }
0xa3: {  	[tilespmem:$0x1FF80] =	vst v7  }
0xa4: {  	[tilespmem:v8+s23+$0x0] =	vst.idx.add.f32.msk $0xffff, v7  }
0xa5: {  	v7 =	vld [tilespmem:$0x19290]  }
0xa6: {  	v8 =	vld [tilespmem:$0x19490];
	_ =	sdelay $0x6  }
0xa7: {  	v7 =	vld.idx.msk [tilespmem:v7+s6+$0x0], $0xffff  }
0xa8: {  	v9 =	vld.idx.msk [tilespmem:v8+s10+$0x0], $0xffff;
	_ =	sdelay $0x4  }
0xa9: {  	v7 =	vadd.f32 v9, v7;
	_ =	sdelay $0x1  }
0xaa: {  	v9 =	vmul.f32 $2.000000030e-01, v7  }
0xab: {  	vm13 =	vge.f32 v7, $0.0e+00  }
0xac: {  	v7 =	vsel vm13, v7, v9  }
0xad: {  	v7 =	vsub.f32 v7, v6;
	_ =	sdelay $0x1  }
0xae: {  	v7 =	vmul.f32 $1.442695020e+00, v7;
	_ =	sdelay $0x1  }
0xaf: {  	(erf) = vpow2.f32 v7;
	_ =	sdelay $0x8  }
0xb0: {  	v7 =	vpop (erf)  }
0xb1: {  	[tilespmem:$0x1FF90] =	vst v7  }
0xb2: {  	[tilespmem:v8+s23+$0x0] =	vst.idx.add.f32.msk $0xffff, v7  }
0xb3: {  	v7 =	vld [tilespmem:$0x192A0]  }
0xb4: {  	v8 =	vld [tilespmem:$0x194A0];
	_ =	sdelay $0x6  }
0xb5: {  	v7 =	vld.idx.msk [tilespmem:v7+s6+$0x0], $0xffff  }
0xb6: {  	v9 =	vld.idx.msk [tilespmem:v8+s10+$0x0], $0xffff;
	_ =	sdelay $0x4  }
0xb7: {  	v7 =	vadd.f32 v9, v7;
	_ =	sdelay $0x1  }
0xb8: {  	v9 =	vmul.f32 $2.000000030e-01, v7  }
0xb9: {  	vm14 =	vge.f32 v7, $0.0e+00  }
0xba: {  	v7 =	vsel vm14, v7, v9  }
0xbb: {  	v7 =	vsub.f32 v7, v6;
	_ =	sdelay $0x1  }
0xbc: {  	v7 =	vmul.f32 $1.442695020e+00, v7;
	_ =	sdelay $0x1  }
0xbd: {  	(erf) = vpow2.f32 v7;
	_ =	sdelay $0x8  }
0xbe: {  	v7 =	vpop (erf)  }
0xbf: {  	[tilespmem:$0x1FFA0] =	vst v7  }
0xc0: {  	[tilespmem:v8+s23+$0x0] =	vst.idx.add.f32.msk $0xffff, v7  }
0xc1: {  	v7 =	vld [tilespmem:$0x192B0]  }
0xc2: {  	v8 =	vld [tilespmem:$0x194B0];
	_ =	sdelay $0x6  }
0xc3: {  	v7 =	vld.idx.msk [tilespmem:v7+s6+$0x0], $0xffff  }
0xc4: {  	v9 =	vld.idx.msk [tilespmem:v8+s10+$0x0], $0xffff;
	_ =	sdelay $0x4  }
0xc5: {  	v7 =	vadd.f32 v9, v7;
	_ =	sdelay $0x1  }
0xc6: {  	v9 =	vmul.f32 $2.000000030e-01, v7  }
0xc7: {  	vm15 =	vge.f32 v7, $0.0e+00  }
0xc8: {  	v7 =	vsel vm15, v7, v9  }
0xc9: {  	v7 =	vsub.f32 v7, v6;
	_ =	sdelay $0x1  }
0xca: {  	v7 =	vmul.f32 $1.442695020e+00, v7;
	_ =	sdelay $0x1  }
0xcb: {  	(erf) = vpow2.f32 v7;
	_ =	sdelay $0x8  }
0xcc: {  	v7 =	vpop (erf)  }
0xcd: {  	p1 =	seq.s32 s14, $0x0;
	[tilespmem:$0x1FFB0] =	vst v7  }
0xce: {  	s7 =	simm.s32 @!p1 $0x4;
	[tilespmem:v8+s23+$0x0] =	vst.idx.add.f32.msk $0xffff, v7  }
0xcf: {  	_ =	swait.ge @!p1 [sflag:s7], $0x2000  }
0xd0: {  	s15 =	sshll.u32 s14, $0xC;
	s16 =	rddreg [dreg:$0xf]  }
0xd1: {  	s16 =	sadd.s32 s15, s16  }
0xd2: {  	[sflag:s7] =	ssyncset.done @!p1 $0x0;
	s16 =	sshrl.u32 s16, $0x3  }
0xd3: {  	[sflag:s7] =	ssyncadd.s32 @!p1 $0xFFFFE000;
	s20 =	sadd.s32 s8, s16  }
0xd4: {  	[tilespmem:s24], [sflag:$0x7] =	stream.linear.gather [hbm4b:s20+s17], $0x80, $0x38;
	v63 =	vld [tilespmem:$0x0]  }
0xd5: {  	s19 =	sadd.s32 s9, s16  }
0xd6: {  	[tilespmem:s25], [sflag:$0x7] =	stream.linear.gather [hbm4b:s19+s17], $0x80, $0x38;
	v63 =	vld [tilespmem:$0x0]  }
0xd7: {  	_ =	swait.ge [sflag:s13], $0x80  }
0xd8: {  	[sflag:s13] =	ssyncset.done $0x0  }
0xd9: {  	[sflag:s13] =	ssyncadd.s32 $0xFFFFFF80  }
0xda: {  	_ =	swait.ge [sflag:s13], $0x80  }
0xdb: {  	[sflag:s13] =	ssyncset.done $0x0  }
0xdc: {  	s20 =	simm.s32 $0x19300;
	[sflag:s13] =	ssyncadd.s32 $0xFFFFFF80  }
0xdd: {  	[tilespmem:s26], [sflag:$0x2] =	stream.indirect.gather [hbm4b:s5+s18], $0x80, s20, s18, $0xb8;
	v63 =	vld [tilespmem:$0x0]  }
0xde: {  	_ =	swait.ge [sflag:s28], $0x2000  }
0xdf: {  	v7 =	vmov s17;
	[sflag:s28] =	ssyncset.done $0x0  }
0xe0: {  	s16 =	simm.s32 $0x1BFC0;
	[sflag:s28] =	ssyncadd.s32 $0xFFFFE000  }
0xe1: {  	v11 =	vld [tilespmem:s16+$0x30]  }
0xe2: {  	v14 =	vld [tilespmem:s16+$0x10]  }
0xe3: {  	v12 =	vld [tilespmem:s16+$0xFFFFFFC0]  }
0xe4: {  	v8 =	vld.idx.msk [tilespmem:v7+s29+$0x0], $0xffff  }
0xe5: {  	v16 =	vld [tilespmem:s16+$0xFFFFFFE0]  }
0xe6: {  	v7 =	vld [tilespmem:s16+$0xFFFFFFF0]  }
0xe7: {  	v9 =	vld [tilespmem:s16+$0x20]  }
0xe8: {  	v10 =	vld [tilespmem:s16+$0xFFFFFFD0]  }
0xe9: {  	v15 =	vmul.f32 v11, v8;
	v11 =	vld [tilespmem:s16+$0x0]  }
0xea: {  	v13 =	vmul.f32 v12, v8  }
0xeb: {  	s7 =	simm.s32 $0x1;
	s19 =	simm.s32 $0x1BFC0;
	v12 =	vmul.f32 v16, v8;
	v14 =	vmul.f32 v14, v8  }
.LBB2_7:
0xec: {  	p1 =	sne.s32 s7, $0x3F  }
0xed: {  	v10 =	vmul.f32 v10, v8;
	v9 =	vmul.f32 v9, v8;
	[tilespmem:s16+$0x30] =	vst v15;
	s19 =	sadd.s32 $0x80, s19;
	s20 =	smov.u32 s7;
	s7 =	sadd.s32 $0x1, s7  }
0xee: {  	[tilespmem:s16+$0xFFFFFFC0] =	vst v13;
	v13 =	vmul.f32 v7, v8;
	v8 =	vmul.f32 v11, v8  }
0xef: {  	[tilespmem:s16+$0x10] =	vst v14  }
0xf0: {  	v11 =	vmov s20;
	[tilespmem:s16+$0xFFFFFFE0] =	vst v12  }
0xf1: {  	v7 =	vld [tilespmem:s19+$0xFFFFFFF0];
	[tilespmem:s16+$0xFFFFFFF0] =	vst v13  }
0xf2: {  	v12 =	vld [tilespmem:s19+$0x30];
	[tilespmem:s16+$0x0] =	vst v8  }
0xf3: {  	v14 =	vld [tilespmem:s19+$0x10];
	[tilespmem:s16+$0x20] =	vst v9  }
0xf4: {  	v13 =	vld [tilespmem:s19+$0xFFFFFFC0];
	[tilespmem:s16+$0xFFFFFFD0] =	vst v10;
	s16 =	smov.u32 s19  }
0xf5: {  	v8 =	vld.idx.msk [tilespmem:v11+s29+$0x0], $0xffff  }
0xf6: {  	v16 =	vld [tilespmem:s19+$0xFFFFFFE0]  }
0xf7: {  	v9 =	vld [tilespmem:s19+$0x20]  }
.Ltmp2:
0xf8: {  	v10 =	vld [tilespmem:s19+$0xFFFFFFD0];
	(pc) =	sbr.rel @p1 .LBB2_7-.Ltmp2, $3  }
0xf9: {  	v11 =	vld [tilespmem:s19+$0x0];
	_ =	sdelay $0x1  }
0xfa: {  	v13 =	vmul.f32 v13, v8;
	v15 =	vmul.f32 v12, v8  }
0xfb: {  	v14 =	vmul.f32 v14, v8;
	v12 =	vmul.f32 v16, v8  }
0xfc: {  	[tilespmem:s16+$0x30] =	vst v15  }
0xfd: {  	[tilespmem:s16+$0xFFFFFFC0] =	vst v13  }
0xfe: {  	v7 =	vmul.f32 v7, v8;
	[tilespmem:s16+$0x10] =	vst v14  }
0xff: {  	v9 =	vmul.f32 v9, v8;
	[tilespmem:s16+$0xFFFFFFE0] =	vst v12  }
0x100: {  	v11 =	vmul.f32 v11, v8;
	[tilespmem:s16+$0xFFFFFFF0] =	vst v7  }
0x101: {  	v7 =	vmul.f32 v10, v8;
	[tilespmem:s16+$0x20] =	vst v9  }
0x102: {  	[tilespmem:s16+$0x0] =	vst v11  }
0x103: {  	s7 =	simm.s32 $0x19480;
	[tilespmem:s16+$0xFFFFFFD0] =	vst v7  }
0x104: {  	[spmem:s1] =	stream.indirect.scatter.add.f32 [tilespmem:s12], [sflag:$0x3], $0x80, s7, s18, $0xb8;
	v63 =	vld [tilespmem:$0x0]  }
0x105: {  	v7 =	vld [tilespmem:$0x19300]  }
0x106: {  	v8 =	vld [tilespmem:$0x19500];
	_ =	sdelay $0x6  }
0x107: {  	v7 =	vld.idx.msk [tilespmem:v7+s6+$0x0], $0xffff  }
0x108: {  	v9 =	vld.idx.msk [tilespmem:v8+s10+$0x0], $0xffff;
	_ =	sdelay $0x4  }
0x109: {  	v7 =	vadd.f32 v9, v7;
	_ =	sdelay $0x1  }
0x10a: {  	v9 =	vmul.f32 $2.000000030e-01, v7  }
0x10b: {  	vm0 =	vge.f32 v7, $0.0e+00  }
0x10c: {  	v7 =	vsel vm0, v7, v9  }
0x10d: {  	v7 =	vsub.f32 v7, v6;
	_ =	sdelay $0x1  }
0x10e: {  	v7 =	vmul.f32 $1.442695020e+00, v7;
	_ =	sdelay $0x1  }
0x10f: {  	(erf) = vpow2.f32 v7;
	_ =	sdelay $0x8  }
0x110: {  	v7 =	vpop (erf)  }
0x111: {  	[tilespmem:$0x1FF80] =	vst v7  }
0x112: {  	[tilespmem:v8+s23+$0x0] =	vst.idx.add.f32.msk $0xffff, v7  }
0x113: {  	v7 =	vld [tilespmem:$0x19310]  }
0x114: {  	v8 =	vld [tilespmem:$0x19510];
	_ =	sdelay $0x6  }
0x115: {  	v7 =	vld.idx.msk [tilespmem:v7+s6+$0x0], $0xffff  }
0x116: {  	v9 =	vld.idx.msk [tilespmem:v8+s10+$0x0], $0xffff;
	_ =	sdelay $0x4  }
0x117: {  	v7 =	vadd.f32 v9, v7;
	_ =	sdelay $0x1  }
0x118: {  	v9 =	vmul.f32 $2.000000030e-01, v7  }
0x119: {  	vm13 =	vge.f32 v7, $0.0e+00  }
0x11a: {  	v7 =	vsel vm13, v7, v9  }
0x11b: {  	v7 =	vsub.f32 v7, v6;
	_ =	sdelay $0x1  }
0x11c: {  	v7 =	vmul.f32 $1.442695020e+00, v7;
	_ =	sdelay $0x1  }
0x11d: {  	(erf) = vpow2.f32 v7;
	_ =	sdelay $0x8  }
0x11e: {  	v7 =	vpop (erf)  }
0x11f: {  	[tilespmem:$0x1FF90] =	vst v7  }
0x120: {  	[tilespmem:v8+s23+$0x0] =	vst.idx.add.f32.msk $0xffff, v7  }
0x121: {  	v7 =	vld [tilespmem:$0x19320]  }
0x122: {  	v8 =	vld [tilespmem:$0x19520];
	_ =	sdelay $0x6  }
0x123: {  	v7 =	vld.idx.msk [tilespmem:v7+s6+$0x0], $0xffff  }
0x124: {  	v9 =	vld.idx.msk [tilespmem:v8+s10+$0x0], $0xffff;
	_ =	sdelay $0x4  }
0x125: {  	v7 =	vadd.f32 v9, v7;
	_ =	sdelay $0x1  }
0x126: {  	v9 =	vmul.f32 $2.000000030e-01, v7  }
0x127: {  	vm14 =	vge.f32 v7, $0.0e+00  }
0x128: {  	v7 =	vsel vm14, v7, v9  }
0x129: {  	v7 =	vsub.f32 v7, v6;
	_ =	sdelay $0x1  }
0x12a: {  	v7 =	vmul.f32 $1.442695020e+00, v7;
	_ =	sdelay $0x1  }
0x12b: {  	(erf) = vpow2.f32 v7;
	_ =	sdelay $0x8  }
0x12c: {  	v7 =	vpop (erf)  }
0x12d: {  	[tilespmem:$0x1FFA0] =	vst v7  }
0x12e: {  	[tilespmem:v8+s23+$0x0] =	vst.idx.add.f32.msk $0xffff, v7  }
0x12f: {  	v7 =	vld [tilespmem:$0x19330]  }
0x130: {  	v8 =	vld [tilespmem:$0x19530];
	_ =	sdelay $0x6  }
0x131: {  	v7 =	vld.idx.msk [tilespmem:v7+s6+$0x0], $0xffff  }
0x132: {  	v9 =	vld.idx.msk [tilespmem:v8+s10+$0x0], $0xffff;
	_ =	sdelay $0x4  }
0x133: {  	v7 =	vadd.f32 v9, v7;
	_ =	sdelay $0x1  }
0x134: {  	v9 =	vmul.f32 $2.000000030e-01, v7  }
0x135: {  	vm15 =	vge.f32 v7, $0.0e+00  }
0x136: {  	v7 =	vsel vm15, v7, v9  }
0x137: {  	v7 =	vsub.f32 v7, v6;
	_ =	sdelay $0x1  }
0x138: {  	v7 =	vmul.f32 $1.442695020e+00, v7;
	_ =	sdelay $0x1  }
0x139: {  	(erf) = vpow2.f32 v7;
	_ =	sdelay $0x8  }
0x13a: {  	v7 =	vpop (erf)  }
0x13b: {  	[tilespmem:$0x1FFB0] =	vst v7  }
0x13c: {  	[tilespmem:v8+s23+$0x0] =	vst.idx.add.f32.msk $0xffff, v7  }
0x13d: {  	_ =	swait.ge [sflag:s30], $0x2000  }
0x13e: {  	s19 =	rddreg [dreg:$0x10]  }
0x13f: {  	s7 =	sadd.s32 s15, s19  }
0x140: {  	[sflag:s30] =	ssyncset.done $0x0;
	s7 =	sshrl.u32 s7, $0x3  }
0x141: {  	[sflag:s30] =	ssyncadd.s32 $0xFFFFE000;
	s19 =	simm.s32 $0x0;
	s20 =	sadd.s32 s8, s7  }
0x142: {  	[tilespmem:s31], [sflag:$0x8] =	stream.linear.gather [hbm4b:s20+s19], $0x80, $0x38;
	v63 =	vld [tilespmem:$0x0]  }
0x143: {  	s7 =	sadd.s32 s9, s7  }
0x144: {  	[tilespmem:s0], [sflag:$0x8] =	stream.linear.gather [hbm4b:s7+s19], $0x80, $0x38;
	v63 =	vld [tilespmem:$0x0]  }
0x145: {  	_ =	swait.ge [sflag:s4], $0x80  }
0x146: {  	[sflag:s4] =	ssyncset.done $0x0  }
0x147: {  	[sflag:s4] =	ssyncadd.s32 $0xFFFFFF80  }
0x148: {  	_ =	swait.ge [sflag:s4], $0x80  }
0x149: {  	[sflag:s4] =	ssyncset.done $0x0  }
0x14a: {  	[sflag:s4] =	ssyncadd.s32 $0xFFFFFF80  }
0x14b: {  	[tilespmem:s12], [sflag:$0x1] =	stream.indirect.gather [hbm4b:s5+s18], $0x80, s24, s18, $0xb8;
	v63 =	vld [tilespmem:$0x0]  }
0x14c: {  	v7 =	vmov s19;
	_ =	swait.ge [sflag:s2], $0x2000  }
0x14d: {  	[sflag:s2] =	ssyncset.done $0x0  }
0x14e: {  	s16 =	simm.s32 $0x1DFF0;
	[sflag:s2] =	ssyncadd.s32 $0xFFFFE000  }
0x14f: {  	v11 =	vld [tilespmem:s16+$0x0]  }
0x150: {  	v14 =	vld [tilespmem:s16+$0xFFFFFFE0]  }
0x151: {  	v7 =	vld.idx.msk [tilespmem:v7+s29+$0x0], $0xffff  }
0x152: {  	v12 =	vld [tilespmem:s16+$0xFFFFFF90]  }
0x153: {  	v16 =	vld [tilespmem:s16+$0xFFFFFFB0]  }
0x154: {  	v8 =	vld [tilespmem:s16+$0xFFFFFFF0]  }
0x155: {  	v9 =	vld [tilespmem:s16+$0xFFFFFFC0]  }
0x156: {  	v10 =	vld [tilespmem:s16+$0xFFFFFFA0]  }
0x157: {  	v15 =	vmul.f32 v11, v7;
	v11 =	vld [tilespmem:s16+$0xFFFFFFD0]  }
0x158: {  	v13 =	vmul.f32 v12, v7  }
0x159: {  	s7 =	simm.s32 $0x1;
	s19 =	simm.s32 $0x1DFF0;
	v12 =	vmul.f32 v16, v7;
	v14 =	vmul.f32 v14, v7  }
.LBB2_9:
0x15a: {  	p1 =	sne.s32 s7, $0x3F  }
0x15b: {  	v10 =	vmul.f32 v10, v7;
	v16 =	vmul.f32 v8, v7;
	[tilespmem:s16+$0x0] =	vst v15;
	s19 =	sadd.s32 $0x80, s19;
	s20 =	smov.u32 s7;
	s7 =	sadd.s32 $0x1, s7  }
0x15c: {  	v9 =	vmul.f32 v9, v7;
	[tilespmem:s16+$0xFFFFFF90] =	vst v13;
	v7 =	vmul.f32 v11, v7  }
0x15d: {  	[tilespmem:s16+$0xFFFFFFE0] =	vst v14  }
0x15e: {  	v11 =	vmov s20;
	[tilespmem:s16+$0xFFFFFFB0] =	vst v12  }
0x15f: {  	v8 =	vld [tilespmem:s19+$0xFFFFFFF0];
	[tilespmem:s16+$0xFFFFFFC0] =	vst v9  }
0x160: {  	v12 =	vld [tilespmem:s19+$0x0];
	[tilespmem:s16+$0xFFFFFFD0] =	vst v7  }
0x161: {  	v9 =	vld [tilespmem:s19+$0xFFFFFFC0];
	[tilespmem:s16+$0xFFFFFFF0] =	vst v16  }
0x162: {  	v14 =	vld [tilespmem:s19+$0xFFFFFFE0];
	[tilespmem:s16+$0xFFFFFFA0] =	vst v10;
	s16 =	smov.u32 s19  }
0x163: {  	v7 =	vld.idx.msk [tilespmem:v11+s29+$0x0], $0xffff  }
0x164: {  	v13 =	vld [tilespmem:s19+$0xFFFFFF90]  }
0x165: {  	v16 =	vld [tilespmem:s19+$0xFFFFFFB0]  }
.Ltmp3:
0x166: {  	v10 =	vld [tilespmem:s19+$0xFFFFFFA0];
	(pc) =	sbr.rel @p1 .LBB2_9-.Ltmp3, $3  }
0x167: {  	v11 =	vld [tilespmem:s19+$0xFFFFFFD0];
	_ =	sdelay $0x1  }
0x168: {  	v15 =	vmul.f32 v12, v7;
	v13 =	vmul.f32 v13, v7  }
0x169: {  	v14 =	vmul.f32 v14, v7;
	v12 =	vmul.f32 v16, v7  }
0x16a: {  	[tilespmem:s16+$0x0] =	vst v15  }
0x16b: {  	[tilespmem:s16+$0xFFFFFF90] =	vst v13  }
0x16c: {  	v9 =	vmul.f32 v9, v7;
	[tilespmem:s16+$0xFFFFFFE0] =	vst v14  }
0x16d: {  	v8 =	vmul.f32 v8, v7;
	[tilespmem:s16+$0xFFFFFFB0] =	vst v12  }
0x16e: {  	v11 =	vmul.f32 v11, v7;
	[tilespmem:s16+$0xFFFFFFC0] =	vst v9  }
0x16f: {  	v7 =	vmul.f32 v10, v7;
	[tilespmem:s16+$0xFFFFFFF0] =	vst v8  }
0x170: {  	[tilespmem:s16+$0xFFFFFFD0] =	vst v11  }
0x171: {  	s7 =	simm.s32 $0x19500;
	[tilespmem:s16+$0xFFFFFFA0] =	vst v7  }
0x172: {  	[spmem:s1] =	stream.indirect.scatter.add.f32 [tilespmem:s26], [sflag:$0x4], $0x80, s7, s18, $0xb8;
	v63 =	vld [tilespmem:$0x0]  }
0x173: {  	v7 =	vld [tilespmem:$0x19380]  }
0x174: {  	v8 =	vld [tilespmem:$0x19580];
	_ =	sdelay $0x6  }
0x175: {  	v7 =	vld.idx.msk [tilespmem:v7+s6+$0x0], $0xffff  }
0x176: {  	v9 =	vld.idx.msk [tilespmem:v8+s10+$0x0], $0xffff;
	_ =	sdelay $0x4  }
0x177: {  	v7 =	vadd.f32 v9, v7;
	_ =	sdelay $0x1  }
0x178: {  	v9 =	vmul.f32 $2.000000030e-01, v7  }
0x179: {  	vm0 =	vge.f32 v7, $0.0e+00  }
0x17a: {  	v7 =	vsel vm0, v7, v9  }
0x17b: {  	v7 =	vsub.f32 v7, v6;
	_ =	sdelay $0x1  }
0x17c: {  	v7 =	vmul.f32 $1.442695020e+00, v7;
	_ =	sdelay $0x1  }
0x17d: {  	(erf) = vpow2.f32 v7;
	_ =	sdelay $0x8  }
0x17e: {  	v7 =	vpop (erf)  }
0x17f: {  	[tilespmem:$0x1FF80] =	vst v7  }
0x180: {  	[tilespmem:v8+s23+$0x0] =	vst.idx.add.f32.msk $0xffff, v7  }
0x181: {  	v7 =	vld [tilespmem:$0x19390]  }
0x182: {  	v8 =	vld [tilespmem:$0x19590];
	_ =	sdelay $0x6  }
0x183: {  	v7 =	vld.idx.msk [tilespmem:v7+s6+$0x0], $0xffff  }
0x184: {  	v9 =	vld.idx.msk [tilespmem:v8+s10+$0x0], $0xffff;
	_ =	sdelay $0x4  }
0x185: {  	v7 =	vadd.f32 v9, v7;
	_ =	sdelay $0x1  }
0x186: {  	v9 =	vmul.f32 $2.000000030e-01, v7  }
0x187: {  	vm13 =	vge.f32 v7, $0.0e+00  }
0x188: {  	v7 =	vsel vm13, v7, v9  }
0x189: {  	v7 =	vsub.f32 v7, v6;
	_ =	sdelay $0x1  }
0x18a: {  	v7 =	vmul.f32 $1.442695020e+00, v7;
	_ =	sdelay $0x1  }
0x18b: {  	(erf) = vpow2.f32 v7;
	_ =	sdelay $0x8  }
0x18c: {  	v7 =	vpop (erf)  }
0x18d: {  	[tilespmem:$0x1FF90] =	vst v7  }
0x18e: {  	[tilespmem:v8+s23+$0x0] =	vst.idx.add.f32.msk $0xffff, v7  }
0x18f: {  	v7 =	vld [tilespmem:$0x193A0]  }
0x190: {  	v8 =	vld [tilespmem:$0x195A0];
	_ =	sdelay $0x6  }
0x191: {  	v7 =	vld.idx.msk [tilespmem:v7+s6+$0x0], $0xffff  }
0x192: {  	v9 =	vld.idx.msk [tilespmem:v8+s10+$0x0], $0xffff;
	_ =	sdelay $0x4  }
0x193: {  	v7 =	vadd.f32 v9, v7;
	_ =	sdelay $0x1  }
0x194: {  	v9 =	vmul.f32 $2.000000030e-01, v7  }
0x195: {  	vm14 =	vge.f32 v7, $0.0e+00  }
0x196: {  	v7 =	vsel vm14, v7, v9  }
0x197: {  	v7 =	vsub.f32 v7, v6;
	_ =	sdelay $0x1  }
0x198: {  	v7 =	vmul.f32 $1.442695020e+00, v7;
	_ =	sdelay $0x1  }
0x199: {  	(erf) = vpow2.f32 v7;
	_ =	sdelay $0x8  }
0x19a: {  	v7 =	vpop (erf)  }
0x19b: {  	[tilespmem:$0x1FFA0] =	vst v7  }
0x19c: {  	[tilespmem:v8+s23+$0x0] =	vst.idx.add.f32.msk $0xffff, v7  }
0x19d: {  	v7 =	vld [tilespmem:$0x193B0]  }
0x19e: {  	v8 =	vld [tilespmem:$0x195B0];
	_ =	sdelay $0x6  }
0x19f: {  	v7 =	vld.idx.msk [tilespmem:v7+s6+$0x0], $0xffff  }
0x1a0: {  	v9 =	vld.idx.msk [tilespmem:v8+s10+$0x0], $0xffff;
	_ =	sdelay $0x4  }
0x1a1: {  	v7 =	vadd.f32 v9, v7;
	_ =	sdelay $0x1  }
0x1a2: {  	v9 =	vmul.f32 $2.000000030e-01, v7  }
0x1a3: {  	vm15 =	vge.f32 v7, $0.0e+00  }
0x1a4: {  	v7 =	vsel vm15, v7, v9  }
0x1a5: {  	v7 =	vsub.f32 v7, v6;
	_ =	sdelay $0x1  }
0x1a6: {  	v7 =	vmul.f32 $1.442695020e+00, v7;
	_ =	sdelay $0x1  }
0x1a7: {  	(erf) = vpow2.f32 v7;
	_ =	sdelay $0x8  }
0x1a8: {  	v7 =	vpop (erf)  }
0x1a9: {  	[tilespmem:$0x1FFB0] =	vst v7  }
0x1aa: {  	p1 =	seq.s32 s14, $0x28;
	[tilespmem:v8+s23+$0x0] =	vst.idx.add.f32.msk $0xffff, v7  }
0x1ab: {  	s7 =	sadd.s32 @!p1 s15, s21;
	_ =	swait.ge [sflag:s3], $0x2000  }
0x1ac: {  	s19 =	simm.s32 @!p1 $0x0;
	s7 =	sshrl.u32 @!p1 s7, $0x3;
	[sflag:s3] =	ssyncset.done $0x0  }
0x1ad: {  	s20 =	simm.s32 @!p1 $0x19280;
	s16 =	sadd.s32 @!p1 s8, s7;
	[sflag:s3] =	ssyncadd.s32 $0xFFFFE000  }
0x1ae: {  	[tilespmem:s20], [sflag:$0x5] =	stream.linear.gather @!p1 [hbm4b:s16+s19], $0x80, $0x38;
	v63 =	vld [tilespmem:$0x0]  }
0x1af: {  	s7 =	sadd.s32 @!p1 s9, s7;
	s16 =	simm.s32 @!p1 $0x19480  }
0x1b0: {  	[tilespmem:s16], [sflag:$0x5] =	stream.linear.gather @!p1 [hbm4b:s7+s19], $0x80, $0x38;
	v63 =	vld [tilespmem:$0x0]  }
0x1b1: {  	_ =	swait.ge [sflag:s11], $0x80  }
0x1b2: {  	[sflag:s11] =	ssyncset.done $0x0  }
0x1b3: {  	[sflag:s11] =	ssyncadd.s32 $0xFFFFFF80  }
0x1b4: {  	_ =	swait.ge [sflag:s11], $0x80  }
0x1b5: {  	[sflag:s11] =	ssyncset.done $0x0  }
0x1b6: {  	[sflag:s11] =	ssyncadd.s32 $0xFFFFFF80  }
0x1b7: {  	[tilespmem:s26], [sflag:$0x2] =	stream.indirect.gather [hbm4b:s5+s18], $0x80, s31, s18, $0xb8;
	v63 =	vld [tilespmem:$0x0]  }
0x1b8: {  	s20 =	simm.s32 $0x0;
	_ =	swait.ge [sflag:s28], $0x2000  }
0x1b9: {  	v7 =	vmov s20;
	[sflag:s28] =	ssyncset.done $0x0  }
0x1ba: {  	s16 =	simm.s32 $0x1BFC0;
	[sflag:s28] =	ssyncadd.s32 $0xFFFFE000  }
0x1bb: {  	v11 =	vld [tilespmem:s16+$0x30]  }
0x1bc: {  	v14 =	vld [tilespmem:s16+$0x10]  }
0x1bd: {  	v12 =	vld [tilespmem:s16+$0xFFFFFFC0]  }
0x1be: {  	v8 =	vld.idx.msk [tilespmem:v7+s29+$0x0], $0xffff  }
0x1bf: {  	v16 =	vld [tilespmem:s16+$0xFFFFFFE0]  }
0x1c0: {  	v7 =	vld [tilespmem:s16+$0xFFFFFFF0]  }
0x1c1: {  	v9 =	vld [tilespmem:s16+$0x20]  }
0x1c2: {  	v10 =	vld [tilespmem:s16+$0xFFFFFFD0]  }
0x1c3: {  	v15 =	vmul.f32 v11, v8;
	v11 =	vld [tilespmem:s16+$0x0]  }
0x1c4: {  	v13 =	vmul.f32 v12, v8  }
0x1c5: {  	s7 =	simm.s32 $0x1;
	s19 =	simm.s32 $0x1BFC0;
	v12 =	vmul.f32 v16, v8;
	v14 =	vmul.f32 v14, v8  }
.LBB2_11:
0x1c6: {  	p2 =	sne.s32 s7, $0x3F  }
0x1c7: {  	v10 =	vmul.f32 v10, v8;
	v9 =	vmul.f32 v9, v8;
	[tilespmem:s16+$0x30] =	vst v15;
	s19 =	sadd.s32 $0x80, s19;
	s20 =	smov.u32 s7;
	s7 =	sadd.s32 $0x1, s7  }
0x1c8: {  	[tilespmem:s16+$0xFFFFFFC0] =	vst v13;
	v13 =	vmul.f32 v7, v8;
	v8 =	vmul.f32 v11, v8  }
0x1c9: {  	[tilespmem:s16+$0x10] =	vst v14  }
0x1ca: {  	v11 =	vmov s20;
	[tilespmem:s16+$0xFFFFFFE0] =	vst v12  }
0x1cb: {  	v7 =	vld [tilespmem:s19+$0xFFFFFFF0];
	[tilespmem:s16+$0xFFFFFFF0] =	vst v13  }
0x1cc: {  	v12 =	vld [tilespmem:s19+$0x30];
	[tilespmem:s16+$0x0] =	vst v8  }
0x1cd: {  	v14 =	vld [tilespmem:s19+$0x10];
	[tilespmem:s16+$0x20] =	vst v9  }
0x1ce: {  	v13 =	vld [tilespmem:s19+$0xFFFFFFC0];
	[tilespmem:s16+$0xFFFFFFD0] =	vst v10;
	s16 =	smov.u32 s19  }
0x1cf: {  	v8 =	vld.idx.msk [tilespmem:v11+s29+$0x0], $0xffff  }
0x1d0: {  	v16 =	vld [tilespmem:s19+$0xFFFFFFE0]  }
0x1d1: {  	v9 =	vld [tilespmem:s19+$0x20]  }
.Ltmp4:
0x1d2: {  	v10 =	vld [tilespmem:s19+$0xFFFFFFD0];
	(pc) =	sbr.rel @p2 .LBB2_11-.Ltmp4, $3  }
0x1d3: {  	v11 =	vld [tilespmem:s19+$0x0];
	_ =	sdelay $0x1  }
0x1d4: {  	v13 =	vmul.f32 v13, v8;
	v15 =	vmul.f32 v12, v8  }
0x1d5: {  	v14 =	vmul.f32 v14, v8;
	v12 =	vmul.f32 v16, v8  }
0x1d6: {  	[tilespmem:s16+$0x30] =	vst v15  }
0x1d7: {  	[tilespmem:s16+$0xFFFFFFC0] =	vst v13  }
0x1d8: {  	v7 =	vmul.f32 v7, v8;
	[tilespmem:s16+$0x10] =	vst v14  }
0x1d9: {  	v9 =	vmul.f32 v9, v8;
	[tilespmem:s16+$0xFFFFFFE0] =	vst v12  }
0x1da: {  	v11 =	vmul.f32 v11, v8;
	[tilespmem:s16+$0xFFFFFFF0] =	vst v7  }
0x1db: {  	v7 =	vmul.f32 v10, v8;
	[tilespmem:s16+$0x20] =	vst v9  }
0x1dc: {  	[tilespmem:s16+$0x0] =	vst v11  }
0x1dd: {  	[tilespmem:s16+$0xFFFFFFD0] =	vst v7  }
0x1de: {  	[spmem:s1] =	stream.indirect.scatter.add.f32 [tilespmem:s12], [sflag:$0x3], $0x80, s25, s18, $0xb8;
	v63 =	vld [tilespmem:$0x0]  }
0x1df: {  	v7 =	vld [tilespmem:$0x19400]  }
0x1e0: {  	v8 =	vld [tilespmem:$0x19600];
	_ =	sdelay $0x6  }
0x1e1: {  	v7 =	vld.idx.msk [tilespmem:v7+s6+$0x0], $0xffff  }
0x1e2: {  	v9 =	vld.idx.msk [tilespmem:v8+s10+$0x0], $0xffff;
	_ =	sdelay $0x4  }
0x1e3: {  	v7 =	vadd.f32 v9, v7;
	_ =	sdelay $0x1  }
0x1e4: {  	v9 =	vmul.f32 $2.000000030e-01, v7  }
0x1e5: {  	vm0 =	vge.f32 v7, $0.0e+00  }
0x1e6: {  	v7 =	vsel vm0, v7, v9  }
0x1e7: {  	v7 =	vsub.f32 v7, v6;
	_ =	sdelay $0x1  }
0x1e8: {  	v7 =	vmul.f32 $1.442695020e+00, v7;
	_ =	sdelay $0x1  }
0x1e9: {  	(erf) = vpow2.f32 v7;
	_ =	sdelay $0x8  }
0x1ea: {  	v7 =	vpop (erf)  }
0x1eb: {  	[tilespmem:$0x1FF80] =	vst v7  }
0x1ec: {  	[tilespmem:v8+s23+$0x0] =	vst.idx.add.f32.msk $0xffff, v7  }
0x1ed: {  	v7 =	vld [tilespmem:$0x19410]  }
0x1ee: {  	v8 =	vld [tilespmem:$0x19610];
	_ =	sdelay $0x6  }
0x1ef: {  	v7 =	vld.idx.msk [tilespmem:v7+s6+$0x0], $0xffff  }
0x1f0: {  	v9 =	vld.idx.msk [tilespmem:v8+s10+$0x0], $0xffff;
	_ =	sdelay $0x4  }
0x1f1: {  	v7 =	vadd.f32 v9, v7;
	_ =	sdelay $0x1  }
0x1f2: {  	v9 =	vmul.f32 $2.000000030e-01, v7  }
0x1f3: {  	vm13 =	vge.f32 v7, $0.0e+00  }
0x1f4: {  	v7 =	vsel vm13, v7, v9  }
0x1f5: {  	v7 =	vsub.f32 v7, v6;
	_ =	sdelay $0x1  }
0x1f6: {  	v7 =	vmul.f32 $1.442695020e+00, v7;
	_ =	sdelay $0x1  }
0x1f7: {  	(erf) = vpow2.f32 v7;
	_ =	sdelay $0x8  }
0x1f8: {  	v7 =	vpop (erf)  }
0x1f9: {  	[tilespmem:$0x1FF90] =	vst v7  }
0x1fa: {  	[tilespmem:v8+s23+$0x0] =	vst.idx.add.f32.msk $0xffff, v7  }
0x1fb: {  	v7 =	vld [tilespmem:$0x19420]  }
0x1fc: {  	v8 =	vld [tilespmem:$0x19620];
	_ =	sdelay $0x6  }
0x1fd: {  	v7 =	vld.idx.msk [tilespmem:v7+s6+$0x0], $0xffff  }
0x1fe: {  	v9 =	vld.idx.msk [tilespmem:v8+s10+$0x0], $0xffff;
	_ =	sdelay $0x4  }
0x1ff: {  	v7 =	vadd.f32 v9, v7;
	_ =	sdelay $0x1  }
0x200: {  	v9 =	vmul.f32 $2.000000030e-01, v7  }
0x201: {  	vm14 =	vge.f32 v7, $0.0e+00  }
0x202: {  	v7 =	vsel vm14, v7, v9  }
0x203: {  	v7 =	vsub.f32 v7, v6;
	_ =	sdelay $0x1  }
0x204: {  	v7 =	vmul.f32 $1.442695020e+00, v7;
	_ =	sdelay $0x1  }
0x205: {  	(erf) = vpow2.f32 v7;
	_ =	sdelay $0x8  }
0x206: {  	v7 =	vpop (erf)  }
0x207: {  	[tilespmem:$0x1FFA0] =	vst v7  }
0x208: {  	[tilespmem:v8+s23+$0x0] =	vst.idx.add.f32.msk $0xffff, v7  }
0x209: {  	v7 =	vld [tilespmem:$0x19430]  }
0x20a: {  	v8 =	vld [tilespmem:$0x19630];
	_ =	sdelay $0x6  }
0x20b: {  	v7 =	vld.idx.msk [tilespmem:v7+s6+$0x0], $0xffff  }
0x20c: {  	v9 =	vld.idx.msk [tilespmem:v8+s10+$0x0], $0xffff;
	_ =	sdelay $0x4  }
0x20d: {  	v7 =	vadd.f32 v9, v7;
	_ =	sdelay $0x1  }
0x20e: {  	v9 =	vmul.f32 $2.000000030e-01, v7  }
0x20f: {  	vm15 =	vge.f32 v7, $0.0e+00  }
0x210: {  	v7 =	vsel vm15, v7, v9  }
0x211: {  	v7 =	vsub.f32 v7, v6;
	_ =	sdelay $0x1  }
0x212: {  	v7 =	vmul.f32 $1.442695020e+00, v7;
	_ =	sdelay $0x1  }
0x213: {  	(erf) = vpow2.f32 v7;
	_ =	sdelay $0x8  }
0x214: {  	v7 =	vpop (erf)  }
0x215: {  	[tilespmem:$0x1FFB0] =	vst v7  }
0x216: {  	[tilespmem:v8+s23+$0x0] =	vst.idx.add.f32.msk $0xffff, v7  }
0x217: {  	s7 =	sadd.s32 @!p1 s15, s22;
	_ =	swait.ge [sflag:s30], $0x2000  }
0x218: {  	s19 =	simm.s32 @!p1 $0x19300;
	s7 =	sshrl.u32 @!p1 s7, $0x3;
	[sflag:s30] =	ssyncset.done $0x0  }
0x219: {  	s15 =	sadd.s32 @!p1 s8, s7;
	s16 =	simm.s32 @!p1 $0x0;
	[sflag:s30] =	ssyncadd.s32 $0xFFFFE000  }
0x21a: {  	[tilespmem:s19], [sflag:$0x6] =	stream.linear.gather @!p1 [hbm4b:s15+s16], $0x80, $0x38;
	v63 =	vld [tilespmem:$0x0]  }
0x21b: {  	s7 =	sadd.s32 @!p1 s9, s7;
	s15 =	simm.s32 @!p1 $0x19500  }
0x21c: {  	[tilespmem:s15], [sflag:$0x6] =	stream.linear.gather @!p1 [hbm4b:s7+s16], $0x80, $0x38;
	v63 =	vld [tilespmem:$0x0]  }
0x21d: {  	s7 =	simm.s32 @!p1 $0x5  }
0x21e: {  	_ =	swait.ge @!p1 [sflag:s7], $0x80  }
0x21f: {  	[sflag:s7] =	ssyncset.done @!p1 $0x0  }
0x220: {  	[sflag:s7] =	ssyncadd.s32 @!p1 $0xFFFFFF80  }
0x221: {  	_ =	swait.ge @!p1 [sflag:s7], $0x80  }
0x222: {  	s20 =	simm.s32 $0x0;
	s15 =	simm.s32 @!p1 $0x19280;
	[sflag:s7] =	ssyncset.done @!p1 $0x0  }
0x223: {  	s16 =	simm.s32 @!p1 $0x1BF80;
	[sflag:s7] =	ssyncadd.s32 @!p1 $0xFFFFFF80;
	s7 =	simm.s32 @!p1 $0x40  }
0x224: {  	[tilespmem:s16], [sflag:$0x1] =	stream.indirect.gather @!p1 [hbm4b:s5+s7], $0x80, s15, s7, $0xb8;
	v63 =	vld [tilespmem:$0x0]  }
0x225: {  	v7 =	vmov s20;
	_ =	swait.ge [sflag:s2], $0x2000  }
0x226: {  	[sflag:s2] =	ssyncset.done $0x0  }
0x227: {  	s15 =	simm.s32 $0x1DFF0;
	[sflag:s2] =	ssyncadd.s32 $0xFFFFE000  }
0x228: {  	v11 =	vld [tilespmem:s15+$0x0]  }
0x229: {  	v14 =	vld [tilespmem:s15+$0xFFFFFFE0]  }
0x22a: {  	v7 =	vld.idx.msk [tilespmem:v7+s29+$0x0], $0xffff  }
0x22b: {  	v12 =	vld [tilespmem:s15+$0xFFFFFF90]  }
0x22c: {  	v16 =	vld [tilespmem:s15+$0xFFFFFFB0]  }
0x22d: {  	v8 =	vld [tilespmem:s15+$0xFFFFFFF0]  }
0x22e: {  	v9 =	vld [tilespmem:s15+$0xFFFFFFC0]  }
0x22f: {  	v10 =	vld [tilespmem:s15+$0xFFFFFFA0]  }
0x230: {  	v15 =	vmul.f32 v11, v7;
	v11 =	vld [tilespmem:s15+$0xFFFFFFD0]  }
0x231: {  	v13 =	vmul.f32 v12, v7  }
0x232: {  	s7 =	simm.s32 $0x1;
	s16 =	simm.s32 $0x1DFF0;
	v12 =	vmul.f32 v16, v7;
	v14 =	vmul.f32 v14, v7  }
.LBB2_13:
0x233: {  	p1 =	sne.s32 s7, $0x3F  }
0x234: {  	v10 =	vmul.f32 v10, v7;
	v16 =	vmul.f32 v8, v7;
	[tilespmem:s15+$0x0] =	vst v15;
	s16 =	sadd.s32 $0x80, s16;
	s19 =	smov.u32 s7;
	s7 =	sadd.s32 $0x1, s7  }
0x235: {  	v9 =	vmul.f32 v9, v7;
	[tilespmem:s15+$0xFFFFFF90] =	vst v13;
	v7 =	vmul.f32 v11, v7  }
0x236: {  	[tilespmem:s15+$0xFFFFFFE0] =	vst v14  }
0x237: {  	v11 =	vmov s19;
	[tilespmem:s15+$0xFFFFFFB0] =	vst v12  }
0x238: {  	v8 =	vld [tilespmem:s16+$0xFFFFFFF0];
	[tilespmem:s15+$0xFFFFFFC0] =	vst v9  }
0x239: {  	v12 =	vld [tilespmem:s16+$0x0];
	[tilespmem:s15+$0xFFFFFFD0] =	vst v7  }
0x23a: {  	v9 =	vld [tilespmem:s16+$0xFFFFFFC0];
	[tilespmem:s15+$0xFFFFFFF0] =	vst v16  }
0x23b: {  	v14 =	vld [tilespmem:s16+$0xFFFFFFE0];
	[tilespmem:s15+$0xFFFFFFA0] =	vst v10;
	s15 =	smov.u32 s16  }
0x23c: {  	v7 =	vld.idx.msk [tilespmem:v11+s29+$0x0], $0xffff  }
0x23d: {  	v13 =	vld [tilespmem:s16+$0xFFFFFF90]  }
0x23e: {  	v16 =	vld [tilespmem:s16+$0xFFFFFFB0]  }
.Ltmp5:
0x23f: {  	v10 =	vld [tilespmem:s16+$0xFFFFFFA0];
	(pc) =	sbr.rel @p1 .LBB2_13-.Ltmp5, $3  }
0x240: {  	v11 =	vld [tilespmem:s16+$0xFFFFFFD0];
	_ =	sdelay $0x1  }
0x241: {  	v15 =	vmul.f32 v12, v7;
	v13 =	vmul.f32 v13, v7  }
0x242: {  	v14 =	vmul.f32 v14, v7;
	v12 =	vmul.f32 v16, v7  }
0x243: {  	[tilespmem:s15+$0x0] =	vst v15  }
0x244: {  	[tilespmem:s15+$0xFFFFFF90] =	vst v13  }
0x245: {  	v9 =	vmul.f32 v9, v7;
	s14 =	sadd.s32 $0x1, s14;
	[tilespmem:s15+$0xFFFFFFE0] =	vst v14  }
0x246: {  	v8 =	vmul.f32 v8, v7;
	[tilespmem:s15+$0xFFFFFFB0] =	vst v12;
	p1 =	sne.s32 s14, $0x29  }
.Ltmp6:
0x247: {  	v11 =	vmul.f32 v11, v7;
	[tilespmem:s15+$0xFFFFFFC0] =	vst v9;
	(pc) =	sbr.rel @p1 .LBB2_6-.Ltmp6, $4  }
0x248: {  	v7 =	vmul.f32 v10, v7;
	[tilespmem:s15+$0xFFFFFFF0] =	vst v8  }
0x249: {  	[tilespmem:s15+$0xFFFFFFD0] =	vst v11  }
0x24a: {  	[tilespmem:s15+$0xFFFFFFA0] =	vst v7  }
0x24b: {  	[spmem:s1] =	stream.indirect.scatter.add.f32 [tilespmem:s26], [sflag:$0x4], $0x80, s0, s18, $0xb8;
	v63 =	vld [tilespmem:$0x0]  }
0x24c: {  	_ =	swait.ge [sflag:s3], $0x2000  }
0x24d: {  	[sflag:s3] =	ssyncset.done $0x0  }
0x24e: {  	[sflag:s3] =	ssyncadd.s32 $0xFFFFE000  }
0x24f: {  	s7 =	simm.s32 $0x50;
	[bflag:$0x0] =	sbarrier.arrive $0xFFFF  }
0x250: {  	s14 =	simm.s32 $0x1BF00;
	s19 =	simm.s32 $0x9;
	s15 =	rddreg [dreg:$0x2]  }
0x251: {  	[spmem:s15] =	stream.indirect.scatter.add.f32 [tilespmem:s23], [sflag:$0x9], $0x80, s14, s7, $0xb8;
	v63 =	vld [tilespmem:$0x0]  }
0x252: {  	_ =	swait.ge [sflag:s19], $0x2800  }
0x253: {  	[sflag:s19] =	ssyncset.done $0x0  }
0x254: {  	[sflag:s19] =	ssyncadd.s32 $0xFFFFD800  }
0x255: {  	s17 =	stileid.u32;
	[bflag:$0x0] =	sbarrier.arrive $0xFFFF  }
0x256: {  	s7 =	sshll.u32 s17, $0x6;
	s16 =	rddreg [dreg:$0x7]  }
0x257: {  	s7 =	sor.u32 $0x1C09, s7;
	s17 =	rddreg [dreg:$0x11];
	s20 =	sshrl.u32 s16, $0x3  }
0x258: {  	[hbm:s17], [sflag:s7] =	dma.local [spmem:s20], $0x2800  }
0x259: {  	_ =	swait.ge [sflag:s19], $0x2800  }
0x25a: {  	[sflag:s19] =	ssyncset.done $0x0  }
0x25b: {  	s14 =	sshrl.u32 @!p0 s15, $0x3;
	s17 =	rddreg [dreg:$0x12];
	[sflag:s19] =	ssyncadd.s32 $0xFFFFD800  }
0x25c: {  	[hbm:s17], [sflag:s7] =	dma.local @!p0 [spmem:s14], $0x500  }
0x25d: {  	s7 =	simm.s32 @!p0 $0x9  }
0x25e: {  	_ =	swait.ge @!p0 [sflag:s7], $0x500  }
0x25f: {  	s14 =	rddreg [dreg:$0x1b]  }
0x260: {  	s20 =	rddreg [dreg:$0x13];
	s17 =	sadd.s32 $0x1, s14  }
0x261: {  	p1 =	sne.s32 s17, s20  }
.Ltmp7:
0x262: {  	_ = 	snop;
	(pc) =	sbr.rel @p1 .LBB2_1-.Ltmp7, $3  }
0x263: {  	_ =	sdelay $0x1  }
0x264: {  	[sflag:s7] =	ssyncset.done @!p0 $0x0  }
0x265: {  	[sflag:s7] =	ssyncadd.s32 @!p0 $0xFFFFFB00  }
0x266: {  	_ =	sfence.sel $0x180000  }
0x267: {  	[bflag:$0x0] =	sbarrier.arrive $0xFFFF  }
0x268: {  	_ =	strace $0x90000047  }
0x269: {  	[bflag:$0x2] =	sbarrier.arrive $0xFFFF  }
0x26a: {  	s0 =	rddreg [dreg:$0x3]  }
0x26b: {  	s0 =	sadd.s32 @!p0 $0x100000, s0  }
0x26c: {  	[sflag:s0] =	ssyncadd.tile.s32 @!p0 $0x1;
	_ =	shalt  }
.Lfunc_end2:
_tile_overlayer_lowered:
.L_overlay_start_2:
0x26d: {  	(tag) =	ssettag $0x2  }
0x26e: {  	s0 =	rddreg [dreg:$0x0];
	s2 =	stileid.u32  }
0x26f: {  	s1 =	rddreg [dreg:$0x1];
	p0 =	sne.s32 s2, $0x0  }
0x270: {  	s3 =	rddreg [dreg:$0x2];
	[bflag:$0x3] =	sbarrier.arrive $0xFFFF;
	s2 =	simm.s32 @!p0 $0x1C09  }
0x271: {  	[timem:s3], [sflag:s2] =	dma.local @!p0 [hbm:s0], s1  }
0x272: {  	s0 =	simm.s32 @!p0 $0x9  }
0x273: {  	_ =	swait.ge @!p0 [sflag:s0], s1  }
0x274: {  	s1 =	ssub.s32 @!p0 $0x0, s1;
	[sflag:s0] =	ssyncset.done @!p0 $0x0  }
0x275: {  	[sflag:s0] =	ssyncadd.s32 @!p0 s1  }
0x276: {  	[bflag:$0x3] =	sbarrier.arrive $0xFFFF  }
0x277: {  	_ =	shalt  }

</sc_bundles>
